<compile_context>
chip_gen: v7x
topology: tpu7x:2x2x1
jax: 0.10.2.dev20260603
libtpu: 0.0.44.dev20260713+nightly
codegen_flags: <defaults>
</compile_context>

<pallas_src>
import functools

import jax
import jax.numpy as jnp
from jax import lax
from jax.experimental import pallas as pl
from jax.experimental.pallas import tpu as pltpu
from jax.experimental.pallas import tpu_sc as plsc

EPS = 1e-10

B, C, H, W = 32, 384, 32, 32
HW = H * W
N = B * C * HW

_NC, _NS = 2, 16
_NW = _NC * _NS
_ZCHUNK = 16384
_PER_W = N // _NW
_NZ = _PER_W // _ZCHUNK

_mesh = plsc.VectorSubcoreMesh(core_axis_name="c", subcore_axis_name="s")


def _tc_body(x_ref, e_ref, div_ref, ppl_ref, counts_acc, qbar_acc):
    b = pl.program_id(0)
    nb = pl.num_programs(0)
    xb = x_ref[0]
    r = jnp.maximum(xb, 0.0)
    s = jnp.sum(r, axis=0, keepdims=True)
    m = jnp.max(r, axis=0, keepdims=True)
    iota = lax.broadcasted_iota(jnp.int32, (C, HW), 0)
    idx = jnp.min(jnp.where(r == m, iota, C), axis=0, keepdims=True)
    onehot = (iota == idx).astype(jnp.float32)
    e_ref[0] = idx

    @pl.when(b == 0)
    def _init():
        counts_acc[...] = jnp.zeros_like(counts_acc)
        qbar_acc[...] = jnp.zeros_like(qbar_acc)

    counts_acc[...] += onehot
    qbar_acc[...] += r * (1.0 / (s + EPS))

    @pl.when(b == nb - 1)
    def _fini():
        total = nb * HW
        p = jnp.sum(counts_acc[...], axis=1, keepdims=True) / total
        ent = jnp.sum(p * jnp.log(p + 1e-10), axis=0, keepdims=True)
        ppl_ref[...] = jnp.exp(-ent)
        qbar = jnp.sum(qbar_acc[...], axis=1, keepdims=True) / total
        div_ref[...] = jnp.sum((qbar * C - 1.0) ** 2, axis=0, keepdims=True) / C


def _tc_call(xr):
    return pl.pallas_call(
        _tc_body,
        grid=(B,),
        in_specs=[pl.BlockSpec((1, C, HW), lambda b: (b, 0, 0))],
        out_specs=[
            pl.BlockSpec((1, 1, HW), lambda b: (b, 0, 0)),
            pl.BlockSpec((1, 1), lambda b: (0, 0)),
            pl.BlockSpec((1, 1), lambda b: (0, 0)),
        ],
        out_shape=[
            jax.ShapeDtypeStruct((B, 1, HW), jnp.int32),
            jax.ShapeDtypeStruct((1, 1), jnp.float32),
            jax.ShapeDtypeStruct((1, 1), jnp.float32),
        ],
        scratch_shapes=[
            pltpu.VMEM((C, HW), jnp.float32),
            pltpu.VMEM((C, HW), jnp.float32),
        ],
        compiler_params=pltpu.CompilerParams(
            dimension_semantics=("arbitrary",),
        ),
    )(xr)


@functools.partial(
    pl.kernel,
    out_type=(),
    mesh=_mesh,
    scratch_types=[
        pltpu.VMEM((_ZCHUNK,), jnp.float32),
        pltpu.SemaphoreType.DMA,
    ],
)
def _sc_zero(out_hbm, zbuf, sem):
    wid = lax.axis_index("s") * _NC + lax.axis_index("c")

    def _z(i, carry):
        zbuf[pl.ds(i * 16, 16)] = jnp.zeros((16,), jnp.float32)
        return carry

    lax.fori_loop(0, _ZCHUNK // 16, _z, 0)
    base = wid * _PER_W
    copies = [
        pltpu.async_copy(zbuf, out_hbm.at[pl.ds(base + j * _ZCHUNK, _ZCHUNK)], sem)
        for j in range(_NZ)
    ]
    for cp in copies:
        cp.wait()


@functools.partial(
    pl.kernel,
    out_type=(),
    mesh=_mesh,
    scratch_types=[
        pltpu.VMEM((HW // 128, 128), jnp.int32),
        pltpu.VMEM((128,), jnp.float32),
        pltpu.SemaphoreType.DMA,
    ],
)
def _sc_scatter(e_hbm, buf_ref, idx_v, ones_v, sem):
    wid = lax.axis_index("s") * _NC + lax.axis_index("c")
    pltpu.sync_copy(e_hbm.at[wid], idx_v)
    for t in range(128 // 16):
        ones_v[pl.ds(t * 16, 16)] = jnp.ones((16,), jnp.float32)
    base = wid * C * HW
    lane = lax.iota(jnp.int32, 16)
    for j in range(HW // 128):
        for t in range(128 // 16):
            code = idx_v[j, pl.ds(t * 16, 16)]
            hw = j * 128 + t * 16 + lane
            idx_v[j, pl.ds(t * 16, 16)] = code * HW + (base + hw)
    copies = [
        pltpu.async_copy(ones_v, buf_ref.at[idx_v.at[j]], sem)
        for j in range(HW // 128)
    ]
    for cp in copies:
        cp.wait()


def kernel(x):
    xr = x.reshape(B, C, HW)
    buf_ref = jax.new_ref(lax.empty((N,), jnp.float32))
    _sc_zero(buf_ref)
    e, div, ppl = _tc_call(xr)
    _sc_scatter(e.reshape(B, HW // 128, 128), buf_ref)
    quantize = buf_ref[...].reshape(B, C, H, W)
    return quantize, div[0, 0], e.reshape(B, H, W), ppl[0, 0]

# --- scband reference (transcript-rebuilt; emitter-appended) ---
"""Pipeline reference for scband-aquantize-13340168421723 (READ-ONLY COPY).

The authoritative reference and input builder live on the scoring server;
editing this copy changes nothing except your own understanding.
"""

import jax, jax.numpy as jnp
import numpy as np

DIM = 384
EPS = 1e-10

def setup_inputs(seed: int = 0) -> dict:
    key = jax.random.key(seed)
    x = jax.random.normal(key, (32, DIM, 32, 32), dtype=jnp.float32)
    return {"x": x}

def reference(x):
    x = jax.nn.relu(x)
    x = x / (jnp.sum(x, axis=1, keepdims=True) + EPS)
    embed_ind = jnp.argmax(x, axis=1)  # [B, H, W]
    one_hot = jax.nn.one_hot(embed_ind, DIM, dtype=jnp.float32)  # [B, H, W, C]
    one_hot = jnp.transpose(one_hot, (0, 3, 1, 2))  # [B, C, H, W]
    quantize = x + jax.lax.stop_gradient(one_hot - x)
    diff = jnp.mean((jax.lax.stop_gradient(quantize) - x) ** 2)  # computed (unused) as in torch
    quantize = x + jax.lax.stop_gradient(quantize - x)
    avg_probs = jnp.mean(one_hot, axis=(0, 2, 3))
    perplexity = jnp.exp(-jnp.sum(avg_probs * jnp.log(avg_probs + 1e-10)))
    q_bar = jnp.mean(x, axis=(0, 2, 3))
    diversity = jnp.mean((q_bar * DIM - 1.0) ** 2)
    return (quantize, diversity, embed_ind, perplexity)

if __name__ == "__main__":
    import jax
    _d = setup_inputs()
    print(jax.jit(kernel)(*tuple(_d.values())))

</pallas_src>

<mosaic_0001>
#map = affine_map<(d0, d1) -> (0, 0, 0)>
#map1 = affine_map<(d0, d1) -> (0)>
module attributes {stable_mosaic.version = 14 : i64} {
  func.func @new_body(%arg0: i32, %arg1: i32, %arg2: memref<32x8x128xi32, #tpu.memory_space<hbm>>, %arg3: memref<12582912xf32, #tpu.memory_space<hbm>>, %arg4: memref<12582912xf32, #tpu.memory_space<hbm>>, %arg5: memref<8x128xi32, #tpu.memory_space<vmem>>, %arg6: memref<128xf32, #tpu.memory_space<vmem>>, %arg7: memref<!tpu.dma_semaphore, #tpu.memory_space<semaphore_mem>>) attributes {dimension_semantics = [#tpu.dimension_semantics<core_parallel>, #tpu.dimension_semantics<subcore_parallel>], iteration_bounds = array<i64: 2, 16>, scalar_prefetch = 0 : i64, scratch_operands = 3 : i64, tpu.core_type = #tpu.core_type<sc_vector_subcore>, window_params = [{transform_indices = #map}, {transform_indices = #map1}, {transform_indices = #map1}]} {
    %mul3A = arith.constant 2 : i32
    %mul3A_0 = arith.muli %arg1, %mul3A : i32
    %add3A = arith.addi %mul3A_0, %arg0 : i32
    "tpu.region"() ({
      %run_scoped3A = tpu.sem_alloc : memref<!tpu.dma_semaphore, #tpu.memory_space<semaphore_mem>>
      %dma_start3A_1424 = arith.constant 0 : i32
      %dma_start3A_1425 = arith.constant 0 : i32
      %dma_start3A_1426 = tpu.memref_slice %arg2[%add3A, %dma_start3A_1424, %dma_start3A_1425] : memref<32x8x128xi32, #tpu.memory_space<hbm>> -> memref<1x8x128xi32, #tpu.memory_space<hbm>>
      %dma_start3A_1427 = tpu.memref_squeeze %dma_start3A_1426 : memref<1x8x128xi32, #tpu.memory_space<hbm>> -> memref<8x128xi32, #tpu.memory_space<hbm>>
      %dma_start3A_1428 = arith.constant 0 : i32
      %dma_start3A_1429 = arith.constant 0 : i32
      %dma_start3A_1430 = tpu.memref_slice %arg2[%add3A, %dma_start3A_1428, %dma_start3A_1429] : memref<32x8x128xi32, #tpu.memory_space<hbm>> -> memref<1x8x128xi32, #tpu.memory_space<hbm>>
      %dma_start3A_1431 = tpu.memref_squeeze %dma_start3A_1430 : memref<1x8x128xi32, #tpu.memory_space<hbm>> -> memref<8x128xi32, #tpu.memory_space<hbm>>
      tpu.enqueue_dma source(%dma_start3A_1431 : memref<8x128xi32, #tpu.memory_space<hbm>>) target(%arg5 : memref<8x128xi32, #tpu.memory_space<vmem>>) target_semaphore(%run_scoped3A : memref<!tpu.dma_semaphore, #tpu.memory_space<semaphore_mem>>)
      %dma_wait3A_1432 = arith.constant 0 : i32
      %dma_wait3A_1433 = arith.constant 0 : i32
      %dma_wait3A_1434 = tpu.memref_slice %arg2[%add3A, %dma_wait3A_1432, %dma_wait3A_1433] : memref<32x8x128xi32, #tpu.memory_space<hbm>> -> memref<1x8x128xi32, #tpu.memory_space<hbm>>
      %dma_wait3A_1435 = tpu.memref_squeeze %dma_wait3A_1434 : memref<1x8x128xi32, #tpu.memory_space<hbm>> -> memref<8x128xi32, #tpu.memory_space<hbm>>
      %dma_wait3A_1436 = arith.constant 0 : i32
      %dma_wait3A_1437 = arith.constant 0 : i32
      %dma_wait3A_1438 = tpu.memref_slice %arg2[%add3A, %dma_wait3A_1436, %dma_wait3A_1437] : memref<32x8x128xi32, #tpu.memory_space<hbm>> -> memref<1x8x128xi32, #tpu.memory_space<hbm>>
      %dma_wait3A_1439 = tpu.memref_squeeze %dma_wait3A_1438 : memref<1x8x128xi32, #tpu.memory_space<hbm>> -> memref<8x128xi32, #tpu.memory_space<hbm>>
      tpu.wait_dma2 semaphore(%run_scoped3A : memref<!tpu.dma_semaphore, #tpu.memory_space<semaphore_mem>>) src(%dma_wait3A_1439 : memref<8x128xi32, #tpu.memory_space<hbm>>) dst(%arg5 : memref<8x128xi32, #tpu.memory_space<vmem>>)
      tpu.yield
    }) : () -> ()
    %broadcast_in_dim3A = arith.constant 1.000000e+00 : f32
    %broadcast_in_dim3A_1 = vector.broadcast %broadcast_in_dim3A : f32 to vector<16xf32>
    %swap3A = arith.constant 0 : index
    %swap3A_2 = tpu.vector_load %arg6[%swap3A] {strides = array<i32>} : memref<128xf32, #tpu.memory_space<vmem>>, vector<16xf32>,
    %swap3A_3 = vector.shape_cast %swap3A_2 : vector<16xf32> to vector<16xf32>
    %swap3A_4 = vector.shape_cast %broadcast_in_dim3A_1 : vector<16xf32> to vector<16xf32>
    tpu.vector_store %arg6[%swap3A], %swap3A_4 {strides = array<i32>} : memref<128xf32, #tpu.memory_space<vmem>>, vector<16xf32>,
    %broadcast_in_dim3A_5 = arith.constant 1.000000e+00 : f32
    %broadcast_in_dim3A_6 = vector.broadcast %broadcast_in_dim3A_5 : f32 to vector<16xf32>
    %swap3A_7 = arith.constant 16 : index
    %swap3A_8 = tpu.vector_load %arg6[%swap3A_7] {strides = array<i32>} : memref<128xf32, #tpu.memory_space<vmem>>, vector<16xf32>,
    %swap3A_9 = vector.shape_cast %swap3A_8 : vector<16xf32> to vector<16xf32>
    %swap3A_10 = vector.shape_cast %broadcast_in_dim3A_6 : vector<16xf32> to vector<16xf32>
    tpu.vector_store %arg6[%swap3A_7], %swap3A_10 {strides = array<i32>} : memref<128xf32, #tpu.memory_space<vmem>>, vector<16xf32>,
    %broadcast_in_dim3A_11 = arith.constant 1.000000e+00 : f32
    %broadcast_in_dim3A_12 = vector.broadcast %broadcast_in_dim3A_11 : f32 to vector<16xf32>
    %swap3A_13 = arith.constant 32 : index
    %swap3A_14 = tpu.vector_load %arg6[%swap3A_13] {strides = array<i32>} : memref<128xf32, #tpu.memory_space<vmem>>, vector<16xf32>,
    %swap3A_15 = vector.shape_cast %swap3A_14 : vector<16xf32> to vector<16xf32>
    %swap3A_16 = vector.shape_cast %broadcast_in_dim3A_12 : vector<16xf32> to vector<16xf32>
    tpu.vector_store %arg6[%swap3A_13], %swap3A_16 {strides = array<i32>} : memref<128xf32, #tpu.memory_space<vmem>>, vector<16xf32>,
    %broadcast_in_dim3A_17 = arith.constant 1.000000e+00 : f32
    %broadcast_in_dim3A_18 = vector.broadcast %broadcast_in_dim3A_17 : f32 to vector<16xf32>
    %swap3A_19 = arith.constant 48 : index
    %swap3A_20 = tpu.vector_load %arg6[%swap3A_19] {strides = array<i32>} : memref<128xf32, #tpu.memory_space<vmem>>, vector<16xf32>,
    %swap3A_21 = vector.shape_cast %swap3A_20 : vector<16xf32> to vector<16xf32>
    %swap3A_22 = vector.shape_cast %broadcast_in_dim3A_18 : vector<16xf32> to vector<16xf32>
    tpu.vector_store %arg6[%swap3A_19], %swap3A_22 {strides = array<i32>} : memref<128xf32, #tpu.memory_space<vmem>>, vector<16xf32>,
    %broadcast_in_dim3A_23 = arith.constant 1.000000e+00 : f32
    %broadcast_in_dim3A_24 = vector.broadcast %broadcast_in_dim3A_23 : f32 to vector<16xf32>
    %swap3A_25 = arith.constant 64 : index
    %swap3A_26 = tpu.vector_load %arg6[%swap3A_25] {strides = array<i32>} : memref<128xf32, #tpu.memory_space<vmem>>, vector<16xf32>,
    %swap3A_27 = vector.shape_cast %swap3A_26 : vector<16xf32> to vector<16xf32>
    %swap3A_28 = vector.shape_cast %broadcast_in_dim3A_24 : vector<16xf32> to vector<16xf32>
    tpu.vector_store %arg6[%swap3A_25], %swap3A_28 {strides = array<i32>} : memref<128xf32, #tpu.memory_space<vmem>>, vector<16xf32>,
    %broadcast_in_dim3A_29 = arith.constant 1.000000e+00 : f32
    %broadcast_in_dim3A_30 = vector.broadcast %broadcast_in_dim3A_29 : f32 to vector<16xf32>
    %swap3A_31 = arith.constant 80 : index
    %swap3A_32 = tpu.vector_load %arg6[%swap3A_31] {strides = array<i32>} : memref<128xf32, #tpu.memory_space<vmem>>, vector<16xf32>,
    %swap3A_33 = vector.shape_cast %swap3A_32 : vector<16xf32> to vector<16xf32>
    %swap3A_34 = vector.shape_cast %broadcast_in_dim3A_30 : vector<16xf32> to vector<16xf32>
    tpu.vector_store %arg6[%swap3A_31], %swap3A_34 {strides = array<i32>} : memref<128xf32, #tpu.memory_space<vmem>>, vector<16xf32>,
    %broadcast_in_dim3A_35 = arith.constant 1.000000e+00 : f32
    %broadcast_in_dim3A_36 = vector.broadcast %broadcast_in_dim3A_35 : f32 to vector<16xf32>
    %swap3A_37 = arith.constant 96 : index
    %swap3A_38 = tpu.vector_load %arg6[%swap3A_37] {strides = array<i32>} : memref<128xf32, #tpu.memory_space<vmem>>, vector<16xf32>,
    %swap3A_39 = vector.shape_cast %swap3A_38 : vector<16xf32> to vector<16xf32>
    %swap3A_40 = vector.shape_cast %broadcast_in_dim3A_36 : vector<16xf32> to vector<16xf32>
    tpu.vector_store %arg6[%swap3A_37], %swap3A_40 {strides = array<i32>} : memref<128xf32, #tpu.memory_space<vmem>>, vector<16xf32>,
    %broadcast_in_dim3A_41 = arith.constant 1.000000e+00 : f32
    %broadcast_in_dim3A_42 = vector.broadcast %broadcast_in_dim3A_41 : f32 to vector<16xf32>
    %swap3A_43 = arith.constant 112 : index
    %swap3A_44 = tpu.vector_load %arg6[%swap3A_43] {strides = array<i32>} : memref<128xf32, #tpu.memory_space<vmem>>, vector<16xf32>,
    %swap3A_45 = vector.shape_cast %swap3A_44 : vector<16xf32> to vector<16xf32>
    %swap3A_46 = vector.shape_cast %broadcast_in_dim3A_42 : vector<16xf32> to vector<16xf32>
    tpu.vector_store %arg6[%swap3A_43], %swap3A_46 {strides = array<i32>} : memref<128xf32, #tpu.memory_space<vmem>>, vector<16xf32>,
    %mul3A_47 = arith.constant 384 : i32
    %mul3A_48 = arith.muli %add3A, %mul3A_47 : i32
    %mul3A_49 = arith.constant 1024 : i32
    %mul3A_50 = arith.muli %mul3A_48, %mul3A_49 : i32
    %iota3A = tpu.iota {dimensions = array<i32: 0>} : vector<16xi32>
    %get3A = arith.constant 0 : i32
    %get3A_51 = arith.index_cast %get3A : i32 to index
    %get3A_52 = arith.constant 0 : index
    %get3A_53 = tpu.vector_load %arg5[%get3A_51, %get3A_52] {strides = array<i32>} : memref<8x128xi32, #tpu.memory_space<vmem>>, vector<1x16xi32>,
    %get3A_54 = vector.shape_cast %get3A_53 : vector<1x16xi32> to vector<16xi32>
    %add3A_55 = arith.constant 0 : i32
    %add3A_56 = vector.broadcast %add3A_55 : i32 to vector<16xi32>
    %add3A_57 = arith.addi %add3A_56, %iota3A : vector<16xi32>
    %mul3A_58 = arith.constant 1024 : i32
    %mul3A_59 = vector.broadcast %mul3A_58 : i32 to vector<16xi32>
    %mul3A_60 = arith.muli %get3A_54, %mul3A_59 : vector<16xi32>
    %add3A_61 = vector.broadcast %mul3A_50 : i32 to vector<16xi32>
    %add3A_62 = arith.addi %add3A_61, %add3A_57 : vector<16xi32>
    %add3A_63 = arith.addi %mul3A_60, %add3A_62 : vector<16xi32>
    %swap3A_64 = arith.constant 0 : i32
    %swap3A_65 = arith.index_cast %swap3A_64 : i32 to index
    %swap3A_66 = arith.constant 0 : index
    %swap3A_67 = tpu.vector_load %arg5[%swap3A_65, %swap3A_66] {strides = array<i32>} : memref<8x128xi32, #tpu.memory_space<vmem>>, vector<1x16xi32>,
    %swap3A_68 = vector.shape_cast %swap3A_67 : vector<1x16xi32> to vector<16xi32>
    %swap3A_69 = vector.shape_cast %add3A_63 : vector<16xi32> to vector<1x16xi32>
    tpu.vector_store %arg5[%swap3A_65, %swap3A_66], %swap3A_69 {strides = array<i32>} : memref<8x128xi32, #tpu.memory_space<vmem>>, vector<1x16xi32>,
    %get3A_70 = arith.constant 0 : i32
    %get3A_71 = arith.index_cast %get3A_70 : i32 to index
    %get3A_72 = arith.constant 16 : index
    %get3A_73 = tpu.vector_load %arg5[%get3A_71, %get3A_72] {strides = array<i32>} : memref<8x128xi32, #tpu.memory_space<vmem>>, vector<1x16xi32>,
    %get3A_74 = vector.shape_cast %get3A_73 : vector<1x16xi32> to vector<16xi32>
    %add3A_75 = arith.constant 16 : i32
    %add3A_76 = vector.broadcast %add3A_75 : i32 to vector<16xi32>
    %add3A_77 = arith.addi %add3A_76, %iota3A : vector<16xi32>
    %mul3A_78 = arith.constant 1024 : i32
    %mul3A_79 = vector.broadcast %mul3A_78 : i32 to vector<16xi32>
    %mul3A_80 = arith.muli %get3A_74, %mul3A_79 : vector<16xi32>
    %add3A_81 = vector.broadcast %mul3A_50 : i32 to vector<16xi32>
    %add3A_82 = arith.addi %add3A_81, %add3A_77 : vector<16xi32>
    %add3A_83 = arith.addi %mul3A_80, %add3A_82 : vector<16xi32>
    %swap3A_84 = arith.constant 0 : i32
    %swap3A_85 = arith.index_cast %swap3A_84 : i32 to index
    %swap3A_86 = arith.constant 16 : index
    %swap3A_87 = tpu.vector_load %arg5[%swap3A_85, %swap3A_86] {strides = array<i32>} : memref<8x128xi32, #tpu.memory_space<vmem>>, vector<1x16xi32>,
    %swap3A_88 = vector.shape_cast %swap3A_87 : vector<1x16xi32> to vector<16xi32>
    %swap3A_89 = vector.shape_cast %add3A_83 : vector<16xi32> to vector<1x16xi32>
    tpu.vector_store %arg5[%swap3A_85, %swap3A_86], %swap3A_89 {strides = array<i32>} : memref<8x128xi32, #tpu.memory_space<vmem>>, vector<1x16xi32>,
    %get3A_90 = arith.constant 0 : i32
    %get3A_91 = arith.index_cast %get3A_90 : i32 to index
    %get3A_92 = arith.constant 32 : index
    %get3A_93 = tpu.vector_load %arg5[%get3A_91, %get3A_92] {strides = array<i32>} : memref<8x128xi32, #tpu.memory_space<vmem>>, vector<1x16xi32>,
    %get3A_94 = vector.shape_cast %get3A_93 : vector<1x16xi32> to vector<16xi32>
    %add3A_95 = arith.constant 32 : i32
    %add3A_96 = vector.broadcast %add3A_95 : i32 to vector<16xi32>
    %add3A_97 = arith.addi %add3A_96, %iota3A : vector<16xi32>
    %mul3A_98 = arith.constant 1024 : i32
    %mul3A_99 = vector.broadcast %mul3A_98 : i32 to vector<16xi32>
    %mul3A_100 = arith.muli %get3A_94, %mul3A_99 : vector<16xi32>
    %add3A_101 = vector.broadcast %mul3A_50 : i32 to vector<16xi32>
    %add3A_102 = arith.addi %add3A_101, %add3A_97 : vector<16xi32>
    %add3A_103 = arith.addi %mul3A_100, %add3A_102 : vector<16xi32>
    %swap3A_104 = arith.constant 0 : i32
    %swap3A_105 = arith.index_cast %swap3A_104 : i32 to index
    %swap3A_106 = arith.constant 32 : index
    %swap3A_107 = tpu.vector_load %arg5[%swap3A_105, %swap3A_106] {strides = array<i32>} : memref<8x128xi32, #tpu.memory_space<vmem>>, vector<1x16xi32>,
    %swap3A_108 = vector.shape_cast %swap3A_107 : vector<1x16xi32> to vector<16xi32>
    %swap3A_109 = vector.shape_cast %add3A_103 : vector<16xi32> to vector<1x16xi32>
    tpu.vector_store %arg5[%swap3A_105, %swap3A_106], %swap3A_109 {strides = array<i32>} : memref<8x128xi32, #tpu.memory_space<vmem>>, vector<1x16xi32>,
    %get3A_110 = arith.constant 0 : i32
    %get3A_111 = arith.index_cast %get3A_110 : i32 to index
    %get3A_112 = arith.constant 48 : index
    %get3A_113 = tpu.vector_load %arg5[%get3A_111, %get3A_112] {strides = array<i32>} : memref<8x128xi32, #tpu.memory_space<vmem>>, vector<1x16xi32>,
    %get3A_114 = vector.shape_cast %get3A_113 : vector<1x16xi32> to vector<16xi32>
    %add3A_115 = arith.constant 48 : i32
    %add3A_116 = vector.broadcast %add3A_115 : i32 to vector<16xi32>
    %add3A_117 = arith.addi %add3A_116, %iota3A : vector<16xi32>
    %mul3A_118 = arith.constant 1024 : i32
    %mul3A_119 = vector.broadcast %mul3A_118 : i32 to vector<16xi32>
    %mul3A_120 = arith.muli %get3A_114, %mul3A_119 : vector<16xi32>
    %add3A_121 = vector.broadcast %mul3A_50 : i32 to vector<16xi32>
    %add3A_122 = arith.addi %add3A_121, %add3A_117 : vector<16xi32>
    %add3A_123 = arith.addi %mul3A_120, %add3A_122 : vector<16xi32>
    %swap3A_124 = arith.constant 0 : i32
    %swap3A_125 = arith.index_cast %swap3A_124 : i32 to index
    %swap3A_126 = arith.constant 48 : index
    %swap3A_127 = tpu.vector_load %arg5[%swap3A_125, %swap3A_126] {strides = array<i32>} : memref<8x128xi32, #tpu.memory_space<vmem>>, vector<1x16xi32>,
    %swap3A_128 = vector.shape_cast %swap3A_127 : vector<1x16xi32> to vector<16xi32>
    %swap3A_129 = vector.shape_cast %add3A_123 : vector<16xi32> to vector<1x16xi32>
    tpu.vector_store %arg5[%swap3A_125, %swap3A_126], %swap3A_129 {strides = array<i32>} : memref<8x128xi32, #tpu.memory_space<vmem>>, vector<1x16xi32>,
    %get3A_130 = arith.constant 0 : i32
    %get3A_131 = arith.index_cast %get3A_130 : i32 to index
    %get3A_132 = arith.constant 64 : index
    %get3A_133 = tpu.vector_load %arg5[%get3A_131, %get3A_132] {strides = array<i32>} : memref<8x128xi32, #tpu.memory_space<vmem>>, vector<1x16xi32>,
    %get3A_134 = vector.shape_cast %get3A_133 : vector<1x16xi32> to vector<16xi32>
    %add3A_135 = arith.constant 64 : i32
    %add3A_136 = vector.broadcast %add3A_135 : i32 to vector<16xi32>
    %add3A_137 = arith.addi %add3A_136, %iota3A : vector<16xi32>
    %mul3A_138 = arith.constant 1024 : i32
    %mul3A_139 = vector.broadcast %mul3A_138 : i32 to vector<16xi32>
    %mul3A_140 = arith.muli %get3A_134, %mul3A_139 : vector<16xi32>
    %add3A_141 = vector.broadcast %mul3A_50 : i32 to vector<16xi32>
    %add3A_142 = arith.addi %add3A_141, %add3A_137 : vector<16xi32>
    %add3A_143 = arith.addi %mul3A_140, %add3A_142 : vector<16xi32>
    %swap3A_144 = arith.constant 0 : i32
    %swap3A_145 = arith.index_cast %swap3A_144 : i32 to index
    %swap3A_146 = arith.constant 64 : index
    %swap3A_147 = tpu.vector_load %arg5[%swap3A_145, %swap3A_146] {strides = array<i32>} : memref<8x128xi32, #tpu.memory_space<vmem>>, vector<1x16xi32>,
    %swap3A_148 = vector.shape_cast %swap3A_147 : vector<1x16xi32> to vector<16xi32>
    %swap3A_149 = vector.shape_cast %add3A_143 : vector<16xi32> to vector<1x16xi32>
    tpu.vector_store %arg5[%swap3A_145, %swap3A_146], %swap3A_149 {strides = array<i32>} : memref<8x128xi32, #tpu.memory_space<vmem>>, vector<1x16xi32>,
    %get3A_150 = arith.constant 0 : i32
    %get3A_151 = arith.index_cast %get3A_150 : i32 to index
    %get3A_152 = arith.constant 80 : index
    %get3A_153 = tpu.vector_load %arg5[%get3A_151, %get3A_152] {strides = array<i32>} : memref<8x128xi32, #tpu.memory_space<vmem>>, vector<1x16xi32>,
    %get3A_154 = vector.shape_cast %get3A_153 : vector<1x16xi32> to vector<16xi32>
    %add3A_155 = arith.constant 80 : i32
    %add3A_156 = vector.broadcast %add3A_155 : i32 to vector<16xi32>
    %add3A_157 = arith.addi %add3A_156, %iota3A : vector<16xi32>
    %mul3A_158 = arith.constant 1024 : i32
    %mul3A_159 = vector.broadcast %mul3A_158 : i32 to vector<16xi32>
    %mul3A_160 = arith.muli %get3A_154, %mul3A_159 : vector<16xi32>
    %add3A_161 = vector.broadcast %mul3A_50 : i32 to vector<16xi32>
    %add3A_162 = arith.addi %add3A_161, %add3A_157 : vector<16xi32>
    %add3A_163 = arith.addi %mul3A_160, %add3A_162 : vector<16xi32>
    %swap3A_164 = arith.constant 0 : i32
    %swap3A_165 = arith.index_cast %swap3A_164 : i32 to index
    %swap3A_166 = arith.constant 80 : index
    %swap3A_167 = tpu.vector_load %arg5[%swap3A_165, %swap3A_166] {strides = array<i32>} : memref<8x128xi32, #tpu.memory_space<vmem>>, vector<1x16xi32>,
    %swap3A_168 = vector.shape_cast %swap3A_167 : vector<1x16xi32> to vector<16xi32>
    %swap3A_169 = vector.shape_cast %add3A_163 : vector<16xi32> to vector<1x16xi32>
    tpu.vector_store %arg5[%swap3A_165, %swap3A_166], %swap3A_169 {strides = array<i32>} : memref<8x128xi32, #tpu.memory_space<vmem>>, vector<1x16xi32>,
    %get3A_170 = arith.constant 0 : i32
    %get3A_171 = arith.index_cast %get3A_170 : i32 to index
    %get3A_172 = arith.constant 96 : index
    %get3A_173 = tpu.vector_load %arg5[%get3A_171, %get3A_172] {strides = array<i32>} : memref<8x128xi32, #tpu.memory_space<vmem>>, vector<1x16xi32>,
    %get3A_174 = vector.shape_cast %get3A_173 : vector<1x16xi32> to vector<16xi32>
    %add3A_175 = arith.constant 96 : i32
    %add3A_176 = vector.broadcast %add3A_175 : i32 to vector<16xi32>
    %add3A_177 = arith.addi %add3A_176, %iota3A : vector<16xi32>
    %mul3A_178 = arith.constant 1024 : i32
    %mul3A_179 = vector.broadcast %mul3A_178 : i32 to vector<16xi32>
    %mul3A_180 = arith.muli %get3A_174, %mul3A_179 : vector<16xi32>
    %add3A_181 = vector.broadcast %mul3A_50 : i32 to vector<16xi32>
    %add3A_182 = arith.addi %add3A_181, %add3A_177 : vector<16xi32>
    %add3A_183 = arith.addi %mul3A_180, %add3A_182 : vector<16xi32>
    %swap3A_184 = arith.constant 0 : i32
    %swap3A_185 = arith.index_cast %swap3A_184 : i32 to index
    %swap3A_186 = arith.constant 96 : index
    %swap3A_187 = tpu.vector_load %arg5[%swap3A_185, %swap3A_186] {strides = array<i32>} : memref<8x128xi32, #tpu.memory_space<vmem>>, vector<1x16xi32>,
    %swap3A_188 = vector.shape_cast %swap3A_187 : vector<1x16xi32> to vector<16xi32>
    %swap3A_189 = vector.shape_cast %add3A_183 : vector<16xi32> to vector<1x16xi32>
    tpu.vector_store %arg5[%swap3A_185, %swap3A_186], %swap3A_189 {strides = array<i32>} : memref<8x128xi32, #tpu.memory_space<vmem>>, vector<1x16xi32>,
    %get3A_190 = arith.constant 0 : i32
    %get3A_191 = arith.index_cast %get3A_190 : i32 to index
    %get3A_192 = arith.constant 112 : index
    %get3A_193 = tpu.vector_load %arg5[%get3A_191, %get3A_192] {strides = array<i32>} : memref<8x128xi32, #tpu.memory_space<vmem>>, vector<1x16xi32>,
    %get3A_194 = vector.shape_cast %get3A_193 : vector<1x16xi32> to vector<16xi32>
    %add3A_195 = arith.constant 112 : i32
    %add3A_196 = vector.broadcast %add3A_195 : i32 to vector<16xi32>
    %add3A_197 = arith.addi %add3A_196, %iota3A : vector<16xi32>
    %mul3A_198 = arith.constant 1024 : i32
    %mul3A_199 = vector.broadcast %mul3A_198 : i32 to vector<16xi32>
    %mul3A_200 = arith.muli %get3A_194, %mul3A_199 : vector<16xi32>
    %add3A_201 = vector.broadcast %mul3A_50 : i32 to vector<16xi32>
    %add3A_202 = arith.addi %add3A_201, %add3A_197 : vector<16xi32>
    %add3A_203 = arith.addi %mul3A_200, %add3A_202 : vector<16xi32>
    %swap3A_204 = arith.constant 0 : i32
    %swap3A_205 = arith.index_cast %swap3A_204 : i32 to index
    %swap3A_206 = arith.constant 112 : index
    %swap3A_207 = tpu.vector_load %arg5[%swap3A_205, %swap3A_206] {strides = array<i32>} : memref<8x128xi32, #tpu.memory_space<vmem>>, vector<1x16xi32>,
    %swap3A_208 = vector.shape_cast %swap3A_207 : vector<1x16xi32> to vector<16xi32>
    %swap3A_209 = vector.shape_cast %add3A_203 : vector<16xi32> to vector<1x16xi32>
    tpu.vector_store %arg5[%swap3A_205, %swap3A_206], %swap3A_209 {strides = array<i32>} : memref<8x128xi32, #tpu.memory_space<vmem>>, vector<1x16xi32>,
    %get3A_210 = arith.constant 1 : i32
    %get3A_211 = arith.index_cast %get3A_210 : i32 to index
    %get3A_212 = arith.constant 0 : index
    %get3A_213 = tpu.vector_load %arg5[%get3A_211, %get3A_212] {strides = array<i32>} : memref<8x128xi32, #tpu.memory_space<vmem>>, vector<1x16xi32>,
    %get3A_214 = vector.shape_cast %get3A_213 : vector<1x16xi32> to vector<16xi32>
    %add3A_215 = arith.constant 128 : i32
    %add3A_216 = vector.broadcast %add3A_215 : i32 to vector<16xi32>
    %add3A_217 = arith.addi %add3A_216, %iota3A : vector<16xi32>
    %mul3A_218 = arith.constant 1024 : i32
    %mul3A_219 = vector.broadcast %mul3A_218 : i32 to vector<16xi32>
    %mul3A_220 = arith.muli %get3A_214, %mul3A_219 : vector<16xi32>
    %add3A_221 = vector.broadcast %mul3A_50 : i32 to vector<16xi32>
    %add3A_222 = arith.addi %add3A_221, %add3A_217 : vector<16xi32>
    %add3A_223 = arith.addi %mul3A_220, %add3A_222 : vector<16xi32>
    %swap3A_224 = arith.constant 1 : i32
    %swap3A_225 = arith.index_cast %swap3A_224 : i32 to index
    %swap3A_226 = arith.constant 0 : index
    %swap3A_227 = tpu.vector_load %arg5[%swap3A_225, %swap3A_226] {strides = array<i32>} : memref<8x128xi32, #tpu.memory_space<vmem>>, vector<1x16xi32>,
    %swap3A_228 = vector.shape_cast %swap3A_227 : vector<1x16xi32> to vector<16xi32>
    %swap3A_229 = vector.shape_cast %add3A_223 : vector<16xi32> to vector<1x16xi32>
    tpu.vector_store %arg5[%swap3A_225, %swap3A_226], %swap3A_229 {strides = array<i32>} : memref<8x128xi32, #tpu.memory_space<vmem>>, vector<1x16xi32>,
    %get3A_230 = arith.constant 1 : i32
    %get3A_231 = arith.index_cast %get3A_230 : i32 to index
    %get3A_232 = arith.constant 16 : index
    %get3A_233 = tpu.vector_load %arg5[%get3A_231, %get3A_232] {strides = array<i32>} : memref<8x128xi32, #tpu.memory_space<vmem>>, vector<1x16xi32>,
    %get3A_234 = vector.shape_cast %get3A_233 : vector<1x16xi32> to vector<16xi32>
    %add3A_235 = arith.constant 144 : i32
    %add3A_236 = vector.broadcast %add3A_235 : i32 to vector<16xi32>
    %add3A_237 = arith.addi %add3A_236, %iota3A : vector<16xi32>
    %mul3A_238 = arith.constant 1024 : i32
    %mul3A_239 = vector.broadcast %mul3A_238 : i32 to vector<16xi32>
    %mul3A_240 = arith.muli %get3A_234, %mul3A_239 : vector<16xi32>
    %add3A_241 = vector.broadcast %mul3A_50 : i32 to vector<16xi32>
    %add3A_242 = arith.addi %add3A_241, %add3A_237 : vector<16xi32>
    %add3A_243 = arith.addi %mul3A_240, %add3A_242 : vector<16xi32>
    %swap3A_244 = arith.constant 1 : i32
    %swap3A_245 = arith.index_cast %swap3A_244 : i32 to index
    %swap3A_246 = arith.constant 16 : index
    %swap3A_247 = tpu.vector_load %arg5[%swap3A_245, %swap3A_246] {strides = array<i32>} : memref<8x128xi32, #tpu.memory_space<vmem>>, vector<1x16xi32>,
    %swap3A_248 = vector.shape_cast %swap3A_247 : vector<1x16xi32> to vector<16xi32>
    %swap3A_249 = vector.shape_cast %add3A_243 : vector<16xi32> to vector<1x16xi32>
    tpu.vector_store %arg5[%swap3A_245, %swap3A_246], %swap3A_249 {strides = array<i32>} : memref<8x128xi32, #tpu.memory_space<vmem>>, vector<1x16xi32>,
    %get3A_250 = arith.constant 1 : i32
    %get3A_251 = arith.index_cast %get3A_250 : i32 to index
    %get3A_252 = arith.constant 32 : index
    %get3A_253 = tpu.vector_load %arg5[%get3A_251, %get3A_252] {strides = array<i32>} : memref<8x128xi32, #tpu.memory_space<vmem>>, vector<1x16xi32>,
    %get3A_254 = vector.shape_cast %get3A_253 : vector<1x16xi32> to vector<16xi32>
    %add3A_255 = arith.constant 160 : i32
    %add3A_256 = vector.broadcast %add3A_255 : i32 to vector<16xi32>
    %add3A_257 = arith.addi %add3A_256, %iota3A : vector<16xi32>
    %mul3A_258 = arith.constant 1024 : i32
    %mul3A_259 = vector.broadcast %mul3A_258 : i32 to vector<16xi32>
    %mul3A_260 = arith.muli %get3A_254, %mul3A_259 : vector<16xi32>
    %add3A_261 = vector.broadcast %mul3A_50 : i32 to vector<16xi32>
    %add3A_262 = arith.addi %add3A_261, %add3A_257 : vector<16xi32>
    %add3A_263 = arith.addi %mul3A_260, %add3A_262 : vector<16xi32>
    %swap3A_264 = arith.constant 1 : i32
    %swap3A_265 = arith.index_cast %swap3A_264 : i32 to index
    %swap3A_266 = arith.constant 32 : index
    %swap3A_267 = tpu.vector_load %arg5[%swap3A_265, %swap3A_266] {strides = array<i32>} : memref<8x128xi32, #tpu.memory_space<vmem>>, vector<1x16xi32>,
    %swap3A_268 = vector.shape_cast %swap3A_267 : vector<1x16xi32> to vector<16xi32>
    %swap3A_269 = vector.shape_cast %add3A_263 : vector<16xi32> to vector<1x16xi32>
    tpu.vector_store %arg5[%swap3A_265, %swap3A_266], %swap3A_269 {strides = array<i32>} : memref<8x128xi32, #tpu.memory_space<vmem>>, vector<1x16xi32>,
    %get3A_270 = arith.constant 1 : i32
    %get3A_271 = arith.index_cast %get3A_270 : i32 to index
    %get3A_272 = arith.constant 48 : index
    %get3A_273 = tpu.vector_load %arg5[%get3A_271, %get3A_272] {strides = array<i32>} : memref<8x128xi32, #tpu.memory_space<vmem>>, vector<1x16xi32>,
    %get3A_274 = vector.shape_cast %get3A_273 : vector<1x16xi32> to vector<16xi32>
    %add3A_275 = arith.constant 176 : i32
    %add3A_276 = vector.broadcast %add3A_275 : i32 to vector<16xi32>
    %add3A_277 = arith.addi %add3A_276, %iota3A : vector<16xi32>
    %mul3A_278 = arith.constant 1024 : i32
    %mul3A_279 = vector.broadcast %mul3A_278 : i32 to vector<16xi32>
    %mul3A_280 = arith.muli %get3A_274, %mul3A_279 : vector<16xi32>
    %add3A_281 = vector.broadcast %mul3A_50 : i32 to vector<16xi32>
    %add3A_282 = arith.addi %add3A_281, %add3A_277 : vector<16xi32>
    %add3A_283 = arith.addi %mul3A_280, %add3A_282 : vector<16xi32>
    %swap3A_284 = arith.constant 1 : i32
    %swap3A_285 = arith.index_cast %swap3A_284 : i32 to index
    %swap3A_286 = arith.constant 48 : index
    %swap3A_287 = tpu.vector_load %arg5[%swap3A_285, %swap3A_286] {strides = array<i32>} : memref<8x128xi32, #tpu.memory_space<vmem>>, vector<1x16xi32>,
    %swap3A_288 = vector.shape_cast %swap3A_287 : vector<1x16xi32> to vector<16xi32>
    %swap3A_289 = vector.shape_cast %add3A_283 : vector<16xi32> to vector<1x16xi32>
    tpu.vector_store %arg5[%swap3A_285, %swap3A_286], %swap3A_289 {strides = array<i32>} : memref<8x128xi32, #tpu.memory_space<vmem>>, vector<1x16xi32>,
    %get3A_290 = arith.constant 1 : i32
    %get3A_291 = arith.index_cast %get3A_290 : i32 to index
    %get3A_292 = arith.constant 64 : index
    %get3A_293 = tpu.vector_load %arg5[%get3A_291, %get3A_292] {strides = array<i32>} : memref<8x128xi32, #tpu.memory_space<vmem>>, vector<1x16xi32>,
    %get3A_294 = vector.shape_cast %get3A_293 : vector<1x16xi32> to vector<16xi32>
    %add3A_295 = arith.constant 192 : i32
    %add3A_296 = vector.broadcast %add3A_295 : i32 to vector<16xi32>
    %add3A_297 = arith.addi %add3A_296, %iota3A : vector<16xi32>
    %mul3A_298 = arith.constant 1024 : i32
    %mul3A_299 = vector.broadcast %mul3A_298 : i32 to vector<16xi32>
    %mul3A_300 = arith.muli %get3A_294, %mul3A_299 : vector<16xi32>
    %add3A_301 = vector.broadcast %mul3A_50 : i32 to vector<16xi32>
    %add3A_302 = arith.addi %add3A_301, %add3A_297 : vector<16xi32>
    %add3A_303 = arith.addi %mul3A_300, %add3A_302 : vector<16xi32>
    %swap3A_304 = arith.constant 1 : i32
    %swap3A_305 = arith.index_cast %swap3A_304 : i32 to index
    %swap3A_306 = arith.constant 64 : index
    %swap3A_307 = tpu.vector_load %arg5[%swap3A_305, %swap3A_306] {strides = array<i32>} : memref<8x128xi32, #tpu.memory_space<vmem>>, vector<1x16xi32>,
    %swap3A_308 = vector.shape_cast %swap3A_307 : vector<1x16xi32> to vector<16xi32>
    %swap3A_309 = vector.shape_cast %add3A_303 : vector<16xi32> to vector<1x16xi32>
    tpu.vector_store %arg5[%swap3A_305, %swap3A_306], %swap3A_309 {strides = array<i32>} : memref<8x128xi32, #tpu.memory_space<vmem>>, vector<1x16xi32>,
    %get3A_310 = arith.constant 1 : i32
    %get3A_311 = arith.index_cast %get3A_310 : i32 to index
    %get3A_312 = arith.constant 80 : index
    %get3A_313 = tpu.vector_load %arg5[%get3A_311, %get3A_312] {strides = array<i32>} : memref<8x128xi32, #tpu.memory_space<vmem>>, vector<1x16xi32>,
    %get3A_314 = vector.shape_cast %get3A_313 : vector<1x16xi32> to vector<16xi32>
    %add3A_315 = arith.constant 208 : i32
    %add3A_316 = vector.broadcast %add3A_315 : i32 to vector<16xi32>
    %add3A_317 = arith.addi %add3A_316, %iota3A : vector<16xi32>
    %mul3A_318 = arith.constant 1024 : i32
    %mul3A_319 = vector.broadcast %mul3A_318 : i32 to vector<16xi32>
    %mul3A_320 = arith.muli %get3A_314, %mul3A_319 : vector<16xi32>
    %add3A_321 = vector.broadcast %mul3A_50 : i32 to vector<16xi32>
    %add3A_322 = arith.addi %add3A_321, %add3A_317 : vector<16xi32>
    %add3A_323 = arith.addi %mul3A_320, %add3A_322 : vector<16xi32>
    %swap3A_324 = arith.constant 1 : i32
    %swap3A_325 = arith.index_cast %swap3A_324 : i32 to index
    %swap3A_326 = arith.constant 80 : index
    %swap3A_327 = tpu.vector_load %arg5[%swap3A_325, %swap3A_326] {strides = array<i32>} : memref<8x128xi32, #tpu.memory_space<vmem>>, vector<1x16xi32>,
    %swap3A_328 = vector.shape_cast %swap3A_327 : vector<1x16xi32> to vector<16xi32>
    %swap3A_329 = vector.shape_cast %add3A_323 : vector<16xi32> to vector<1x16xi32>
    tpu.vector_store %arg5[%swap3A_325, %swap3A_326], %swap3A_329 {strides = array<i32>} : memref<8x128xi32, #tpu.memory_space<vmem>>, vector<1x16xi32>,
    %get3A_330 = arith.constant 1 : i32
    %get3A_331 = arith.index_cast %get3A_330 : i32 to index
    %get3A_332 = arith.constant 96 : index
    %get3A_333 = tpu.vector_load %arg5[%get3A_331, %get3A_332] {strides = array<i32>} : memref<8x128xi32, #tpu.memory_space<vmem>>, vector<1x16xi32>,
    %get3A_334 = vector.shape_cast %get3A_333 : vector<1x16xi32> to vector<16xi32>
    %add3A_335 = arith.constant 224 : i32
    %add3A_336 = vector.broadcast %add3A_335 : i32 to vector<16xi32>
    %add3A_337 = arith.addi %add3A_336, %iota3A : vector<16xi32>
    %mul3A_338 = arith.constant 1024 : i32
    %mul3A_339 = vector.broadcast %mul3A_338 : i32 to vector<16xi32>
    %mul3A_340 = arith.muli %get3A_334, %mul3A_339 : vector<16xi32>
    %add3A_341 = vector.broadcast %mul3A_50 : i32 to vector<16xi32>
    %add3A_342 = arith.addi %add3A_341, %add3A_337 : vector<16xi32>
    %add3A_343 = arith.addi %mul3A_340, %add3A_342 : vector<16xi32>
    %swap3A_344 = arith.constant 1 : i32
    %swap3A_345 = arith.index_cast %swap3A_344 : i32 to index
    %swap3A_346 = arith.constant 96 : index
    %swap3A_347 = tpu.vector_load %arg5[%swap3A_345, %swap3A_346] {strides = array<i32>} : memref<8x128xi32, #tpu.memory_space<vmem>>, vector<1x16xi32>,
    %swap3A_348 = vector.shape_cast %swap3A_347 : vector<1x16xi32> to vector<16xi32>
    %swap3A_349 = vector.shape_cast %add3A_343 : vector<16xi32> to vector<1x16xi32>
    tpu.vector_store %arg5[%swap3A_345, %swap3A_346], %swap3A_349 {strides = array<i32>} : memref<8x128xi32, #tpu.memory_space<vmem>>, vector<1x16xi32>,
    %get3A_350 = arith.constant 1 : i32
    %get3A_351 = arith.index_cast %get3A_350 : i32 to index
    %get3A_352 = arith.constant 112 : index
    %get3A_353 = tpu.vector_load %arg5[%get3A_351, %get3A_352] {strides = array<i32>} : memref<8x128xi32, #tpu.memory_space<vmem>>, vector<1x16xi32>,
    %get3A_354 = vector.shape_cast %get3A_353 : vector<1x16xi32> to vector<16xi32>
    %add3A_355 = arith.constant 240 : i32
    %add3A_356 = vector.broadcast %add3A_355 : i32 to vector<16xi32>
    %add3A_357 = arith.addi %add3A_356, %iota3A : vector<16xi32>
    %mul3A_358 = arith.constant 1024 : i32
    %mul3A_359 = vector.broadcast %mul3A_358 : i32 to vector<16xi32>
    %mul3A_360 = arith.muli %get3A_354, %mul3A_359 : vector<16xi32>
    %add3A_361 = vector.broadcast %mul3A_50 : i32 to vector<16xi32>
    %add3A_362 = arith.addi %add3A_361, %add3A_357 : vector<16xi32>
    %add3A_363 = arith.addi %mul3A_360, %add3A_362 : vector<16xi32>
    %swap3A_364 = arith.constant 1 : i32
    %swap3A_365 = arith.index_cast %swap3A_364 : i32 to index
    %swap3A_366 = arith.constant 112 : index
    %swap3A_367 = tpu.vector_load %arg5[%swap3A_365, %swap3A_366] {strides = array<i32>} : memref<8x128xi32, #tpu.memory_space<vmem>>, vector<1x16xi32>,
    %swap3A_368 = vector.shape_cast %swap3A_367 : vector<1x16xi32> to vector<16xi32>
    %swap3A_369 = vector.shape_cast %add3A_363 : vector<16xi32> to vector<1x16xi32>
    tpu.vector_store %arg5[%swap3A_365, %swap3A_366], %swap3A_369 {strides = array<i32>} : memref<8x128xi32, #tpu.memory_space<vmem>>, vector<1x16xi32>,
    %get3A_370 = arith.constant 2 : i32
    %get3A_371 = arith.index_cast %get3A_370 : i32 to index
    %get3A_372 = arith.constant 0 : index
    %get3A_373 = tpu.vector_load %arg5[%get3A_371, %get3A_372] {strides = array<i32>} : memref<8x128xi32, #tpu.memory_space<vmem>>, vector<1x16xi32>,
    %get3A_374 = vector.shape_cast %get3A_373 : vector<1x16xi32> to vector<16xi32>
    %add3A_375 = arith.constant 256 : i32
    %add3A_376 = vector.broadcast %add3A_375 : i32 to vector<16xi32>
    %add3A_377 = arith.addi %add3A_376, %iota3A : vector<16xi32>
    %mul3A_378 = arith.constant 1024 : i32
    %mul3A_379 = vector.broadcast %mul3A_378 : i32 to vector<16xi32>
    %mul3A_380 = arith.muli %get3A_374, %mul3A_379 : vector<16xi32>
    %add3A_381 = vector.broadcast %mul3A_50 : i32 to vector<16xi32>
    %add3A_382 = arith.addi %add3A_381, %add3A_377 : vector<16xi32>
    %add3A_383 = arith.addi %mul3A_380, %add3A_382 : vector<16xi32>
    %swap3A_384 = arith.constant 2 : i32
    %swap3A_385 = arith.index_cast %swap3A_384 : i32 to index
    %swap3A_386 = arith.constant 0 : index
    %swap3A_387 = tpu.vector_load %arg5[%swap3A_385, %swap3A_386] {strides = array<i32>} : memref<8x128xi32, #tpu.memory_space<vmem>>, vector<1x16xi32>,
    %swap3A_388 = vector.shape_cast %swap3A_387 : vector<1x16xi32> to vector<16xi32>
    %swap3A_389 = vector.shape_cast %add3A_383 : vector<16xi32> to vector<1x16xi32>
    tpu.vector_store %arg5[%swap3A_385, %swap3A_386], %swap3A_389 {strides = array<i32>} : memref<8x128xi32, #tpu.memory_space<vmem>>, vector<1x16xi32>,
    %get3A_390 = arith.constant 2 : i32
    %get3A_391 = arith.index_cast %get3A_390 : i32 to index
    %get3A_392 = arith.constant 16 : index
    %get3A_393 = tpu.vector_load %arg5[%get3A_391, %get3A_392] {strides = array<i32>} : memref<8x128xi32, #tpu.memory_space<vmem>>, vector<1x16xi32>,
    %get3A_394 = vector.shape_cast %get3A_393 : vector<1x16xi32> to vector<16xi32>
    %add3A_395 = arith.constant 272 : i32
    %add3A_396 = vector.broadcast %add3A_395 : i32 to vector<16xi32>
    %add3A_397 = arith.addi %add3A_396, %iota3A : vector<16xi32>
    %mul3A_398 = arith.constant 1024 : i32
    %mul3A_399 = vector.broadcast %mul3A_398 : i32 to vector<16xi32>
    %mul3A_400 = arith.muli %get3A_394, %mul3A_399 : vector<16xi32>
    %add3A_401 = vector.broadcast %mul3A_50 : i32 to vector<16xi32>
    %add3A_402 = arith.addi %add3A_401, %add3A_397 : vector<16xi32>
    %add3A_403 = arith.addi %mul3A_400, %add3A_402 : vector<16xi32>
    %swap3A_404 = arith.constant 2 : i32
    %swap3A_405 = arith.index_cast %swap3A_404 : i32 to index
    %swap3A_406 = arith.constant 16 : index
    %swap3A_407 = tpu.vector_load %arg5[%swap3A_405, %swap3A_406] {strides = array<i32>} : memref<8x128xi32, #tpu.memory_space<vmem>>, vector<1x16xi32>,
    %swap3A_408 = vector.shape_cast %swap3A_407 : vector<1x16xi32> to vector<16xi32>
    %swap3A_409 = vector.shape_cast %add3A_403 : vector<16xi32> to vector<1x16xi32>
    tpu.vector_store %arg5[%swap3A_405, %swap3A_406], %swap3A_409 {strides = array<i32>} : memref<8x128xi32, #tpu.memory_space<vmem>>, vector<1x16xi32>,
    %get3A_410 = arith.constant 2 : i32
    %get3A_411 = arith.index_cast %get3A_410 : i32 to index
    %get3A_412 = arith.constant 32 : index
    %get3A_413 = tpu.vector_load %arg5[%get3A_411, %get3A_412] {strides = array<i32>} : memref<8x128xi32, #tpu.memory_space<vmem>>, vector<1x16xi32>,
    %get3A_414 = vector.shape_cast %get3A_413 : vector<1x16xi32> to vector<16xi32>
    %add3A_415 = arith.constant 288 : i32
    %add3A_416 = vector.broadcast %add3A_415 : i32 to vector<16xi32>
    %add3A_417 = arith.addi %add3A_416, %iota3A : vector<16xi32>
    %mul3A_418 = arith.constant 1024 : i32
    %mul3A_419 = vector.broadcast %mul3A_418 : i32 to vector<16xi32>
    %mul3A_420 = arith.muli %get3A_414, %mul3A_419 : vector<16xi32>
    %add3A_421 = vector.broadcast %mul3A_50 : i32 to vector<16xi32>
    %add3A_422 = arith.addi %add3A_421, %add3A_417 : vector<16xi32>
    %add3A_423 = arith.addi %mul3A_420, %add3A_422 : vector<16xi32>
    %swap3A_424 = arith.constant 2 : i32
    %swap3A_425 = arith.index_cast %swap3A_424 : i32 to index
    %swap3A_426 = arith.constant 32 : index
    %swap3A_427 = tpu.vector_load %arg5[%swap3A_425, %swap3A_426] {strides = array<i32>} : memref<8x128xi32, #tpu.memory_space<vmem>>, vector<1x16xi32>,
    %swap3A_428 = vector.shape_cast %swap3A_427 : vector<1x16xi32> to vector<16xi32>
    %swap3A_429 = vector.shape_cast %add3A_423 : vector<16xi32> to vector<1x16xi32>
    tpu.vector_store %arg5[%swap3A_425, %swap3A_426], %swap3A_429 {strides = array<i32>} : memref<8x128xi32, #tpu.memory_space<vmem>>, vector<1x16xi32>,
    %get3A_430 = arith.constant 2 : i32
    %get3A_431 = arith.index_cast %get3A_430 : i32 to index
    %get3A_432 = arith.constant 48 : index
    %get3A_433 = tpu.vector_load %arg5[%get3A_431, %get3A_432] {strides = array<i32>} : memref<8x128xi32, #tpu.memory_space<vmem>>, vector<1x16xi32>,
    %get3A_434 = vector.shape_cast %get3A_433 : vector<1x16xi32> to vector<16xi32>
    %add3A_435 = arith.constant 304 : i32
    %add3A_436 = vector.broadcast %add3A_435 : i32 to vector<16xi32>
    %add3A_437 = arith.addi %add3A_436, %iota3A : vector<16xi32>
    %mul3A_438 = arith.constant 1024 : i32
    %mul3A_439 = vector.broadcast %mul3A_438 : i32 to vector<16xi32>
    %mul3A_440 = arith.muli %get3A_434, %mul3A_439 : vector<16xi32>
    %add3A_441 = vector.broadcast %mul3A_50 : i32 to vector<16xi32>
    %add3A_442 = arith.addi %add3A_441, %add3A_437 : vector<16xi32>
    %add3A_443 = arith.addi %mul3A_440, %add3A_442 : vector<16xi32>
    %swap3A_444 = arith.constant 2 : i32
    %swap3A_445 = arith.index_cast %swap3A_444 : i32 to index
    %swap3A_446 = arith.constant 48 : index
    %swap3A_447 = tpu.vector_load %arg5[%swap3A_445, %swap3A_446] {strides = array<i32>} : memref<8x128xi32, #tpu.memory_space<vmem>>, vector<1x16xi32>,
    %swap3A_448 = vector.shape_cast %swap3A_447 : vector<1x16xi32> to vector<16xi32>
    %swap3A_449 = vector.shape_cast %add3A_443 : vector<16xi32> to vector<1x16xi32>
    tpu.vector_store %arg5[%swap3A_445, %swap3A_446], %swap3A_449 {strides = array<i32>} : memref<8x128xi32, #tpu.memory_space<vmem>>, vector<1x16xi32>,
    %get3A_450 = arith.constant 2 : i32
    %get3A_451 = arith.index_cast %get3A_450 : i32 to index
    %get3A_452 = arith.constant 64 : index
    %get3A_453 = tpu.vector_load %arg5[%get3A_451, %get3A_452] {strides = array<i32>} : memref<8x128xi32, #tpu.memory_space<vmem>>, vector<1x16xi32>,
    %get3A_454 = vector.shape_cast %get3A_453 : vector<1x16xi32> to vector<16xi32>
    %add3A_455 = arith.constant 320 : i32
    %add3A_456 = vector.broadcast %add3A_455 : i32 to vector<16xi32>
    %add3A_457 = arith.addi %add3A_456, %iota3A : vector<16xi32>
    %mul3A_458 = arith.constant 1024 : i32
    %mul3A_459 = vector.broadcast %mul3A_458 : i32 to vector<16xi32>
    %mul3A_460 = arith.muli %get3A_454, %mul3A_459 : vector<16xi32>
    %add3A_461 = vector.broadcast %mul3A_50 : i32 to vector<16xi32>
    %add3A_462 = arith.addi %add3A_461, %add3A_457 : vector<16xi32>
    %add3A_463 = arith.addi %mul3A_460, %add3A_462 : vector<16xi32>
    %swap3A_464 = arith.constant 2 : i32
    %swap3A_465 = arith.index_cast %swap3A_464 : i32 to index
    %swap3A_466 = arith.constant 64 : index
    %swap3A_467 = tpu.vector_load %arg5[%swap3A_465, %swap3A_466] {strides = array<i32>} : memref<8x128xi32, #tpu.memory_space<vmem>>, vector<1x16xi32>,
    %swap3A_468 = vector.shape_cast %swap3A_467 : vector<1x16xi32> to vector<16xi32>
    %swap3A_469 = vector.shape_cast %add3A_463 : vector<16xi32> to vector<1x16xi32>
    tpu.vector_store %arg5[%swap3A_465, %swap3A_466], %swap3A_469 {strides = array<i32>} : memref<8x128xi32, #tpu.memory_space<vmem>>, vector<1x16xi32>,
    %get3A_470 = arith.constant 2 : i32
    %get3A_471 = arith.index_cast %get3A_470 : i32 to index
    %get3A_472 = arith.constant 80 : index
    %get3A_473 = tpu.vector_load %arg5[%get3A_471, %get3A_472] {strides = array<i32>} : memref<8x128xi32, #tpu.memory_space<vmem>>, vector<1x16xi32>,
    %get3A_474 = vector.shape_cast %get3A_473 : vector<1x16xi32> to vector<16xi32>
    %add3A_475 = arith.constant 336 : i32
    %add3A_476 = vector.broadcast %add3A_475 : i32 to vector<16xi32>
    %add3A_477 = arith.addi %add3A_476, %iota3A : vector<16xi32>
    %mul3A_478 = arith.constant 1024 : i32
    %mul3A_479 = vector.broadcast %mul3A_478 : i32 to vector<16xi32>
    %mul3A_480 = arith.muli %get3A_474, %mul3A_479 : vector<16xi32>
    %add3A_481 = vector.broadcast %mul3A_50 : i32 to vector<16xi32>
    %add3A_482 = arith.addi %add3A_481, %add3A_477 : vector<16xi32>
    %add3A_483 = arith.addi %mul3A_480, %add3A_482 : vector<16xi32>
    %swap3A_484 = arith.constant 2 : i32
    %swap3A_485 = arith.index_cast %swap3A_484 : i32 to index
    %swap3A_486 = arith.constant 80 : index
    %swap3A_487 = tpu.vector_load %arg5[%swap3A_485, %swap3A_486] {strides = array<i32>} : memref<8x128xi32, #tpu.memory_space<vmem>>, vector<1x16xi32>,
    %swap3A_488 = vector.shape_cast %swap3A_487 : vector<1x16xi32> to vector<16xi32>
    %swap3A_489 = vector.shape_cast %add3A_483 : vector<16xi32> to vector<1x16xi32>
    tpu.vector_store %arg5[%swap3A_485, %swap3A_486], %swap3A_489 {strides = array<i32>} : memref<8x128xi32, #tpu.memory_space<vmem>>, vector<1x16xi32>,
    %get3A_490 = arith.constant 2 : i32
    %get3A_491 = arith.index_cast %get3A_490 : i32 to index
    %get3A_492 = arith.constant 96 : index
    %get3A_493 = tpu.vector_load %arg5[%get3A_491, %get3A_492] {strides = array<i32>} : memref<8x128xi32, #tpu.memory_space<vmem>>, vector<1x16xi32>,
    %get3A_494 = vector.shape_cast %get3A_493 : vector<1x16xi32> to vector<16xi32>
    %add3A_495 = arith.constant 352 : i32
    %add3A_496 = vector.broadcast %add3A_495 : i32 to vector<16xi32>
    %add3A_497 = arith.addi %add3A_496, %iota3A : vector<16xi32>
    %mul3A_498 = arith.constant 1024 : i32
    %mul3A_499 = vector.broadcast %mul3A_498 : i32 to vector<16xi32>
    %mul3A_500 = arith.muli %get3A_494, %mul3A_499 : vector<16xi32>
    %add3A_501 = vector.broadcast %mul3A_50 : i32 to vector<16xi32>
    %add3A_502 = arith.addi %add3A_501, %add3A_497 : vector<16xi32>
    %add3A_503 = arith.addi %mul3A_500, %add3A_502 : vector<16xi32>
    %swap3A_504 = arith.constant 2 : i32
    %swap3A_505 = arith.index_cast %swap3A_504 : i32 to index
    %swap3A_506 = arith.constant 96 : index
    %swap3A_507 = tpu.vector_load %arg5[%swap3A_505, %swap3A_506] {strides = array<i32>} : memref<8x128xi32, #tpu.memory_space<vmem>>, vector<1x16xi32>,
    %swap3A_508 = vector.shape_cast %swap3A_507 : vector<1x16xi32> to vector<16xi32>
    %swap3A_509 = vector.shape_cast %add3A_503 : vector<16xi32> to vector<1x16xi32>
    tpu.vector_store %arg5[%swap3A_505, %swap3A_506], %swap3A_509 {strides = array<i32>} : memref<8x128xi32, #tpu.memory_space<vmem>>, vector<1x16xi32>,
    %get3A_510 = arith.constant 2 : i32
    %get3A_511 = arith.index_cast %get3A_510 : i32 to index
    %get3A_512 = arith.constant 112 : index
    %get3A_513 = tpu.vector_load %arg5[%get3A_511, %get3A_512] {strides = array<i32>} : memref<8x128xi32, #tpu.memory_space<vmem>>, vector<1x16xi32>,
    %get3A_514 = vector.shape_cast %get3A_513 : vector<1x16xi32> to vector<16xi32>
    %add3A_515 = arith.constant 368 : i32
    %add3A_516 = vector.broadcast %add3A_515 : i32 to vector<16xi32>
    %add3A_517 = arith.addi %add3A_516, %iota3A : vector<16xi32>
    %mul3A_518 = arith.constant 1024 : i32
    %mul3A_519 = vector.broadcast %mul3A_518 : i32 to vector<16xi32>
    %mul3A_520 = arith.muli %get3A_514, %mul3A_519 : vector<16xi32>
    %add3A_521 = vector.broadcast %mul3A_50 : i32 to vector<16xi32>
    %add3A_522 = arith.addi %add3A_521, %add3A_517 : vector<16xi32>
    %add3A_523 = arith.addi %mul3A_520, %add3A_522 : vector<16xi32>
    %swap3A_524 = arith.constant 2 : i32
    %swap3A_525 = arith.index_cast %swap3A_524 : i32 to index
    %swap3A_526 = arith.constant 112 : index
    %swap3A_527 = tpu.vector_load %arg5[%swap3A_525, %swap3A_526] {strides = array<i32>} : memref<8x128xi32, #tpu.memory_space<vmem>>, vector<1x16xi32>,
    %swap3A_528 = vector.shape_cast %swap3A_527 : vector<1x16xi32> to vector<16xi32>
    %swap3A_529 = vector.shape_cast %add3A_523 : vector<16xi32> to vector<1x16xi32>
    tpu.vector_store %arg5[%swap3A_525, %swap3A_526], %swap3A_529 {strides = array<i32>} : memref<8x128xi32, #tpu.memory_space<vmem>>, vector<1x16xi32>,
    %get3A_530 = arith.constant 3 : i32
    %get3A_531 = arith.index_cast %get3A_530 : i32 to index
    %get3A_532 = arith.constant 0 : index
    %get3A_533 = tpu.vector_load %arg5[%get3A_531, %get3A_532] {strides = array<i32>} : memref<8x128xi32, #tpu.memory_space<vmem>>, vector<1x16xi32>,
    %get3A_534 = vector.shape_cast %get3A_533 : vector<1x16xi32> to vector<16xi32>
    %add3A_535 = arith.constant 384 : i32
    %add3A_536 = vector.broadcast %add3A_535 : i32 to vector<16xi32>
    %add3A_537 = arith.addi %add3A_536, %iota3A : vector<16xi32>
    %mul3A_538 = arith.constant 1024 : i32
    %mul3A_539 = vector.broadcast %mul3A_538 : i32 to vector<16xi32>
    %mul3A_540 = arith.muli %get3A_534, %mul3A_539 : vector<16xi32>
    %add3A_541 = vector.broadcast %mul3A_50 : i32 to vector<16xi32>
    %add3A_542 = arith.addi %add3A_541, %add3A_537 : vector<16xi32>
    %add3A_543 = arith.addi %mul3A_540, %add3A_542 : vector<16xi32>
    %swap3A_544 = arith.constant 3 : i32
    %swap3A_545 = arith.index_cast %swap3A_544 : i32 to index
    %swap3A_546 = arith.constant 0 : index
    %swap3A_547 = tpu.vector_load %arg5[%swap3A_545, %swap3A_546] {strides = array<i32>} : memref<8x128xi32, #tpu.memory_space<vmem>>, vector<1x16xi32>,
    %swap3A_548 = vector.shape_cast %swap3A_547 : vector<1x16xi32> to vector<16xi32>
    %swap3A_549 = vector.shape_cast %add3A_543 : vector<16xi32> to vector<1x16xi32>
    tpu.vector_store %arg5[%swap3A_545, %swap3A_546], %swap3A_549 {strides = array<i32>} : memref<8x128xi32, #tpu.memory_space<vmem>>, vector<1x16xi32>,
    %get3A_550 = arith.constant 3 : i32
    %get3A_551 = arith.index_cast %get3A_550 : i32 to index
    %get3A_552 = arith.constant 16 : index
    %get3A_553 = tpu.vector_load %arg5[%get3A_551, %get3A_552] {strides = array<i32>} : memref<8x128xi32, #tpu.memory_space<vmem>>, vector<1x16xi32>,
    %get3A_554 = vector.shape_cast %get3A_553 : vector<1x16xi32> to vector<16xi32>
    %add3A_555 = arith.constant 400 : i32
    %add3A_556 = vector.broadcast %add3A_555 : i32 to vector<16xi32>
    %add3A_557 = arith.addi %add3A_556, %iota3A : vector<16xi32>
    %mul3A_558 = arith.constant 1024 : i32
    %mul3A_559 = vector.broadcast %mul3A_558 : i32 to vector<16xi32>
    %mul3A_560 = arith.muli %get3A_554, %mul3A_559 : vector<16xi32>
    %add3A_561 = vector.broadcast %mul3A_50 : i32 to vector<16xi32>
    %add3A_562 = arith.addi %add3A_561, %add3A_557 : vector<16xi32>
    %add3A_563 = arith.addi %mul3A_560, %add3A_562 : vector<16xi32>
    %swap3A_564 = arith.constant 3 : i32
    %swap3A_565 = arith.index_cast %swap3A_564 : i32 to index
    %swap3A_566 = arith.constant 16 : index
    %swap3A_567 = tpu.vector_load %arg5[%swap3A_565, %swap3A_566] {strides = array<i32>} : memref<8x128xi32, #tpu.memory_space<vmem>>, vector<1x16xi32>,
    %swap3A_568 = vector.shape_cast %swap3A_567 : vector<1x16xi32> to vector<16xi32>
    %swap3A_569 = vector.shape_cast %add3A_563 : vector<16xi32> to vector<1x16xi32>
    tpu.vector_store %arg5[%swap3A_565, %swap3A_566], %swap3A_569 {strides = array<i32>} : memref<8x128xi32, #tpu.memory_space<vmem>>, vector<1x16xi32>,
    %get3A_570 = arith.constant 3 : i32
    %get3A_571 = arith.index_cast %get3A_570 : i32 to index
    %get3A_572 = arith.constant 32 : index
    %get3A_573 = tpu.vector_load %arg5[%get3A_571, %get3A_572] {strides = array<i32>} : memref<8x128xi32, #tpu.memory_space<vmem>>, vector<1x16xi32>,
    %get3A_574 = vector.shape_cast %get3A_573 : vector<1x16xi32> to vector<16xi32>
    %add3A_575 = arith.constant 416 : i32
    %add3A_576 = vector.broadcast %add3A_575 : i32 to vector<16xi32>
    %add3A_577 = arith.addi %add3A_576, %iota3A : vector<16xi32>
    %mul3A_578 = arith.constant 1024 : i32
    %mul3A_579 = vector.broadcast %mul3A_578 : i32 to vector<16xi32>
    %mul3A_580 = arith.muli %get3A_574, %mul3A_579 : vector<16xi32>
    %add3A_581 = vector.broadcast %mul3A_50 : i32 to vector<16xi32>
    %add3A_582 = arith.addi %add3A_581, %add3A_577 : vector<16xi32>
    %add3A_583 = arith.addi %mul3A_580, %add3A_582 : vector<16xi32>
    %swap3A_584 = arith.constant 3 : i32
    %swap3A_585 = arith.index_cast %swap3A_584 : i32 to index
    %swap3A_586 = arith.constant 32 : index
    %swap3A_587 = tpu.vector_load %arg5[%swap3A_585, %swap3A_586] {strides = array<i32>} : memref<8x128xi32, #tpu.memory_space<vmem>>, vector<1x16xi32>,
    %swap3A_588 = vector.shape_cast %swap3A_587 : vector<1x16xi32> to vector<16xi32>
    %swap3A_589 = vector.shape_cast %add3A_583 : vector<16xi32> to vector<1x16xi32>
    tpu.vector_store %arg5[%swap3A_585, %swap3A_586], %swap3A_589 {strides = array<i32>} : memref<8x128xi32, #tpu.memory_space<vmem>>, vector<1x16xi32>,
    %get3A_590 = arith.constant 3 : i32
    %get3A_591 = arith.index_cast %get3A_590 : i32 to index
    %get3A_592 = arith.constant 48 : index
    %get3A_593 = tpu.vector_load %arg5[%get3A_591, %get3A_592] {strides = array<i32>} : memref<8x128xi32, #tpu.memory_space<vmem>>, vector<1x16xi32>,
    %get3A_594 = vector.shape_cast %get3A_593 : vector<1x16xi32> to vector<16xi32>
    %add3A_595 = arith.constant 432 : i32
    %add3A_596 = vector.broadcast %add3A_595 : i32 to vector<16xi32>
    %add3A_597 = arith.addi %add3A_596, %iota3A : vector<16xi32>
    %mul3A_598 = arith.constant 1024 : i32
    %mul3A_599 = vector.broadcast %mul3A_598 : i32 to vector<16xi32>
    %mul3A_600 = arith.muli %get3A_594, %mul3A_599 : vector<16xi32>
    %add3A_601 = vector.broadcast %mul3A_50 : i32 to vector<16xi32>
    %add3A_602 = arith.addi %add3A_601, %add3A_597 : vector<16xi32>
    %add3A_603 = arith.addi %mul3A_600, %add3A_602 : vector<16xi32>
    %swap3A_604 = arith.constant 3 : i32
    %swap3A_605 = arith.index_cast %swap3A_604 : i32 to index
    %swap3A_606 = arith.constant 48 : index
    %swap3A_607 = tpu.vector_load %arg5[%swap3A_605, %swap3A_606] {strides = array<i32>} : memref<8x128xi32, #tpu.memory_space<vmem>>, vector<1x16xi32>,
    %swap3A_608 = vector.shape_cast %swap3A_607 : vector<1x16xi32> to vector<16xi32>
    %swap3A_609 = vector.shape_cast %add3A_603 : vector<16xi32> to vector<1x16xi32>
    tpu.vector_store %arg5[%swap3A_605, %swap3A_606], %swap3A_609 {strides = array<i32>} : memref<8x128xi32, #tpu.memory_space<vmem>>, vector<1x16xi32>,
    %get3A_610 = arith.constant 3 : i32
    %get3A_611 = arith.index_cast %get3A_610 : i32 to index
    %get3A_612 = arith.constant 64 : index
    %get3A_613 = tpu.vector_load %arg5[%get3A_611, %get3A_612] {strides = array<i32>} : memref<8x128xi32, #tpu.memory_space<vmem>>, vector<1x16xi32>,
    %get3A_614 = vector.shape_cast %get3A_613 : vector<1x16xi32> to vector<16xi32>
    %add3A_615 = arith.constant 448 : i32
    %add3A_616 = vector.broadcast %add3A_615 : i32 to vector<16xi32>
    %add3A_617 = arith.addi %add3A_616, %iota3A : vector<16xi32>
    %mul3A_618 = arith.constant 1024 : i32
    %mul3A_619 = vector.broadcast %mul3A_618 : i32 to vector<16xi32>
    %mul3A_620 = arith.muli %get3A_614, %mul3A_619 : vector<16xi32>
    %add3A_621 = vector.broadcast %mul3A_50 : i32 to vector<16xi32>
    %add3A_622 = arith.addi %add3A_621, %add3A_617 : vector<16xi32>
    %add3A_623 = arith.addi %mul3A_620, %add3A_622 : vector<16xi32>
    %swap3A_624 = arith.constant 3 : i32
    %swap3A_625 = arith.index_cast %swap3A_624 : i32 to index
    %swap3A_626 = arith.constant 64 : index
    %swap3A_627 = tpu.vector_load %arg5[%swap3A_625, %swap3A_626] {strides = array<i32>} : memref<8x128xi32, #tpu.memory_space<vmem>>, vector<1x16xi32>,
    %swap3A_628 = vector.shape_cast %swap3A_627 : vector<1x16xi32> to vector<16xi32>
    %swap3A_629 = vector.shape_cast %add3A_623 : vector<16xi32> to vector<1x16xi32>
    tpu.vector_store %arg5[%swap3A_625, %swap3A_626], %swap3A_629 {strides = array<i32>} : memref<8x128xi32, #tpu.memory_space<vmem>>, vector<1x16xi32>,
    %get3A_630 = arith.constant 3 : i32
    %get3A_631 = arith.index_cast %get3A_630 : i32 to index
    %get3A_632 = arith.constant 80 : index
    %get3A_633 = tpu.vector_load %arg5[%get3A_631, %get3A_632] {strides = array<i32>} : memref<8x128xi32, #tpu.memory_space<vmem>>, vector<1x16xi32>,
    %get3A_634 = vector.shape_cast %get3A_633 : vector<1x16xi32> to vector<16xi32>
    %add3A_635 = arith.constant 464 : i32
    %add3A_636 = vector.broadcast %add3A_635 : i32 to vector<16xi32>
    %add3A_637 = arith.addi %add3A_636, %iota3A : vector<16xi32>
    %mul3A_638 = arith.constant 1024 : i32
    %mul3A_639 = vector.broadcast %mul3A_638 : i32 to vector<16xi32>
    %mul3A_640 = arith.muli %get3A_634, %mul3A_639 : vector<16xi32>
    %add3A_641 = vector.broadcast %mul3A_50 : i32 to vector<16xi32>
    %add3A_642 = arith.addi %add3A_641, %add3A_637 : vector<16xi32>
    %add3A_643 = arith.addi %mul3A_640, %add3A_642 : vector<16xi32>
    %swap3A_644 = arith.constant 3 : i32
    %swap3A_645 = arith.index_cast %swap3A_644 : i32 to index
    %swap3A_646 = arith.constant 80 : index
    %swap3A_647 = tpu.vector_load %arg5[%swap3A_645, %swap3A_646] {strides = array<i32>} : memref<8x128xi32, #tpu.memory_space<vmem>>, vector<1x16xi32>,
    %swap3A_648 = vector.shape_cast %swap3A_647 : vector<1x16xi32> to vector<16xi32>
    %swap3A_649 = vector.shape_cast %add3A_643 : vector<16xi32> to vector<1x16xi32>
    tpu.vector_store %arg5[%swap3A_645, %swap3A_646], %swap3A_649 {strides = array<i32>} : memref<8x128xi32, #tpu.memory_space<vmem>>, vector<1x16xi32>,
    %get3A_650 = arith.constant 3 : i32
    %get3A_651 = arith.index_cast %get3A_650 : i32 to index
    %get3A_652 = arith.constant 96 : index
    %get3A_653 = tpu.vector_load %arg5[%get3A_651, %get3A_652] {strides = array<i32>} : memref<8x128xi32, #tpu.memory_space<vmem>>, vector<1x16xi32>,
    %get3A_654 = vector.shape_cast %get3A_653 : vector<1x16xi32> to vector<16xi32>
    %add3A_655 = arith.constant 480 : i32
    %add3A_656 = vector.broadcast %add3A_655 : i32 to vector<16xi32>
    %add3A_657 = arith.addi %add3A_656, %iota3A : vector<16xi32>
    %mul3A_658 = arith.constant 1024 : i32
    %mul3A_659 = vector.broadcast %mul3A_658 : i32 to vector<16xi32>
    %mul3A_660 = arith.muli %get3A_654, %mul3A_659 : vector<16xi32>
    %add3A_661 = vector.broadcast %mul3A_50 : i32 to vector<16xi32>
    %add3A_662 = arith.addi %add3A_661, %add3A_657 : vector<16xi32>
    %add3A_663 = arith.addi %mul3A_660, %add3A_662 : vector<16xi32>
    %swap3A_664 = arith.constant 3 : i32
    %swap3A_665 = arith.index_cast %swap3A_664 : i32 to index
    %swap3A_666 = arith.constant 96 : index
    %swap3A_667 = tpu.vector_load %arg5[%swap3A_665, %swap3A_666] {strides = array<i32>} : memref<8x128xi32, #tpu.memory_space<vmem>>, vector<1x16xi32>,
    %swap3A_668 = vector.shape_cast %swap3A_667 : vector<1x16xi32> to vector<16xi32>
    %swap3A_669 = vector.shape_cast %add3A_663 : vector<16xi32> to vector<1x16xi32>
    tpu.vector_store %arg5[%swap3A_665, %swap3A_666], %swap3A_669 {strides = array<i32>} : memref<8x128xi32, #tpu.memory_space<vmem>>, vector<1x16xi32>,
    %get3A_670 = arith.constant 3 : i32
    %get3A_671 = arith.index_cast %get3A_670 : i32 to index
    %get3A_672 = arith.constant 112 : index
    %get3A_673 = tpu.vector_load %arg5[%get3A_671, %get3A_672] {strides = array<i32>} : memref<8x128xi32, #tpu.memory_space<vmem>>, vector<1x16xi32>,
    %get3A_674 = vector.shape_cast %get3A_673 : vector<1x16xi32> to vector<16xi32>
    %add3A_675 = arith.constant 496 : i32
    %add3A_676 = vector.broadcast %add3A_675 : i32 to vector<16xi32>
    %add3A_677 = arith.addi %add3A_676, %iota3A : vector<16xi32>
    %mul3A_678 = arith.constant 1024 : i32
    %mul3A_679 = vector.broadcast %mul3A_678 : i32 to vector<16xi32>
    %mul3A_680 = arith.muli %get3A_674, %mul3A_679 : vector<16xi32>
    %add3A_681 = vector.broadcast %mul3A_50 : i32 to vector<16xi32>
    %add3A_682 = arith.addi %add3A_681, %add3A_677 : vector<16xi32>
    %add3A_683 = arith.addi %mul3A_680, %add3A_682 : vector<16xi32>
    %swap3A_684 = arith.constant 3 : i32
    %swap3A_685 = arith.index_cast %swap3A_684 : i32 to index
    %swap3A_686 = arith.constant 112 : index
    %swap3A_687 = tpu.vector_load %arg5[%swap3A_685, %swap3A_686] {strides = array<i32>} : memref<8x128xi32, #tpu.memory_space<vmem>>, vector<1x16xi32>,
    %swap3A_688 = vector.shape_cast %swap3A_687 : vector<1x16xi32> to vector<16xi32>
    %swap3A_689 = vector.shape_cast %add3A_683 : vector<16xi32> to vector<1x16xi32>
    tpu.vector_store %arg5[%swap3A_685, %swap3A_686], %swap3A_689 {strides = array<i32>} : memref<8x128xi32, #tpu.memory_space<vmem>>, vector<1x16xi32>,
    %get3A_690 = arith.constant 4 : i32
    %get3A_691 = arith.index_cast %get3A_690 : i32 to index
    %get3A_692 = arith.constant 0 : index
    %get3A_693 = tpu.vector_load %arg5[%get3A_691, %get3A_692] {strides = array<i32>} : memref<8x128xi32, #tpu.memory_space<vmem>>, vector<1x16xi32>,
    %get3A_694 = vector.shape_cast %get3A_693 : vector<1x16xi32> to vector<16xi32>
    %add3A_695 = arith.constant 512 : i32
    %add3A_696 = vector.broadcast %add3A_695 : i32 to vector<16xi32>
    %add3A_697 = arith.addi %add3A_696, %iota3A : vector<16xi32>
    %mul3A_698 = arith.constant 1024 : i32
    %mul3A_699 = vector.broadcast %mul3A_698 : i32 to vector<16xi32>
    %mul3A_700 = arith.muli %get3A_694, %mul3A_699 : vector<16xi32>
    %add3A_701 = vector.broadcast %mul3A_50 : i32 to vector<16xi32>
    %add3A_702 = arith.addi %add3A_701, %add3A_697 : vector<16xi32>
    %add3A_703 = arith.addi %mul3A_700, %add3A_702 : vector<16xi32>
    %swap3A_704 = arith.constant 4 : i32
    %swap3A_705 = arith.index_cast %swap3A_704 : i32 to index
    %swap3A_706 = arith.constant 0 : index
    %swap3A_707 = tpu.vector_load %arg5[%swap3A_705, %swap3A_706] {strides = array<i32>} : memref<8x128xi32, #tpu.memory_space<vmem>>, vector<1x16xi32>,
    %swap3A_708 = vector.shape_cast %swap3A_707 : vector<1x16xi32> to vector<16xi32>
    %swap3A_709 = vector.shape_cast %add3A_703 : vector<16xi32> to vector<1x16xi32>
    tpu.vector_store %arg5[%swap3A_705, %swap3A_706], %swap3A_709 {strides = array<i32>} : memref<8x128xi32, #tpu.memory_space<vmem>>, vector<1x16xi32>,
    %get3A_710 = arith.constant 4 : i32
    %get3A_711 = arith.index_cast %get3A_710 : i32 to index
    %get3A_712 = arith.constant 16 : index
    %get3A_713 = tpu.vector_load %arg5[%get3A_711, %get3A_712] {strides = array<i32>} : memref<8x128xi32, #tpu.memory_space<vmem>>, vector<1x16xi32>,
    %get3A_714 = vector.shape_cast %get3A_713 : vector<1x16xi32> to vector<16xi32>
    %add3A_715 = arith.constant 528 : i32
    %add3A_716 = vector.broadcast %add3A_715 : i32 to vector<16xi32>
    %add3A_717 = arith.addi %add3A_716, %iota3A : vector<16xi32>
    %mul3A_718 = arith.constant 1024 : i32
    %mul3A_719 = vector.broadcast %mul3A_718 : i32 to vector<16xi32>
    %mul3A_720 = arith.muli %get3A_714, %mul3A_719 : vector<16xi32>
    %add3A_721 = vector.broadcast %mul3A_50 : i32 to vector<16xi32>
    %add3A_722 = arith.addi %add3A_721, %add3A_717 : vector<16xi32>
    %add3A_723 = arith.addi %mul3A_720, %add3A_722 : vector<16xi32>
    %swap3A_724 = arith.constant 4 : i32
    %swap3A_725 = arith.index_cast %swap3A_724 : i32 to index
    %swap3A_726 = arith.constant 16 : index
    %swap3A_727 = tpu.vector_load %arg5[%swap3A_725, %swap3A_726] {strides = array<i32>} : memref<8x128xi32, #tpu.memory_space<vmem>>, vector<1x16xi32>,
    %swap3A_728 = vector.shape_cast %swap3A_727 : vector<1x16xi32> to vector<16xi32>
    %swap3A_729 = vector.shape_cast %add3A_723 : vector<16xi32> to vector<1x16xi32>
    tpu.vector_store %arg5[%swap3A_725, %swap3A_726], %swap3A_729 {strides = array<i32>} : memref<8x128xi32, #tpu.memory_space<vmem>>, vector<1x16xi32>,
    %get3A_730 = arith.constant 4 : i32
    %get3A_731 = arith.index_cast %get3A_730 : i32 to index
    %get3A_732 = arith.constant 32 : index
    %get3A_733 = tpu.vector_load %arg5[%get3A_731, %get3A_732] {strides = array<i32>} : memref<8x128xi32, #tpu.memory_space<vmem>>, vector<1x16xi32>,
    %get3A_734 = vector.shape_cast %get3A_733 : vector<1x16xi32> to vector<16xi32>
    %add3A_735 = arith.constant 544 : i32
    %add3A_736 = vector.broadcast %add3A_735 : i32 to vector<16xi32>
    %add3A_737 = arith.addi %add3A_736, %iota3A : vector<16xi32>
    %mul3A_738 = arith.constant 1024 : i32
    %mul3A_739 = vector.broadcast %mul3A_738 : i32 to vector<16xi32>
    %mul3A_740 = arith.muli %get3A_734, %mul3A_739 : vector<16xi32>
    %add3A_741 = vector.broadcast %mul3A_50 : i32 to vector<16xi32>
    %add3A_742 = arith.addi %add3A_741, %add3A_737 : vector<16xi32>
    %add3A_743 = arith.addi %mul3A_740, %add3A_742 : vector<16xi32>
    %swap3A_744 = arith.constant 4 : i32
    %swap3A_745 = arith.index_cast %swap3A_744 : i32 to index
    %swap3A_746 = arith.constant 32 : index
    %swap3A_747 = tpu.vector_load %arg5[%swap3A_745, %swap3A_746] {strides = array<i32>} : memref<8x128xi32, #tpu.memory_space<vmem>>, vector<1x16xi32>,
    %swap3A_748 = vector.shape_cast %swap3A_747 : vector<1x16xi32> to vector<16xi32>
    %swap3A_749 = vector.shape_cast %add3A_743 : vector<16xi32> to vector<1x16xi32>
    tpu.vector_store %arg5[%swap3A_745, %swap3A_746], %swap3A_749 {strides = array<i32>} : memref<8x128xi32, #tpu.memory_space<vmem>>, vector<1x16xi32>,
    %get3A_750 = arith.constant 4 : i32
    %get3A_751 = arith.index_cast %get3A_750 : i32 to index
    %get3A_752 = arith.constant 48 : index
    %get3A_753 = tpu.vector_load %arg5[%get3A_751, %get3A_752] {strides = array<i32>} : memref<8x128xi32, #tpu.memory_space<vmem>>, vector<1x16xi32>,
    %get3A_754 = vector.shape_cast %get3A_753 : vector<1x16xi32> to vector<16xi32>
    %add3A_755 = arith.constant 560 : i32
    %add3A_756 = vector.broadcast %add3A_755 : i32 to vector<16xi32>
    %add3A_757 = arith.addi %add3A_756, %iota3A : vector<16xi32>
    %mul3A_758 = arith.constant 1024 : i32
    %mul3A_759 = vector.broadcast %mul3A_758 : i32 to vector<16xi32>
    %mul3A_760 = arith.muli %get3A_754, %mul3A_759 : vector<16xi32>
    %add3A_761 = vector.broadcast %mul3A_50 : i32 to vector<16xi32>
    %add3A_762 = arith.addi %add3A_761, %add3A_757 : vector<16xi32>
    %add3A_763 = arith.addi %mul3A_760, %add3A_762 : vector<16xi32>
    %swap3A_764 = arith.constant 4 : i32
    %swap3A_765 = arith.index_cast %swap3A_764 : i32 to index
    %swap3A_766 = arith.constant 48 : index
    %swap3A_767 = tpu.vector_load %arg5[%swap3A_765, %swap3A_766] {strides = array<i32>} : memref<8x128xi32, #tpu.memory_space<vmem>>, vector<1x16xi32>,
    %swap3A_768 = vector.shape_cast %swap3A_767 : vector<1x16xi32> to vector<16xi32>
    %swap3A_769 = vector.shape_cast %add3A_763 : vector<16xi32> to vector<1x16xi32>
    tpu.vector_store %arg5[%swap3A_765, %swap3A_766], %swap3A_769 {strides = array<i32>} : memref<8x128xi32, #tpu.memory_space<vmem>>, vector<1x16xi32>,
    %get3A_770 = arith.constant 4 : i32
    %get3A_771 = arith.index_cast %get3A_770 : i32 to index
    %get3A_772 = arith.constant 64 : index
    %get3A_773 = tpu.vector_load %arg5[%get3A_771, %get3A_772] {strides = array<i32>} : memref<8x128xi32, #tpu.memory_space<vmem>>, vector<1x16xi32>,
    %get3A_774 = vector.shape_cast %get3A_773 : vector<1x16xi32> to vector<16xi32>
    %add3A_775 = arith.constant 576 : i32
    %add3A_776 = vector.broadcast %add3A_775 : i32 to vector<16xi32>
    %add3A_777 = arith.addi %add3A_776, %iota3A : vector<16xi32>
    %mul3A_778 = arith.constant 1024 : i32
    %mul3A_779 = vector.broadcast %mul3A_778 : i32 to vector<16xi32>
    %mul3A_780 = arith.muli %get3A_774, %mul3A_779 : vector<16xi32>
    %add3A_781 = vector.broadcast %mul3A_50 : i32 to vector<16xi32>
    %add3A_782 = arith.addi %add3A_781, %add3A_777 : vector<16xi32>
    %add3A_783 = arith.addi %mul3A_780, %add3A_782 : vector<16xi32>
    %swap3A_784 = arith.constant 4 : i32
    %swap3A_785 = arith.index_cast %swap3A_784 : i32 to index
    %swap3A_786 = arith.constant 64 : index
    %swap3A_787 = tpu.vector_load %arg5[%swap3A_785, %swap3A_786] {strides = array<i32>} : memref<8x128xi32, #tpu.memory_space<vmem>>, vector<1x16xi32>,
    %swap3A_788 = vector.shape_cast %swap3A_787 : vector<1x16xi32> to vector<16xi32>
    %swap3A_789 = vector.shape_cast %add3A_783 : vector<16xi32> to vector<1x16xi32>
    tpu.vector_store %arg5[%swap3A_785, %swap3A_786], %swap3A_789 {strides = array<i32>} : memref<8x128xi32, #tpu.memory_space<vmem>>, vector<1x16xi32>,
    %get3A_790 = arith.constant 4 : i32
    %get3A_791 = arith.index_cast %get3A_790 : i32 to index
    %get3A_792 = arith.constant 80 : index
    %get3A_793 = tpu.vector_load %arg5[%get3A_791, %get3A_792] {strides = array<i32>} : memref<8x128xi32, #tpu.memory_space<vmem>>, vector<1x16xi32>,
    %get3A_794 = vector.shape_cast %get3A_793 : vector<1x16xi32> to vector<16xi32>
    %add3A_795 = arith.constant 592 : i32
    %add3A_796 = vector.broadcast %add3A_795 : i32 to vector<16xi32>
    %add3A_797 = arith.addi %add3A_796, %iota3A : vector<16xi32>
    %mul3A_798 = arith.constant 1024 : i32
    %mul3A_799 = vector.broadcast %mul3A_798 : i32 to vector<16xi32>
    %mul3A_800 = arith.muli %get3A_794, %mul3A_799 : vector<16xi32>
    %add3A_801 = vector.broadcast %mul3A_50 : i32 to vector<16xi32>
    %add3A_802 = arith.addi %add3A_801, %add3A_797 : vector<16xi32>
    %add3A_803 = arith.addi %mul3A_800, %add3A_802 : vector<16xi32>
    %swap3A_804 = arith.constant 4 : i32
    %swap3A_805 = arith.index_cast %swap3A_804 : i32 to index
    %swap3A_806 = arith.constant 80 : index
    %swap3A_807 = tpu.vector_load %arg5[%swap3A_805, %swap3A_806] {strides = array<i32>} : memref<8x128xi32, #tpu.memory_space<vmem>>, vector<1x16xi32>,
    %swap3A_808 = vector.shape_cast %swap3A_807 : vector<1x16xi32> to vector<16xi32>
    %swap3A_809 = vector.shape_cast %add3A_803 : vector<16xi32> to vector<1x16xi32>
    tpu.vector_store %arg5[%swap3A_805, %swap3A_806], %swap3A_809 {strides = array<i32>} : memref<8x128xi32, #tpu.memory_space<vmem>>, vector<1x16xi32>,
    %get3A_810 = arith.constant 4 : i32
    %get3A_811 = arith.index_cast %get3A_810 : i32 to index
    %get3A_812 = arith.constant 96 : index
    %get3A_813 = tpu.vector_load %arg5[%get3A_811, %get3A_812] {strides = array<i32>} : memref<8x128xi32, #tpu.memory_space<vmem>>, vector<1x16xi32>,
    %get3A_814 = vector.shape_cast %get3A_813 : vector<1x16xi32> to vector<16xi32>
    %add3A_815 = arith.constant 608 : i32
    %add3A_816 = vector.broadcast %add3A_815 : i32 to vector<16xi32>
    %add3A_817 = arith.addi %add3A_816, %iota3A : vector<16xi32>
    %mul3A_818 = arith.constant 1024 : i32
    %mul3A_819 = vector.broadcast %mul3A_818 : i32 to vector<16xi32>
    %mul3A_820 = arith.muli %get3A_814, %mul3A_819 : vector<16xi32>
    %add3A_821 = vector.broadcast %mul3A_50 : i32 to vector<16xi32>
    %add3A_822 = arith.addi %add3A_821, %add3A_817 : vector<16xi32>
    %add3A_823 = arith.addi %mul3A_820, %add3A_822 : vector<16xi32>
    %swap3A_824 = arith.constant 4 : i32
    %swap3A_825 = arith.index_cast %swap3A_824 : i32 to index
    %swap3A_826 = arith.constant 96 : index
    %swap3A_827 = tpu.vector_load %arg5[%swap3A_825, %swap3A_826] {strides = array<i32>} : memref<8x128xi32, #tpu.memory_space<vmem>>, vector<1x16xi32>,
    %swap3A_828 = vector.shape_cast %swap3A_827 : vector<1x16xi32> to vector<16xi32>
    %swap3A_829 = vector.shape_cast %add3A_823 : vector<16xi32> to vector<1x16xi32>
    tpu.vector_store %arg5[%swap3A_825, %swap3A_826], %swap3A_829 {strides = array<i32>} : memref<8x128xi32, #tpu.memory_space<vmem>>, vector<1x16xi32>,
    %get3A_830 = arith.constant 4 : i32
    %get3A_831 = arith.index_cast %get3A_830 : i32 to index
    %get3A_832 = arith.constant 112 : index
    %get3A_833 = tpu.vector_load %arg5[%get3A_831, %get3A_832] {strides = array<i32>} : memref<8x128xi32, #tpu.memory_space<vmem>>, vector<1x16xi32>,
    %get3A_834 = vector.shape_cast %get3A_833 : vector<1x16xi32> to vector<16xi32>
    %add3A_835 = arith.constant 624 : i32
    %add3A_836 = vector.broadcast %add3A_835 : i32 to vector<16xi32>
    %add3A_837 = arith.addi %add3A_836, %iota3A : vector<16xi32>
    %mul3A_838 = arith.constant 1024 : i32
    %mul3A_839 = vector.broadcast %mul3A_838 : i32 to vector<16xi32>
    %mul3A_840 = arith.muli %get3A_834, %mul3A_839 : vector<16xi32>
    %add3A_841 = vector.broadcast %mul3A_50 : i32 to vector<16xi32>
    %add3A_842 = arith.addi %add3A_841, %add3A_837 : vector<16xi32>
    %add3A_843 = arith.addi %mul3A_840, %add3A_842 : vector<16xi32>
    %swap3A_844 = arith.constant 4 : i32
    %swap3A_845 = arith.index_cast %swap3A_844 : i32 to index
    %swap3A_846 = arith.constant 112 : index
    %swap3A_847 = tpu.vector_load %arg5[%swap3A_845, %swap3A_846] {strides = array<i32>} : memref<8x128xi32, #tpu.memory_space<vmem>>, vector<1x16xi32>,
    %swap3A_848 = vector.shape_cast %swap3A_847 : vector<1x16xi32> to vector<16xi32>
    %swap3A_849 = vector.shape_cast %add3A_843 : vector<16xi32> to vector<1x16xi32>
    tpu.vector_store %arg5[%swap3A_845, %swap3A_846], %swap3A_849 {strides = array<i32>} : memref<8x128xi32, #tpu.memory_space<vmem>>, vector<1x16xi32>,
    %get3A_850 = arith.constant 5 : i32
    %get3A_851 = arith.index_cast %get3A_850 : i32 to index
    %get3A_852 = arith.constant 0 : index
    %get3A_853 = tpu.vector_load %arg5[%get3A_851, %get3A_852] {strides = array<i32>} : memref<8x128xi32, #tpu.memory_space<vmem>>, vector<1x16xi32>,
    %get3A_854 = vector.shape_cast %get3A_853 : vector<1x16xi32> to vector<16xi32>
    %add3A_855 = arith.constant 640 : i32
    %add3A_856 = vector.broadcast %add3A_855 : i32 to vector<16xi32>
    %add3A_857 = arith.addi %add3A_856, %iota3A : vector<16xi32>
    %mul3A_858 = arith.constant 1024 : i32
    %mul3A_859 = vector.broadcast %mul3A_858 : i32 to vector<16xi32>
    %mul3A_860 = arith.muli %get3A_854, %mul3A_859 : vector<16xi32>
    %add3A_861 = vector.broadcast %mul3A_50 : i32 to vector<16xi32>
    %add3A_862 = arith.addi %add3A_861, %add3A_857 : vector<16xi32>
    %add3A_863 = arith.addi %mul3A_860, %add3A_862 : vector<16xi32>
    %swap3A_864 = arith.constant 5 : i32
    %swap3A_865 = arith.index_cast %swap3A_864 : i32 to index
    %swap3A_866 = arith.constant 0 : index
    %swap3A_867 = tpu.vector_load %arg5[%swap3A_865, %swap3A_866] {strides = array<i32>} : memref<8x128xi32, #tpu.memory_space<vmem>>, vector<1x16xi32>,
    %swap3A_868 = vector.shape_cast %swap3A_867 : vector<1x16xi32> to vector<16xi32>
    %swap3A_869 = vector.shape_cast %add3A_863 : vector<16xi32> to vector<1x16xi32>
    tpu.vector_store %arg5[%swap3A_865, %swap3A_866], %swap3A_869 {strides = array<i32>} : memref<8x128xi32, #tpu.memory_space<vmem>>, vector<1x16xi32>,
    %get3A_870 = arith.constant 5 : i32
    %get3A_871 = arith.index_cast %get3A_870 : i32 to index
    %get3A_872 = arith.constant 16 : index
    %get3A_873 = tpu.vector_load %arg5[%get3A_871, %get3A_872] {strides = array<i32>} : memref<8x128xi32, #tpu.memory_space<vmem>>, vector<1x16xi32>,
    %get3A_874 = vector.shape_cast %get3A_873 : vector<1x16xi32> to vector<16xi32>
    %add3A_875 = arith.constant 656 : i32
    %add3A_876 = vector.broadcast %add3A_875 : i32 to vector<16xi32>
    %add3A_877 = arith.addi %add3A_876, %iota3A : vector<16xi32>
    %mul3A_878 = arith.constant 1024 : i32
    %mul3A_879 = vector.broadcast %mul3A_878 : i32 to vector<16xi32>
    %mul3A_880 = arith.muli %get3A_874, %mul3A_879 : vector<16xi32>
    %add3A_881 = vector.broadcast %mul3A_50 : i32 to vector<16xi32>
    %add3A_882 = arith.addi %add3A_881, %add3A_877 : vector<16xi32>
    %add3A_883 = arith.addi %mul3A_880, %add3A_882 : vector<16xi32>
    %swap3A_884 = arith.constant 5 : i32
    %swap3A_885 = arith.index_cast %swap3A_884 : i32 to index
    %swap3A_886 = arith.constant 16 : index
    %swap3A_887 = tpu.vector_load %arg5[%swap3A_885, %swap3A_886] {strides = array<i32>} : memref<8x128xi32, #tpu.memory_space<vmem>>, vector<1x16xi32>,
    %swap3A_888 = vector.shape_cast %swap3A_887 : vector<1x16xi32> to vector<16xi32>
    %swap3A_889 = vector.shape_cast %add3A_883 : vector<16xi32> to vector<1x16xi32>
    tpu.vector_store %arg5[%swap3A_885, %swap3A_886], %swap3A_889 {strides = array<i32>} : memref<8x128xi32, #tpu.memory_space<vmem>>, vector<1x16xi32>,
    %get3A_890 = arith.constant 5 : i32
    %get3A_891 = arith.index_cast %get3A_890 : i32 to index
    %get3A_892 = arith.constant 32 : index
    %get3A_893 = tpu.vector_load %arg5[%get3A_891, %get3A_892] {strides = array<i32>} : memref<8x128xi32, #tpu.memory_space<vmem>>, vector<1x16xi32>,
    %get3A_894 = vector.shape_cast %get3A_893 : vector<1x16xi32> to vector<16xi32>
    %add3A_895 = arith.constant 672 : i32
    %add3A_896 = vector.broadcast %add3A_895 : i32 to vector<16xi32>
    %add3A_897 = arith.addi %add3A_896, %iota3A : vector<16xi32>
    %mul3A_898 = arith.constant 1024 : i32
    %mul3A_899 = vector.broadcast %mul3A_898 : i32 to vector<16xi32>
    %mul3A_900 = arith.muli %get3A_894, %mul3A_899 : vector<16xi32>
    %add3A_901 = vector.broadcast %mul3A_50 : i32 to vector<16xi32>
    %add3A_902 = arith.addi %add3A_901, %add3A_897 : vector<16xi32>
    %add3A_903 = arith.addi %mul3A_900, %add3A_902 : vector<16xi32>
    %swap3A_904 = arith.constant 5 : i32
    %swap3A_905 = arith.index_cast %swap3A_904 : i32 to index
    %swap3A_906 = arith.constant 32 : index
    %swap3A_907 = tpu.vector_load %arg5[%swap3A_905, %swap3A_906] {strides = array<i32>} : memref<8x128xi32, #tpu.memory_space<vmem>>, vector<1x16xi32>,
    %swap3A_908 = vector.shape_cast %swap3A_907 : vector<1x16xi32> to vector<16xi32>
    %swap3A_909 = vector.shape_cast %add3A_903 : vector<16xi32> to vector<1x16xi32>
    tpu.vector_store %arg5[%swap3A_905, %swap3A_906], %swap3A_909 {strides = array<i32>} : memref<8x128xi32, #tpu.memory_space<vmem>>, vector<1x16xi32>,
    %get3A_910 = arith.constant 5 : i32
    %get3A_911 = arith.index_cast %get3A_910 : i32 to index
    %get3A_912 = arith.constant 48 : index
    %get3A_913 = tpu.vector_load %arg5[%get3A_911, %get3A_912] {strides = array<i32>} : memref<8x128xi32, #tpu.memory_space<vmem>>, vector<1x16xi32>,
    %get3A_914 = vector.shape_cast %get3A_913 : vector<1x16xi32> to vector<16xi32>
    %add3A_915 = arith.constant 688 : i32
    %add3A_916 = vector.broadcast %add3A_915 : i32 to vector<16xi32>
    %add3A_917 = arith.addi %add3A_916, %iota3A : vector<16xi32>
    %mul3A_918 = arith.constant 1024 : i32
    %mul3A_919 = vector.broadcast %mul3A_918 : i32 to vector<16xi32>
    %mul3A_920 = arith.muli %get3A_914, %mul3A_919 : vector<16xi32>
    %add3A_921 = vector.broadcast %mul3A_50 : i32 to vector<16xi32>
    %add3A_922 = arith.addi %add3A_921, %add3A_917 : vector<16xi32>
    %add3A_923 = arith.addi %mul3A_920, %add3A_922 : vector<16xi32>
    %swap3A_924 = arith.constant 5 : i32
    %swap3A_925 = arith.index_cast %swap3A_924 : i32 to index
    %swap3A_926 = arith.constant 48 : index
    %swap3A_927 = tpu.vector_load %arg5[%swap3A_925, %swap3A_926] {strides = array<i32>} : memref<8x128xi32, #tpu.memory_space<vmem>>, vector<1x16xi32>,
    %swap3A_928 = vector.shape_cast %swap3A_927 : vector<1x16xi32> to vector<16xi32>
    %swap3A_929 = vector.shape_cast %add3A_923 : vector<16xi32> to vector<1x16xi32>
    tpu.vector_store %arg5[%swap3A_925, %swap3A_926], %swap3A_929 {strides = array<i32>} : memref<8x128xi32, #tpu.memory_space<vmem>>, vector<1x16xi32>,
    %get3A_930 = arith.constant 5 : i32
    %get3A_931 = arith.index_cast %get3A_930 : i32 to index
    %get3A_932 = arith.constant 64 : index
    %get3A_933 = tpu.vector_load %arg5[%get3A_931, %get3A_932] {strides = array<i32>} : memref<8x128xi32, #tpu.memory_space<vmem>>, vector<1x16xi32>,
    %get3A_934 = vector.shape_cast %get3A_933 : vector<1x16xi32> to vector<16xi32>
    %add3A_935 = arith.constant 704 : i32
    %add3A_936 = vector.broadcast %add3A_935 : i32 to vector<16xi32>
    %add3A_937 = arith.addi %add3A_936, %iota3A : vector<16xi32>
    %mul3A_938 = arith.constant 1024 : i32
    %mul3A_939 = vector.broadcast %mul3A_938 : i32 to vector<16xi32>
    %mul3A_940 = arith.muli %get3A_934, %mul3A_939 : vector<16xi32>
    %add3A_941 = vector.broadcast %mul3A_50 : i32 to vector<16xi32>
    %add3A_942 = arith.addi %add3A_941, %add3A_937 : vector<16xi32>
    %add3A_943 = arith.addi %mul3A_940, %add3A_942 : vector<16xi32>
    %swap3A_944 = arith.constant 5 : i32
    %swap3A_945 = arith.index_cast %swap3A_944 : i32 to index
    %swap3A_946 = arith.constant 64 : index
    %swap3A_947 = tpu.vector_load %arg5[%swap3A_945, %swap3A_946] {strides = array<i32>} : memref<8x128xi32, #tpu.memory_space<vmem>>, vector<1x16xi32>,
    %swap3A_948 = vector.shape_cast %swap3A_947 : vector<1x16xi32> to vector<16xi32>
    %swap3A_949 = vector.shape_cast %add3A_943 : vector<16xi32> to vector<1x16xi32>
    tpu.vector_store %arg5[%swap3A_945, %swap3A_946], %swap3A_949 {strides = array<i32>} : memref<8x128xi32, #tpu.memory_space<vmem>>, vector<1x16xi32>,
    %get3A_950 = arith.constant 5 : i32
    %get3A_951 = arith.index_cast %get3A_950 : i32 to index
    %get3A_952 = arith.constant 80 : index
    %get3A_953 = tpu.vector_load %arg5[%get3A_951, %get3A_952] {strides = array<i32>} : memref<8x128xi32, #tpu.memory_space<vmem>>, vector<1x16xi32>,
    %get3A_954 = vector.shape_cast %get3A_953 : vector<1x16xi32> to vector<16xi32>
    %add3A_955 = arith.constant 720 : i32
    %add3A_956 = vector.broadcast %add3A_955 : i32 to vector<16xi32>
    %add3A_957 = arith.addi %add3A_956, %iota3A : vector<16xi32>
    %mul3A_958 = arith.constant 1024 : i32
    %mul3A_959 = vector.broadcast %mul3A_958 : i32 to vector<16xi32>
    %mul3A_960 = arith.muli %get3A_954, %mul3A_959 : vector<16xi32>
    %add3A_961 = vector.broadcast %mul3A_50 : i32 to vector<16xi32>
    %add3A_962 = arith.addi %add3A_961, %add3A_957 : vector<16xi32>
    %add3A_963 = arith.addi %mul3A_960, %add3A_962 : vector<16xi32>
    %swap3A_964 = arith.constant 5 : i32
    %swap3A_965 = arith.index_cast %swap3A_964 : i32 to index
    %swap3A_966 = arith.constant 80 : index
    %swap3A_967 = tpu.vector_load %arg5[%swap3A_965, %swap3A_966] {strides = array<i32>} : memref<8x128xi32, #tpu.memory_space<vmem>>, vector<1x16xi32>,
    %swap3A_968 = vector.shape_cast %swap3A_967 : vector<1x16xi32> to vector<16xi32>
    %swap3A_969 = vector.shape_cast %add3A_963 : vector<16xi32> to vector<1x16xi32>
    tpu.vector_store %arg5[%swap3A_965, %swap3A_966], %swap3A_969 {strides = array<i32>} : memref<8x128xi32, #tpu.memory_space<vmem>>, vector<1x16xi32>,
    %get3A_970 = arith.constant 5 : i32
    %get3A_971 = arith.index_cast %get3A_970 : i32 to index
    %get3A_972 = arith.constant 96 : index
    %get3A_973 = tpu.vector_load %arg5[%get3A_971, %get3A_972] {strides = array<i32>} : memref<8x128xi32, #tpu.memory_space<vmem>>, vector<1x16xi32>,
    %get3A_974 = vector.shape_cast %get3A_973 : vector<1x16xi32> to vector<16xi32>
    %add3A_975 = arith.constant 736 : i32
    %add3A_976 = vector.broadcast %add3A_975 : i32 to vector<16xi32>
    %add3A_977 = arith.addi %add3A_976, %iota3A : vector<16xi32>
    %mul3A_978 = arith.constant 1024 : i32
    %mul3A_979 = vector.broadcast %mul3A_978 : i32 to vector<16xi32>
    %mul3A_980 = arith.muli %get3A_974, %mul3A_979 : vector<16xi32>
    %add3A_981 = vector.broadcast %mul3A_50 : i32 to vector<16xi32>
    %add3A_982 = arith.addi %add3A_981, %add3A_977 : vector<16xi32>
    %add3A_983 = arith.addi %mul3A_980, %add3A_982 : vector<16xi32>
    %swap3A_984 = arith.constant 5 : i32
    %swap3A_985 = arith.index_cast %swap3A_984 : i32 to index
    %swap3A_986 = arith.constant 96 : index
    %swap3A_987 = tpu.vector_load %arg5[%swap3A_985, %swap3A_986] {strides = array<i32>} : memref<8x128xi32, #tpu.memory_space<vmem>>, vector<1x16xi32>,
    %swap3A_988 = vector.shape_cast %swap3A_987 : vector<1x16xi32> to vector<16xi32>
    %swap3A_989 = vector.shape_cast %add3A_983 : vector<16xi32> to vector<1x16xi32>
    tpu.vector_store %arg5[%swap3A_985, %swap3A_986], %swap3A_989 {strides = array<i32>} : memref<8x128xi32, #tpu.memory_space<vmem>>, vector<1x16xi32>,
    %get3A_990 = arith.constant 5 : i32
    %get3A_991 = arith.index_cast %get3A_990 : i32 to index
    %get3A_992 = arith.constant 112 : index
    %get3A_993 = tpu.vector_load %arg5[%get3A_991, %get3A_992] {strides = array<i32>} : memref<8x128xi32, #tpu.memory_space<vmem>>, vector<1x16xi32>,
    %get3A_994 = vector.shape_cast %get3A_993 : vector<1x16xi32> to vector<16xi32>
    %add3A_995 = arith.constant 752 : i32
    %add3A_996 = vector.broadcast %add3A_995 : i32 to vector<16xi32>
    %add3A_997 = arith.addi %add3A_996, %iota3A : vector<16xi32>
    %mul3A_998 = arith.constant 1024 : i32
    %mul3A_999 = vector.broadcast %mul3A_998 : i32 to vector<16xi32>
    %mul3A_1000 = arith.muli %get3A_994, %mul3A_999 : vector<16xi32>
    %add3A_1001 = vector.broadcast %mul3A_50 : i32 to vector<16xi32>
    %add3A_1002 = arith.addi %add3A_1001, %add3A_997 : vector<16xi32>
    %add3A_1003 = arith.addi %mul3A_1000, %add3A_1002 : vector<16xi32>
    %swap3A_1004 = arith.constant 5 : i32
    %swap3A_1005 = arith.index_cast %swap3A_1004 : i32 to index
    %swap3A_1006 = arith.constant 112 : index
    %swap3A_1007 = tpu.vector_load %arg5[%swap3A_1005, %swap3A_1006] {strides = array<i32>} : memref<8x128xi32, #tpu.memory_space<vmem>>, vector<1x16xi32>,
    %swap3A_1008 = vector.shape_cast %swap3A_1007 : vector<1x16xi32> to vector<16xi32>
    %swap3A_1009 = vector.shape_cast %add3A_1003 : vector<16xi32> to vector<1x16xi32>
    tpu.vector_store %arg5[%swap3A_1005, %swap3A_1006], %swap3A_1009 {strides = array<i32>} : memref<8x128xi32, #tpu.memory_space<vmem>>, vector<1x16xi32>,
    %get3A_1010 = arith.constant 6 : i32
    %get3A_1011 = arith.index_cast %get3A_1010 : i32 to index
    %get3A_1012 = arith.constant 0 : index
    %get3A_1013 = tpu.vector_load %arg5[%get3A_1011, %get3A_1012] {strides = array<i32>} : memref<8x128xi32, #tpu.memory_space<vmem>>, vector<1x16xi32>,
    %get3A_1014 = vector.shape_cast %get3A_1013 : vector<1x16xi32> to vector<16xi32>
    %add3A_1015 = arith.constant 768 : i32
    %add3A_1016 = vector.broadcast %add3A_1015 : i32 to vector<16xi32>
    %add3A_1017 = arith.addi %add3A_1016, %iota3A : vector<16xi32>
    %mul3A_1018 = arith.constant 1024 : i32
    %mul3A_1019 = vector.broadcast %mul3A_1018 : i32 to vector<16xi32>
    %mul3A_1020 = arith.muli %get3A_1014, %mul3A_1019 : vector<16xi32>
    %add3A_1021 = vector.broadcast %mul3A_50 : i32 to vector<16xi32>
    %add3A_1022 = arith.addi %add3A_1021, %add3A_1017 : vector<16xi32>
    %add3A_1023 = arith.addi %mul3A_1020, %add3A_1022 : vector<16xi32>
    %swap3A_1024 = arith.constant 6 : i32
    %swap3A_1025 = arith.index_cast %swap3A_1024 : i32 to index
    %swap3A_1026 = arith.constant 0 : index
    %swap3A_1027 = tpu.vector_load %arg5[%swap3A_1025, %swap3A_1026] {strides = array<i32>} : memref<8x128xi32, #tpu.memory_space<vmem>>, vector<1x16xi32>,
    %swap3A_1028 = vector.shape_cast %swap3A_1027 : vector<1x16xi32> to vector<16xi32>
    %swap3A_1029 = vector.shape_cast %add3A_1023 : vector<16xi32> to vector<1x16xi32>
    tpu.vector_store %arg5[%swap3A_1025, %swap3A_1026], %swap3A_1029 {strides = array<i32>} : memref<8x128xi32, #tpu.memory_space<vmem>>, vector<1x16xi32>,
    %get3A_1030 = arith.constant 6 : i32
    %get3A_1031 = arith.index_cast %get3A_1030 : i32 to index
    %get3A_1032 = arith.constant 16 : index
    %get3A_1033 = tpu.vector_load %arg5[%get3A_1031, %get3A_1032] {strides = array<i32>} : memref<8x128xi32, #tpu.memory_space<vmem>>, vector<1x16xi32>,
    %get3A_1034 = vector.shape_cast %get3A_1033 : vector<1x16xi32> to vector<16xi32>
    %add3A_1035 = arith.constant 784 : i32
    %add3A_1036 = vector.broadcast %add3A_1035 : i32 to vector<16xi32>
    %add3A_1037 = arith.addi %add3A_1036, %iota3A : vector<16xi32>
    %mul3A_1038 = arith.constant 1024 : i32
    %mul3A_1039 = vector.broadcast %mul3A_1038 : i32 to vector<16xi32>
    %mul3A_1040 = arith.muli %get3A_1034, %mul3A_1039 : vector<16xi32>
    %add3A_1041 = vector.broadcast %mul3A_50 : i32 to vector<16xi32>
    %add3A_1042 = arith.addi %add3A_1041, %add3A_1037 : vector<16xi32>
    %add3A_1043 = arith.addi %mul3A_1040, %add3A_1042 : vector<16xi32>
    %swap3A_1044 = arith.constant 6 : i32
    %swap3A_1045 = arith.index_cast %swap3A_1044 : i32 to index
    %swap3A_1046 = arith.constant 16 : index
    %swap3A_1047 = tpu.vector_load %arg5[%swap3A_1045, %swap3A_1046] {strides = array<i32>} : memref<8x128xi32, #tpu.memory_space<vmem>>, vector<1x16xi32>,
    %swap3A_1048 = vector.shape_cast %swap3A_1047 : vector<1x16xi32> to vector<16xi32>
    %swap3A_1049 = vector.shape_cast %add3A_1043 : vector<16xi32> to vector<1x16xi32>
    tpu.vector_store %arg5[%swap3A_1045, %swap3A_1046], %swap3A_1049 {strides = array<i32>} : memref<8x128xi32, #tpu.memory_space<vmem>>, vector<1x16xi32>,
    %get3A_1050 = arith.constant 6 : i32
    %get3A_1051 = arith.index_cast %get3A_1050 : i32 to index
    %get3A_1052 = arith.constant 32 : index
    %get3A_1053 = tpu.vector_load %arg5[%get3A_1051, %get3A_1052] {strides = array<i32>} : memref<8x128xi32, #tpu.memory_space<vmem>>, vector<1x16xi32>,
    %get3A_1054 = vector.shape_cast %get3A_1053 : vector<1x16xi32> to vector<16xi32>
    %add3A_1055 = arith.constant 800 : i32
    %add3A_1056 = vector.broadcast %add3A_1055 : i32 to vector<16xi32>
    %add3A_1057 = arith.addi %add3A_1056, %iota3A : vector<16xi32>
    %mul3A_1058 = arith.constant 1024 : i32
    %mul3A_1059 = vector.broadcast %mul3A_1058 : i32 to vector<16xi32>
    %mul3A_1060 = arith.muli %get3A_1054, %mul3A_1059 : vector<16xi32>
    %add3A_1061 = vector.broadcast %mul3A_50 : i32 to vector<16xi32>
    %add3A_1062 = arith.addi %add3A_1061, %add3A_1057 : vector<16xi32>
    %add3A_1063 = arith.addi %mul3A_1060, %add3A_1062 : vector<16xi32>
    %swap3A_1064 = arith.constant 6 : i32
    %swap3A_1065 = arith.index_cast %swap3A_1064 : i32 to index
    %swap3A_1066 = arith.constant 32 : index
    %swap3A_1067 = tpu.vector_load %arg5[%swap3A_1065, %swap3A_1066] {strides = array<i32>} : memref<8x128xi32, #tpu.memory_space<vmem>>, vector<1x16xi32>,
    %swap3A_1068 = vector.shape_cast %swap3A_1067 : vector<1x16xi32> to vector<16xi32>
    %swap3A_1069 = vector.shape_cast %add3A_1063 : vector<16xi32> to vector<1x16xi32>
    tpu.vector_store %arg5[%swap3A_1065, %swap3A_1066], %swap3A_1069 {strides = array<i32>} : memref<8x128xi32, #tpu.memory_space<vmem>>, vector<1x16xi32>,
    %get3A_1070 = arith.constant 6 : i32
    %get3A_1071 = arith.index_cast %get3A_1070 : i32 to index
    %get3A_1072 = arith.constant 48 : index
    %get3A_1073 = tpu.vector_load %arg5[%get3A_1071, %get3A_1072] {strides = array<i32>} : memref<8x128xi32, #tpu.memory_space<vmem>>, vector<1x16xi32>,
    %get3A_1074 = vector.shape_cast %get3A_1073 : vector<1x16xi32> to vector<16xi32>
    %add3A_1075 = arith.constant 816 : i32
    %add3A_1076 = vector.broadcast %add3A_1075 : i32 to vector<16xi32>
    %add3A_1077 = arith.addi %add3A_1076, %iota3A : vector<16xi32>
    %mul3A_1078 = arith.constant 1024 : i32
    %mul3A_1079 = vector.broadcast %mul3A_1078 : i32 to vector<16xi32>
    %mul3A_1080 = arith.muli %get3A_1074, %mul3A_1079 : vector<16xi32>
    %add3A_1081 = vector.broadcast %mul3A_50 : i32 to vector<16xi32>
    %add3A_1082 = arith.addi %add3A_1081, %add3A_1077 : vector<16xi32>
    %add3A_1083 = arith.addi %mul3A_1080, %add3A_1082 : vector<16xi32>
    %swap3A_1084 = arith.constant 6 : i32
    %swap3A_1085 = arith.index_cast %swap3A_1084 : i32 to index
    %swap3A_1086 = arith.constant 48 : index
    %swap3A_1087 = tpu.vector_load %arg5[%swap3A_1085, %swap3A_1086] {strides = array<i32>} : memref<8x128xi32, #tpu.memory_space<vmem>>, vector<1x16xi32>,
    %swap3A_1088 = vector.shape_cast %swap3A_1087 : vector<1x16xi32> to vector<16xi32>
    %swap3A_1089 = vector.shape_cast %add3A_1083 : vector<16xi32> to vector<1x16xi32>
    tpu.vector_store %arg5[%swap3A_1085, %swap3A_1086], %swap3A_1089 {strides = array<i32>} : memref<8x128xi32, #tpu.memory_space<vmem>>, vector<1x16xi32>,
    %get3A_1090 = arith.constant 6 : i32
    %get3A_1091 = arith.index_cast %get3A_1090 : i32 to index
    %get3A_1092 = arith.constant 64 : index
    %get3A_1093 = tpu.vector_load %arg5[%get3A_1091, %get3A_1092] {strides = array<i32>} : memref<8x128xi32, #tpu.memory_space<vmem>>, vector<1x16xi32>,
    %get3A_1094 = vector.shape_cast %get3A_1093 : vector<1x16xi32> to vector<16xi32>
    %add3A_1095 = arith.constant 832 : i32
    %add3A_1096 = vector.broadcast %add3A_1095 : i32 to vector<16xi32>
    %add3A_1097 = arith.addi %add3A_1096, %iota3A : vector<16xi32>
    %mul3A_1098 = arith.constant 1024 : i32
    %mul3A_1099 = vector.broadcast %mul3A_1098 : i32 to vector<16xi32>
    %mul3A_1100 = arith.muli %get3A_1094, %mul3A_1099 : vector<16xi32>
    %add3A_1101 = vector.broadcast %mul3A_50 : i32 to vector<16xi32>
    %add3A_1102 = arith.addi %add3A_1101, %add3A_1097 : vector<16xi32>
    %add3A_1103 = arith.addi %mul3A_1100, %add3A_1102 : vector<16xi32>
    %swap3A_1104 = arith.constant 6 : i32
    %swap3A_1105 = arith.index_cast %swap3A_1104 : i32 to index
    %swap3A_1106 = arith.constant 64 : index
    %swap3A_1107 = tpu.vector_load %arg5[%swap3A_1105, %swap3A_1106] {strides = array<i32>} : memref<8x128xi32, #tpu.memory_space<vmem>>, vector<1x16xi32>,
    %swap3A_1108 = vector.shape_cast %swap3A_1107 : vector<1x16xi32> to vector<16xi32>
    %swap3A_1109 = vector.shape_cast %add3A_1103 : vector<16xi32> to vector<1x16xi32>
    tpu.vector_store %arg5[%swap3A_1105, %swap3A_1106], %swap3A_1109 {strides = array<i32>} : memref<8x128xi32, #tpu.memory_space<vmem>>, vector<1x16xi32>,
    %get3A_1110 = arith.constant 6 : i32
    %get3A_1111 = arith.index_cast %get3A_1110 : i32 to index
    %get3A_1112 = arith.constant 80 : index
    %get3A_1113 = tpu.vector_load %arg5[%get3A_1111, %get3A_1112] {strides = array<i32>} : memref<8x128xi32, #tpu.memory_space<vmem>>, vector<1x16xi32>,
    %get3A_1114 = vector.shape_cast %get3A_1113 : vector<1x16xi32> to vector<16xi32>
    %add3A_1115 = arith.constant 848 : i32
    %add3A_1116 = vector.broadcast %add3A_1115 : i32 to vector<16xi32>
    %add3A_1117 = arith.addi %add3A_1116, %iota3A : vector<16xi32>
    %mul3A_1118 = arith.constant 1024 : i32
    %mul3A_1119 = vector.broadcast %mul3A_1118 : i32 to vector<16xi32>
    %mul3A_1120 = arith.muli %get3A_1114, %mul3A_1119 : vector<16xi32>
    %add3A_1121 = vector.broadcast %mul3A_50 : i32 to vector<16xi32>
    %add3A_1122 = arith.addi %add3A_1121, %add3A_1117 : vector<16xi32>
    %add3A_1123 = arith.addi %mul3A_1120, %add3A_1122 : vector<16xi32>
    %swap3A_1124 = arith.constant 6 : i32
    %swap3A_1125 = arith.index_cast %swap3A_1124 : i32 to index
    %swap3A_1126 = arith.constant 80 : index
    %swap3A_1127 = tpu.vector_load %arg5[%swap3A_1125, %swap3A_1126] {strides = array<i32>} : memref<8x128xi32, #tpu.memory_space<vmem>>, vector<1x16xi32>,
    %swap3A_1128 = vector.shape_cast %swap3A_1127 : vector<1x16xi32> to vector<16xi32>
    %swap3A_1129 = vector.shape_cast %add3A_1123 : vector<16xi32> to vector<1x16xi32>
    tpu.vector_store %arg5[%swap3A_1125, %swap3A_1126], %swap3A_1129 {strides = array<i32>} : memref<8x128xi32, #tpu.memory_space<vmem>>, vector<1x16xi32>,
    %get3A_1130 = arith.constant 6 : i32
    %get3A_1131 = arith.index_cast %get3A_1130 : i32 to index
    %get3A_1132 = arith.constant 96 : index
    %get3A_1133 = tpu.vector_load %arg5[%get3A_1131, %get3A_1132] {strides = array<i32>} : memref<8x128xi32, #tpu.memory_space<vmem>>, vector<1x16xi32>,
    %get3A_1134 = vector.shape_cast %get3A_1133 : vector<1x16xi32> to vector<16xi32>
    %add3A_1135 = arith.constant 864 : i32
    %add3A_1136 = vector.broadcast %add3A_1135 : i32 to vector<16xi32>
    %add3A_1137 = arith.addi %add3A_1136, %iota3A : vector<16xi32>
    %mul3A_1138 = arith.constant 1024 : i32
    %mul3A_1139 = vector.broadcast %mul3A_1138 : i32 to vector<16xi32>
    %mul3A_1140 = arith.muli %get3A_1134, %mul3A_1139 : vector<16xi32>
    %add3A_1141 = vector.broadcast %mul3A_50 : i32 to vector<16xi32>
    %add3A_1142 = arith.addi %add3A_1141, %add3A_1137 : vector<16xi32>
    %add3A_1143 = arith.addi %mul3A_1140, %add3A_1142 : vector<16xi32>
    %swap3A_1144 = arith.constant 6 : i32
    %swap3A_1145 = arith.index_cast %swap3A_1144 : i32 to index
    %swap3A_1146 = arith.constant 96 : index
    %swap3A_1147 = tpu.vector_load %arg5[%swap3A_1145, %swap3A_1146] {strides = array<i32>} : memref<8x128xi32, #tpu.memory_space<vmem>>, vector<1x16xi32>,
    %swap3A_1148 = vector.shape_cast %swap3A_1147 : vector<1x16xi32> to vector<16xi32>
    %swap3A_1149 = vector.shape_cast %add3A_1143 : vector<16xi32> to vector<1x16xi32>
    tpu.vector_store %arg5[%swap3A_1145, %swap3A_1146], %swap3A_1149 {strides = array<i32>} : memref<8x128xi32, #tpu.memory_space<vmem>>, vector<1x16xi32>,
    %get3A_1150 = arith.constant 6 : i32
    %get3A_1151 = arith.index_cast %get3A_1150 : i32 to index
    %get3A_1152 = arith.constant 112 : index
    %get3A_1153 = tpu.vector_load %arg5[%get3A_1151, %get3A_1152] {strides = array<i32>} : memref<8x128xi32, #tpu.memory_space<vmem>>, vector<1x16xi32>,
    %get3A_1154 = vector.shape_cast %get3A_1153 : vector<1x16xi32> to vector<16xi32>
    %add3A_1155 = arith.constant 880 : i32
    %add3A_1156 = vector.broadcast %add3A_1155 : i32 to vector<16xi32>
    %add3A_1157 = arith.addi %add3A_1156, %iota3A : vector<16xi32>
    %mul3A_1158 = arith.constant 1024 : i32
    %mul3A_1159 = vector.broadcast %mul3A_1158 : i32 to vector<16xi32>
    %mul3A_1160 = arith.muli %get3A_1154, %mul3A_1159 : vector<16xi32>
    %add3A_1161 = vector.broadcast %mul3A_50 : i32 to vector<16xi32>
    %add3A_1162 = arith.addi %add3A_1161, %add3A_1157 : vector<16xi32>
    %add3A_1163 = arith.addi %mul3A_1160, %add3A_1162 : vector<16xi32>
    %swap3A_1164 = arith.constant 6 : i32
    %swap3A_1165 = arith.index_cast %swap3A_1164 : i32 to index
    %swap3A_1166 = arith.constant 112 : index
    %swap3A_1167 = tpu.vector_load %arg5[%swap3A_1165, %swap3A_1166] {strides = array<i32>} : memref<8x128xi32, #tpu.memory_space<vmem>>, vector<1x16xi32>,
    %swap3A_1168 = vector.shape_cast %swap3A_1167 : vector<1x16xi32> to vector<16xi32>
    %swap3A_1169 = vector.shape_cast %add3A_1163 : vector<16xi32> to vector<1x16xi32>
    tpu.vector_store %arg5[%swap3A_1165, %swap3A_1166], %swap3A_1169 {strides = array<i32>} : memref<8x128xi32, #tpu.memory_space<vmem>>, vector<1x16xi32>,
    %get3A_1170 = arith.constant 7 : i32
    %get3A_1171 = arith.index_cast %get3A_1170 : i32 to index
    %get3A_1172 = arith.constant 0 : index
    %get3A_1173 = tpu.vector_load %arg5[%get3A_1171, %get3A_1172] {strides = array<i32>} : memref<8x128xi32, #tpu.memory_space<vmem>>, vector<1x16xi32>,
    %get3A_1174 = vector.shape_cast %get3A_1173 : vector<1x16xi32> to vector<16xi32>
    %add3A_1175 = arith.constant 896 : i32
    %add3A_1176 = vector.broadcast %add3A_1175 : i32 to vector<16xi32>
    %add3A_1177 = arith.addi %add3A_1176, %iota3A : vector<16xi32>
    %mul3A_1178 = arith.constant 1024 : i32
    %mul3A_1179 = vector.broadcast %mul3A_1178 : i32 to vector<16xi32>
    %mul3A_1180 = arith.muli %get3A_1174, %mul3A_1179 : vector<16xi32>
    %add3A_1181 = vector.broadcast %mul3A_50 : i32 to vector<16xi32>
    %add3A_1182 = arith.addi %add3A_1181, %add3A_1177 : vector<16xi32>
    %add3A_1183 = arith.addi %mul3A_1180, %add3A_1182 : vector<16xi32>
    %swap3A_1184 = arith.constant 7 : i32
    %swap3A_1185 = arith.index_cast %swap3A_1184 : i32 to index
    %swap3A_1186 = arith.constant 0 : index
    %swap3A_1187 = tpu.vector_load %arg5[%swap3A_1185, %swap3A_1186] {strides = array<i32>} : memref<8x128xi32, #tpu.memory_space<vmem>>, vector<1x16xi32>,
    %swap3A_1188 = vector.shape_cast %swap3A_1187 : vector<1x16xi32> to vector<16xi32>
    %swap3A_1189 = vector.shape_cast %add3A_1183 : vector<16xi32> to vector<1x16xi32>
    tpu.vector_store %arg5[%swap3A_1185, %swap3A_1186], %swap3A_1189 {strides = array<i32>} : memref<8x128xi32, #tpu.memory_space<vmem>>, vector<1x16xi32>,
    %get3A_1190 = arith.constant 7 : i32
    %get3A_1191 = arith.index_cast %get3A_1190 : i32 to index
    %get3A_1192 = arith.constant 16 : index
    %get3A_1193 = tpu.vector_load %arg5[%get3A_1191, %get3A_1192] {strides = array<i32>} : memref<8x128xi32, #tpu.memory_space<vmem>>, vector<1x16xi32>,
    %get3A_1194 = vector.shape_cast %get3A_1193 : vector<1x16xi32> to vector<16xi32>
    %add3A_1195 = arith.constant 912 : i32
    %add3A_1196 = vector.broadcast %add3A_1195 : i32 to vector<16xi32>
    %add3A_1197 = arith.addi %add3A_1196, %iota3A : vector<16xi32>
    %mul3A_1198 = arith.constant 1024 : i32
    %mul3A_1199 = vector.broadcast %mul3A_1198 : i32 to vector<16xi32>
    %mul3A_1200 = arith.muli %get3A_1194, %mul3A_1199 : vector<16xi32>
    %add3A_1201 = vector.broadcast %mul3A_50 : i32 to vector<16xi32>
    %add3A_1202 = arith.addi %add3A_1201, %add3A_1197 : vector<16xi32>
    %add3A_1203 = arith.addi %mul3A_1200, %add3A_1202 : vector<16xi32>
    %swap3A_1204 = arith.constant 7 : i32
    %swap3A_1205 = arith.index_cast %swap3A_1204 : i32 to index
    %swap3A_1206 = arith.constant 16 : index
    %swap3A_1207 = tpu.vector_load %arg5[%swap3A_1205, %swap3A_1206] {strides = array<i32>} : memref<8x128xi32, #tpu.memory_space<vmem>>, vector<1x16xi32>,
    %swap3A_1208 = vector.shape_cast %swap3A_1207 : vector<1x16xi32> to vector<16xi32>
    %swap3A_1209 = vector.shape_cast %add3A_1203 : vector<16xi32> to vector<1x16xi32>
    tpu.vector_store %arg5[%swap3A_1205, %swap3A_1206], %swap3A_1209 {strides = array<i32>} : memref<8x128xi32, #tpu.memory_space<vmem>>, vector<1x16xi32>,
    %get3A_1210 = arith.constant 7 : i32
    %get3A_1211 = arith.index_cast %get3A_1210 : i32 to index
    %get3A_1212 = arith.constant 32 : index
    %get3A_1213 = tpu.vector_load %arg5[%get3A_1211, %get3A_1212] {strides = array<i32>} : memref<8x128xi32, #tpu.memory_space<vmem>>, vector<1x16xi32>,
    %get3A_1214 = vector.shape_cast %get3A_1213 : vector<1x16xi32> to vector<16xi32>
    %add3A_1215 = arith.constant 928 : i32
    %add3A_1216 = vector.broadcast %add3A_1215 : i32 to vector<16xi32>
    %add3A_1217 = arith.addi %add3A_1216, %iota3A : vector<16xi32>
    %mul3A_1218 = arith.constant 1024 : i32
    %mul3A_1219 = vector.broadcast %mul3A_1218 : i32 to vector<16xi32>
    %mul3A_1220 = arith.muli %get3A_1214, %mul3A_1219 : vector<16xi32>
    %add3A_1221 = vector.broadcast %mul3A_50 : i32 to vector<16xi32>
    %add3A_1222 = arith.addi %add3A_1221, %add3A_1217 : vector<16xi32>
    %add3A_1223 = arith.addi %mul3A_1220, %add3A_1222 : vector<16xi32>
    %swap3A_1224 = arith.constant 7 : i32
    %swap3A_1225 = arith.index_cast %swap3A_1224 : i32 to index
    %swap3A_1226 = arith.constant 32 : index
    %swap3A_1227 = tpu.vector_load %arg5[%swap3A_1225, %swap3A_1226] {strides = array<i32>} : memref<8x128xi32, #tpu.memory_space<vmem>>, vector<1x16xi32>,
    %swap3A_1228 = vector.shape_cast %swap3A_1227 : vector<1x16xi32> to vector<16xi32>
    %swap3A_1229 = vector.shape_cast %add3A_1223 : vector<16xi32> to vector<1x16xi32>
    tpu.vector_store %arg5[%swap3A_1225, %swap3A_1226], %swap3A_1229 {strides = array<i32>} : memref<8x128xi32, #tpu.memory_space<vmem>>, vector<1x16xi32>,
    %get3A_1230 = arith.constant 7 : i32
    %get3A_1231 = arith.index_cast %get3A_1230 : i32 to index
    %get3A_1232 = arith.constant 48 : index
    %get3A_1233 = tpu.vector_load %arg5[%get3A_1231, %get3A_1232] {strides = array<i32>} : memref<8x128xi32, #tpu.memory_space<vmem>>, vector<1x16xi32>,
    %get3A_1234 = vector.shape_cast %get3A_1233 : vector<1x16xi32> to vector<16xi32>
    %add3A_1235 = arith.constant 944 : i32
    %add3A_1236 = vector.broadcast %add3A_1235 : i32 to vector<16xi32>
    %add3A_1237 = arith.addi %add3A_1236, %iota3A : vector<16xi32>
    %mul3A_1238 = arith.constant 1024 : i32
    %mul3A_1239 = vector.broadcast %mul3A_1238 : i32 to vector<16xi32>
    %mul3A_1240 = arith.muli %get3A_1234, %mul3A_1239 : vector<16xi32>
    %add3A_1241 = vector.broadcast %mul3A_50 : i32 to vector<16xi32>
    %add3A_1242 = arith.addi %add3A_1241, %add3A_1237 : vector<16xi32>
    %add3A_1243 = arith.addi %mul3A_1240, %add3A_1242 : vector<16xi32>
    %swap3A_1244 = arith.constant 7 : i32
    %swap3A_1245 = arith.index_cast %swap3A_1244 : i32 to index
    %swap3A_1246 = arith.constant 48 : index
    %swap3A_1247 = tpu.vector_load %arg5[%swap3A_1245, %swap3A_1246] {strides = array<i32>} : memref<8x128xi32, #tpu.memory_space<vmem>>, vector<1x16xi32>,
    %swap3A_1248 = vector.shape_cast %swap3A_1247 : vector<1x16xi32> to vector<16xi32>
    %swap3A_1249 = vector.shape_cast %add3A_1243 : vector<16xi32> to vector<1x16xi32>
    tpu.vector_store %arg5[%swap3A_1245, %swap3A_1246], %swap3A_1249 {strides = array<i32>} : memref<8x128xi32, #tpu.memory_space<vmem>>, vector<1x16xi32>,
    %get3A_1250 = arith.constant 7 : i32
    %get3A_1251 = arith.index_cast %get3A_1250 : i32 to index
    %get3A_1252 = arith.constant 64 : index
    %get3A_1253 = tpu.vector_load %arg5[%get3A_1251, %get3A_1252] {strides = array<i32>} : memref<8x128xi32, #tpu.memory_space<vmem>>, vector<1x16xi32>,
    %get3A_1254 = vector.shape_cast %get3A_1253 : vector<1x16xi32> to vector<16xi32>
    %add3A_1255 = arith.constant 960 : i32
    %add3A_1256 = vector.broadcast %add3A_1255 : i32 to vector<16xi32>
    %add3A_1257 = arith.addi %add3A_1256, %iota3A : vector<16xi32>
    %mul3A_1258 = arith.constant 1024 : i32
    %mul3A_1259 = vector.broadcast %mul3A_1258 : i32 to vector<16xi32>
    %mul3A_1260 = arith.muli %get3A_1254, %mul3A_1259 : vector<16xi32>
    %add3A_1261 = vector.broadcast %mul3A_50 : i32 to vector<16xi32>
    %add3A_1262 = arith.addi %add3A_1261, %add3A_1257 : vector<16xi32>
    %add3A_1263 = arith.addi %mul3A_1260, %add3A_1262 : vector<16xi32>
    %swap3A_1264 = arith.constant 7 : i32
    %swap3A_1265 = arith.index_cast %swap3A_1264 : i32 to index
    %swap3A_1266 = arith.constant 64 : index
    %swap3A_1267 = tpu.vector_load %arg5[%swap3A_1265, %swap3A_1266] {strides = array<i32>} : memref<8x128xi32, #tpu.memory_space<vmem>>, vector<1x16xi32>,
    %swap3A_1268 = vector.shape_cast %swap3A_1267 : vector<1x16xi32> to vector<16xi32>
    %swap3A_1269 = vector.shape_cast %add3A_1263 : vector<16xi32> to vector<1x16xi32>
    tpu.vector_store %arg5[%swap3A_1265, %swap3A_1266], %swap3A_1269 {strides = array<i32>} : memref<8x128xi32, #tpu.memory_space<vmem>>, vector<1x16xi32>,
    %get3A_1270 = arith.constant 7 : i32
    %get3A_1271 = arith.index_cast %get3A_1270 : i32 to index
    %get3A_1272 = arith.constant 80 : index
    %get3A_1273 = tpu.vector_load %arg5[%get3A_1271, %get3A_1272] {strides = array<i32>} : memref<8x128xi32, #tpu.memory_space<vmem>>, vector<1x16xi32>,
    %get3A_1274 = vector.shape_cast %get3A_1273 : vector<1x16xi32> to vector<16xi32>
    %add3A_1275 = arith.constant 976 : i32
    %add3A_1276 = vector.broadcast %add3A_1275 : i32 to vector<16xi32>
    %add3A_1277 = arith.addi %add3A_1276, %iota3A : vector<16xi32>
    %mul3A_1278 = arith.constant 1024 : i32
    %mul3A_1279 = vector.broadcast %mul3A_1278 : i32 to vector<16xi32>
    %mul3A_1280 = arith.muli %get3A_1274, %mul3A_1279 : vector<16xi32>
    %add3A_1281 = vector.broadcast %mul3A_50 : i32 to vector<16xi32>
    %add3A_1282 = arith.addi %add3A_1281, %add3A_1277 : vector<16xi32>
    %add3A_1283 = arith.addi %mul3A_1280, %add3A_1282 : vector<16xi32>
    %swap3A_1284 = arith.constant 7 : i32
    %swap3A_1285 = arith.index_cast %swap3A_1284 : i32 to index
    %swap3A_1286 = arith.constant 80 : index
    %swap3A_1287 = tpu.vector_load %arg5[%swap3A_1285, %swap3A_1286] {strides = array<i32>} : memref<8x128xi32, #tpu.memory_space<vmem>>, vector<1x16xi32>,
    %swap3A_1288 = vector.shape_cast %swap3A_1287 : vector<1x16xi32> to vector<16xi32>
    %swap3A_1289 = vector.shape_cast %add3A_1283 : vector<16xi32> to vector<1x16xi32>
    tpu.vector_store %arg5[%swap3A_1285, %swap3A_1286], %swap3A_1289 {strides = array<i32>} : memref<8x128xi32, #tpu.memory_space<vmem>>, vector<1x16xi32>,
    %get3A_1290 = arith.constant 7 : i32
    %get3A_1291 = arith.index_cast %get3A_1290 : i32 to index
    %get3A_1292 = arith.constant 96 : index
    %get3A_1293 = tpu.vector_load %arg5[%get3A_1291, %get3A_1292] {strides = array<i32>} : memref<8x128xi32, #tpu.memory_space<vmem>>, vector<1x16xi32>,
    %get3A_1294 = vector.shape_cast %get3A_1293 : vector<1x16xi32> to vector<16xi32>
    %add3A_1295 = arith.constant 992 : i32
    %add3A_1296 = vector.broadcast %add3A_1295 : i32 to vector<16xi32>
    %add3A_1297 = arith.addi %add3A_1296, %iota3A : vector<16xi32>
    %mul3A_1298 = arith.constant 1024 : i32
    %mul3A_1299 = vector.broadcast %mul3A_1298 : i32 to vector<16xi32>
    %mul3A_1300 = arith.muli %get3A_1294, %mul3A_1299 : vector<16xi32>
    %add3A_1301 = vector.broadcast %mul3A_50 : i32 to vector<16xi32>
    %add3A_1302 = arith.addi %add3A_1301, %add3A_1297 : vector<16xi32>
    %add3A_1303 = arith.addi %mul3A_1300, %add3A_1302 : vector<16xi32>
    %swap3A_1304 = arith.constant 7 : i32
    %swap3A_1305 = arith.index_cast %swap3A_1304 : i32 to index
    %swap3A_1306 = arith.constant 96 : index
    %swap3A_1307 = tpu.vector_load %arg5[%swap3A_1305, %swap3A_1306] {strides = array<i32>} : memref<8x128xi32, #tpu.memory_space<vmem>>, vector<1x16xi32>,
    %swap3A_1308 = vector.shape_cast %swap3A_1307 : vector<1x16xi32> to vector<16xi32>
    %swap3A_1309 = vector.shape_cast %add3A_1303 : vector<16xi32> to vector<1x16xi32>
    tpu.vector_store %arg5[%swap3A_1305, %swap3A_1306], %swap3A_1309 {strides = array<i32>} : memref<8x128xi32, #tpu.memory_space<vmem>>, vector<1x16xi32>,
    %get3A_1310 = arith.constant 7 : i32
    %get3A_1311 = arith.index_cast %get3A_1310 : i32 to index
    %get3A_1312 = arith.constant 112 : index
    %get3A_1313 = tpu.vector_load %arg5[%get3A_1311, %get3A_1312] {strides = array<i32>} : memref<8x128xi32, #tpu.memory_space<vmem>>, vector<1x16xi32>,
    %get3A_1314 = vector.shape_cast %get3A_1313 : vector<1x16xi32> to vector<16xi32>
    %add3A_1315 = arith.constant 1008 : i32
    %add3A_1316 = vector.broadcast %add3A_1315 : i32 to vector<16xi32>
    %add3A_1317 = arith.addi %add3A_1316, %iota3A : vector<16xi32>
    %mul3A_1318 = arith.constant 1024 : i32
    %mul3A_1319 = vector.broadcast %mul3A_1318 : i32 to vector<16xi32>
    %mul3A_1320 = arith.muli %get3A_1314, %mul3A_1319 : vector<16xi32>
    %add3A_1321 = vector.broadcast %mul3A_50 : i32 to vector<16xi32>
    %add3A_1322 = arith.addi %add3A_1321, %add3A_1317 : vector<16xi32>
    %add3A_1323 = arith.addi %mul3A_1320, %add3A_1322 : vector<16xi32>
    %swap3A_1324 = arith.constant 7 : i32
    %swap3A_1325 = arith.index_cast %swap3A_1324 : i32 to index
    %swap3A_1326 = arith.constant 112 : index
    %swap3A_1327 = tpu.vector_load %arg5[%swap3A_1325, %swap3A_1326] {strides = array<i32>} : memref<8x128xi32, #tpu.memory_space<vmem>>, vector<1x16xi32>,
    %swap3A_1328 = vector.shape_cast %swap3A_1327 : vector<1x16xi32> to vector<16xi32>
    %swap3A_1329 = vector.shape_cast %add3A_1323 : vector<16xi32> to vector<1x16xi32>
    tpu.vector_store %arg5[%swap3A_1325, %swap3A_1326], %swap3A_1329 {strides = array<i32>} : memref<8x128xi32, #tpu.memory_space<vmem>>, vector<1x16xi32>,
    %dma_start3A = arith.constant 0 : i32
    %dma_start3A_1330 = arith.constant 0 : i32
    %dma_start3A_1331 = tpu.memref_slice %arg5[%dma_start3A, %dma_start3A_1330] : memref<8x128xi32, #tpu.memory_space<vmem>> -> memref<1x128xi32, #tpu.memory_space<vmem>>
    %dma_start3A_1332 = tpu.memref_squeeze %dma_start3A_1331 : memref<1x128xi32, #tpu.memory_space<vmem>> -> memref<128xi32, #tpu.memory_space<vmem>>
    %dma_start3A_1333 = arith.constant 0 : i32
    %dma_start3A_1334 = tpu.memref_slice %arg3[%dma_start3A_1333] : memref<12582912xf32, #tpu.memory_space<hbm>> -> memref<12582912xf32, #tpu.memory_space<hbm>>
    tpu.enqueue_indirect_dma source(%arg6 : memref<128xf32, #tpu.memory_space<vmem>>) target(%dma_start3A_1334 : memref<12582912xf32, #tpu.memory_space<hbm>>) offsets(%dma_start3A_1332 : memref<128xi32, #tpu.memory_space<vmem>>) semaphore(%arg7 : memref<!tpu.dma_semaphore, #tpu.memory_space<semaphore_mem>>)
    %dma_start3A_1335 = arith.constant 1 : i32
    %dma_start3A_1336 = arith.constant 0 : i32
    %dma_start3A_1337 = tpu.memref_slice %arg5[%dma_start3A_1335, %dma_start3A_1336] : memref<8x128xi32, #tpu.memory_space<vmem>> -> memref<1x128xi32, #tpu.memory_space<vmem>>
    %dma_start3A_1338 = tpu.memref_squeeze %dma_start3A_1337 : memref<1x128xi32, #tpu.memory_space<vmem>> -> memref<128xi32, #tpu.memory_space<vmem>>
    %dma_start3A_1339 = arith.constant 0 : i32
    %dma_start3A_1340 = tpu.memref_slice %arg3[%dma_start3A_1339] : memref<12582912xf32, #tpu.memory_space<hbm>> -> memref<12582912xf32, #tpu.memory_space<hbm>>
    tpu.enqueue_indirect_dma source(%arg6 : memref<128xf32, #tpu.memory_space<vmem>>) target(%dma_start3A_1340 : memref<12582912xf32, #tpu.memory_space<hbm>>) offsets(%dma_start3A_1338 : memref<128xi32, #tpu.memory_space<vmem>>) semaphore(%arg7 : memref<!tpu.dma_semaphore, #tpu.memory_space<semaphore_mem>>)
    %dma_start3A_1341 = arith.constant 2 : i32
    %dma_start3A_1342 = arith.constant 0 : i32
    %dma_start3A_1343 = tpu.memref_slice %arg5[%dma_start3A_1341, %dma_start3A_1342] : memref<8x128xi32, #tpu.memory_space<vmem>> -> memref<1x128xi32, #tpu.memory_space<vmem>>
    %dma_start3A_1344 = tpu.memref_squeeze %dma_start3A_1343 : memref<1x128xi32, #tpu.memory_space<vmem>> -> memref<128xi32, #tpu.memory_space<vmem>>
    %dma_start3A_1345 = arith.constant 0 : i32
    %dma_start3A_1346 = tpu.memref_slice %arg3[%dma_start3A_1345] : memref<12582912xf32, #tpu.memory_space<hbm>> -> memref<12582912xf32, #tpu.memory_space<hbm>>
    tpu.enqueue_indirect_dma source(%arg6 : memref<128xf32, #tpu.memory_space<vmem>>) target(%dma_start3A_1346 : memref<12582912xf32, #tpu.memory_space<hbm>>) offsets(%dma_start3A_1344 : memref<128xi32, #tpu.memory_space<vmem>>) semaphore(%arg7 : memref<!tpu.dma_semaphore, #tpu.memory_space<semaphore_mem>>)
    %dma_start3A_1347 = arith.constant 3 : i32
    %dma_start3A_1348 = arith.constant 0 : i32
    %dma_start3A_1349 = tpu.memref_slice %arg5[%dma_start3A_1347, %dma_start3A_1348] : memref<8x128xi32, #tpu.memory_space<vmem>> -> memref<1x128xi32, #tpu.memory_space<vmem>>
    %dma_start3A_1350 = tpu.memref_squeeze %dma_start3A_1349 : memref<1x128xi32, #tpu.memory_space<vmem>> -> memref<128xi32, #tpu.memory_space<vmem>>
    %dma_start3A_1351 = arith.constant 0 : i32
    %dma_start3A_1352 = tpu.memref_slice %arg3[%dma_start3A_1351] : memref<12582912xf32, #tpu.memory_space<hbm>> -> memref<12582912xf32, #tpu.memory_space<hbm>>
    tpu.enqueue_indirect_dma source(%arg6 : memref<128xf32, #tpu.memory_space<vmem>>) target(%dma_start3A_1352 : memref<12582912xf32, #tpu.memory_space<hbm>>) offsets(%dma_start3A_1350 : memref<128xi32, #tpu.memory_space<vmem>>) semaphore(%arg7 : memref<!tpu.dma_semaphore, #tpu.memory_space<semaphore_mem>>)
    %dma_start3A_1353 = arith.constant 4 : i32
    %dma_start3A_1354 = arith.constant 0 : i32
    %dma_start3A_1355 = tpu.memref_slice %arg5[%dma_start3A_1353, %dma_start3A_1354] : memref<8x128xi32, #tpu.memory_space<vmem>> -> memref<1x128xi32, #tpu.memory_space<vmem>>
    %dma_start3A_1356 = tpu.memref_squeeze %dma_start3A_1355 : memref<1x128xi32, #tpu.memory_space<vmem>> -> memref<128xi32, #tpu.memory_space<vmem>>
    %dma_start3A_1357 = arith.constant 0 : i32
    %dma_start3A_1358 = tpu.memref_slice %arg3[%dma_start3A_1357] : memref<12582912xf32, #tpu.memory_space<hbm>> -> memref<12582912xf32, #tpu.memory_space<hbm>>
    tpu.enqueue_indirect_dma source(%arg6 : memref<128xf32, #tpu.memory_space<vmem>>) target(%dma_start3A_1358 : memref<12582912xf32, #tpu.memory_space<hbm>>) offsets(%dma_start3A_1356 : memref<128xi32, #tpu.memory_space<vmem>>) semaphore(%arg7 : memref<!tpu.dma_semaphore, #tpu.memory_space<semaphore_mem>>)
    %dma_start3A_1359 = arith.constant 5 : i32
    %dma_start3A_1360 = arith.constant 0 : i32
    %dma_start3A_1361 = tpu.memref_slice %arg5[%dma_start3A_1359, %dma_start3A_1360] : memref<8x128xi32, #tpu.memory_space<vmem>> -> memref<1x128xi32, #tpu.memory_space<vmem>>
    %dma_start3A_1362 = tpu.memref_squeeze %dma_start3A_1361 : memref<1x128xi32, #tpu.memory_space<vmem>> -> memref<128xi32, #tpu.memory_space<vmem>>
    %dma_start3A_1363 = arith.constant 0 : i32
    %dma_start3A_1364 = tpu.memref_slice %arg3[%dma_start3A_1363] : memref<12582912xf32, #tpu.memory_space<hbm>> -> memref<12582912xf32, #tpu.memory_space<hbm>>
    tpu.enqueue_indirect_dma source(%arg6 : memref<128xf32, #tpu.memory_space<vmem>>) target(%dma_start3A_1364 : memref<12582912xf32, #tpu.memory_space<hbm>>) offsets(%dma_start3A_1362 : memref<128xi32, #tpu.memory_space<vmem>>) semaphore(%arg7 : memref<!tpu.dma_semaphore, #tpu.memory_space<semaphore_mem>>)
    %dma_start3A_1365 = arith.constant 6 : i32
    %dma_start3A_1366 = arith.constant 0 : i32
    %dma_start3A_1367 = tpu.memref_slice %arg5[%dma_start3A_1365, %dma_start3A_1366] : memref<8x128xi32, #tpu.memory_space<vmem>> -> memref<1x128xi32, #tpu.memory_space<vmem>>
    %dma_start3A_1368 = tpu.memref_squeeze %dma_start3A_1367 : memref<1x128xi32, #tpu.memory_space<vmem>> -> memref<128xi32, #tpu.memory_space<vmem>>
    %dma_start3A_1369 = arith.constant 0 : i32
    %dma_start3A_1370 = tpu.memref_slice %arg3[%dma_start3A_1369] : memref<12582912xf32, #tpu.memory_space<hbm>> -> memref<12582912xf32, #tpu.memory_space<hbm>>
    tpu.enqueue_indirect_dma source(%arg6 : memref<128xf32, #tpu.memory_space<vmem>>) target(%dma_start3A_1370 : memref<12582912xf32, #tpu.memory_space<hbm>>) offsets(%dma_start3A_1368 : memref<128xi32, #tpu.memory_space<vmem>>) semaphore(%arg7 : memref<!tpu.dma_semaphore, #tpu.memory_space<semaphore_mem>>)
    %dma_start3A_1371 = arith.constant 7 : i32
    %dma_start3A_1372 = arith.constant 0 : i32
    %dma_start3A_1373 = tpu.memref_slice %arg5[%dma_start3A_1371, %dma_start3A_1372] : memref<8x128xi32, #tpu.memory_space<vmem>> -> memref<1x128xi32, #tpu.memory_space<vmem>>
    %dma_start3A_1374 = tpu.memref_squeeze %dma_start3A_1373 : memref<1x128xi32, #tpu.memory_space<vmem>> -> memref<128xi32, #tpu.memory_space<vmem>>
    %dma_start3A_1375 = arith.constant 0 : i32
    %dma_start3A_1376 = tpu.memref_slice %arg3[%dma_start3A_1375] : memref<12582912xf32, #tpu.memory_space<hbm>> -> memref<12582912xf32, #tpu.memory_space<hbm>>
    tpu.enqueue_indirect_dma source(%arg6 : memref<128xf32, #tpu.memory_space<vmem>>) target(%dma_start3A_1376 : memref<12582912xf32, #tpu.memory_space<hbm>>) offsets(%dma_start3A_1374 : memref<128xi32, #tpu.memory_space<vmem>>) semaphore(%arg7 : memref<!tpu.dma_semaphore, #tpu.memory_space<semaphore_mem>>)
    %dma_wait3A = arith.constant 0 : i32
    %dma_wait3A_1377 = arith.constant 0 : i32
    %dma_wait3A_1378 = tpu.memref_slice %arg5[%dma_wait3A, %dma_wait3A_1377] : memref<8x128xi32, #tpu.memory_space<vmem>> -> memref<1x128xi32, #tpu.memory_space<vmem>>
    %dma_wait3A_1379 = tpu.memref_squeeze %dma_wait3A_1378 : memref<1x128xi32, #tpu.memory_space<vmem>> -> memref<128xi32, #tpu.memory_space<vmem>>
    %dma_wait3A_1380 = arith.constant 0 : i32
    %dma_wait3A_1381 = tpu.memref_slice %arg3[%dma_wait3A_1380] : memref<12582912xf32, #tpu.memory_space<hbm>> -> memref<12582912xf32, #tpu.memory_space<hbm>>
    tpu.wait_indirect_dma semaphore(%arg7 : memref<!tpu.dma_semaphore, #tpu.memory_space<semaphore_mem>>) src(%arg6 : memref<128xf32, #tpu.memory_space<vmem>>) dst(%dma_wait3A_1381 : memref<12582912xf32, #tpu.memory_space<hbm>>)
    %dma_wait3A_1382 = arith.constant 1 : i32
    %dma_wait3A_1383 = arith.constant 0 : i32
    %dma_wait3A_1384 = tpu.memref_slice %arg5[%dma_wait3A_1382, %dma_wait3A_1383] : memref<8x128xi32, #tpu.memory_space<vmem>> -> memref<1x128xi32, #tpu.memory_space<vmem>>
    %dma_wait3A_1385 = tpu.memref_squeeze %dma_wait3A_1384 : memref<1x128xi32, #tpu.memory_space<vmem>> -> memref<128xi32, #tpu.memory_space<vmem>>
    %dma_wait3A_1386 = arith.constant 0 : i32
    %dma_wait3A_1387 = tpu.memref_slice %arg3[%dma_wait3A_1386] : memref<12582912xf32, #tpu.memory_space<hbm>> -> memref<12582912xf32, #tpu.memory_space<hbm>>
    tpu.wait_indirect_dma semaphore(%arg7 : memref<!tpu.dma_semaphore, #tpu.memory_space<semaphore_mem>>) src(%arg6 : memref<128xf32, #tpu.memory_space<vmem>>) dst(%dma_wait3A_1387 : memref<12582912xf32, #tpu.memory_space<hbm>>)
    %dma_wait3A_1388 = arith.constant 2 : i32
    %dma_wait3A_1389 = arith.constant 0 : i32
    %dma_wait3A_1390 = tpu.memref_slice %arg5[%dma_wait3A_1388, %dma_wait3A_1389] : memref<8x128xi32, #tpu.memory_space<vmem>> -> memref<1x128xi32, #tpu.memory_space<vmem>>
    %dma_wait3A_1391 = tpu.memref_squeeze %dma_wait3A_1390 : memref<1x128xi32, #tpu.memory_space<vmem>> -> memref<128xi32, #tpu.memory_space<vmem>>
    %dma_wait3A_1392 = arith.constant 0 : i32
    %dma_wait3A_1393 = tpu.memref_slice %arg3[%dma_wait3A_1392] : memref<12582912xf32, #tpu.memory_space<hbm>> -> memref<12582912xf32, #tpu.memory_space<hbm>>
    tpu.wait_indirect_dma semaphore(%arg7 : memref<!tpu.dma_semaphore, #tpu.memory_space<semaphore_mem>>) src(%arg6 : memref<128xf32, #tpu.memory_space<vmem>>) dst(%dma_wait3A_1393 : memref<12582912xf32, #tpu.memory_space<hbm>>)
    %dma_wait3A_1394 = arith.constant 3 : i32
    %dma_wait3A_1395 = arith.constant 0 : i32
    %dma_wait3A_1396 = tpu.memref_slice %arg5[%dma_wait3A_1394, %dma_wait3A_1395] : memref<8x128xi32, #tpu.memory_space<vmem>> -> memref<1x128xi32, #tpu.memory_space<vmem>>
    %dma_wait3A_1397 = tpu.memref_squeeze %dma_wait3A_1396 : memref<1x128xi32, #tpu.memory_space<vmem>> -> memref<128xi32, #tpu.memory_space<vmem>>
    %dma_wait3A_1398 = arith.constant 0 : i32
    %dma_wait3A_1399 = tpu.memref_slice %arg3[%dma_wait3A_1398] : memref<12582912xf32, #tpu.memory_space<hbm>> -> memref<12582912xf32, #tpu.memory_space<hbm>>
    tpu.wait_indirect_dma semaphore(%arg7 : memref<!tpu.dma_semaphore, #tpu.memory_space<semaphore_mem>>) src(%arg6 : memref<128xf32, #tpu.memory_space<vmem>>) dst(%dma_wait3A_1399 : memref<12582912xf32, #tpu.memory_space<hbm>>)
    %dma_wait3A_1400 = arith.constant 4 : i32
    %dma_wait3A_1401 = arith.constant 0 : i32
    %dma_wait3A_1402 = tpu.memref_slice %arg5[%dma_wait3A_1400, %dma_wait3A_1401] : memref<8x128xi32, #tpu.memory_space<vmem>> -> memref<1x128xi32, #tpu.memory_space<vmem>>
    %dma_wait3A_1403 = tpu.memref_squeeze %dma_wait3A_1402 : memref<1x128xi32, #tpu.memory_space<vmem>> -> memref<128xi32, #tpu.memory_space<vmem>>
    %dma_wait3A_1404 = arith.constant 0 : i32
    %dma_wait3A_1405 = tpu.memref_slice %arg3[%dma_wait3A_1404] : memref<12582912xf32, #tpu.memory_space<hbm>> -> memref<12582912xf32, #tpu.memory_space<hbm>>
    tpu.wait_indirect_dma semaphore(%arg7 : memref<!tpu.dma_semaphore, #tpu.memory_space<semaphore_mem>>) src(%arg6 : memref<128xf32, #tpu.memory_space<vmem>>) dst(%dma_wait3A_1405 : memref<12582912xf32, #tpu.memory_space<hbm>>)
    %dma_wait3A_1406 = arith.constant 5 : i32
    %dma_wait3A_1407 = arith.constant 0 : i32
    %dma_wait3A_1408 = tpu.memref_slice %arg5[%dma_wait3A_1406, %dma_wait3A_1407] : memref<8x128xi32, #tpu.memory_space<vmem>> -> memref<1x128xi32, #tpu.memory_space<vmem>>
    %dma_wait3A_1409 = tpu.memref_squeeze %dma_wait3A_1408 : memref<1x128xi32, #tpu.memory_space<vmem>> -> memref<128xi32, #tpu.memory_space<vmem>>
    %dma_wait3A_1410 = arith.constant 0 : i32
    %dma_wait3A_1411 = tpu.memref_slice %arg3[%dma_wait3A_1410] : memref<12582912xf32, #tpu.memory_space<hbm>> -> memref<12582912xf32, #tpu.memory_space<hbm>>
    tpu.wait_indirect_dma semaphore(%arg7 : memref<!tpu.dma_semaphore, #tpu.memory_space<semaphore_mem>>) src(%arg6 : memref<128xf32, #tpu.memory_space<vmem>>) dst(%dma_wait3A_1411 : memref<12582912xf32, #tpu.memory_space<hbm>>)
    %dma_wait3A_1412 = arith.constant 6 : i32
    %dma_wait3A_1413 = arith.constant 0 : i32
    %dma_wait3A_1414 = tpu.memref_slice %arg5[%dma_wait3A_1412, %dma_wait3A_1413] : memref<8x128xi32, #tpu.memory_space<vmem>> -> memref<1x128xi32, #tpu.memory_space<vmem>>
    %dma_wait3A_1415 = tpu.memref_squeeze %dma_wait3A_1414 : memref<1x128xi32, #tpu.memory_space<vmem>> -> memref<128xi32, #tpu.memory_space<vmem>>
    %dma_wait3A_1416 = arith.constant 0 : i32
    %dma_wait3A_1417 = tpu.memref_slice %arg3[%dma_wait3A_1416] : memref<12582912xf32, #tpu.memory_space<hbm>> -> memref<12582912xf32, #tpu.memory_space<hbm>>
    tpu.wait_indirect_dma semaphore(%arg7 : memref<!tpu.dma_semaphore, #tpu.memory_space<semaphore_mem>>) src(%arg6 : memref<128xf32, #tpu.memory_space<vmem>>) dst(%dma_wait3A_1417 : memref<12582912xf32, #tpu.memory_space<hbm>>)
    %dma_wait3A_1418 = arith.constant 7 : i32
    %dma_wait3A_1419 = arith.constant 0 : i32
    %dma_wait3A_1420 = tpu.memref_slice %arg5[%dma_wait3A_1418, %dma_wait3A_1419] : memref<8x128xi32, #tpu.memory_space<vmem>> -> memref<1x128xi32, #tpu.memory_space<vmem>>
    %dma_wait3A_1421 = tpu.memref_squeeze %dma_wait3A_1420 : memref<1x128xi32, #tpu.memory_space<vmem>> -> memref<128xi32, #tpu.memory_space<vmem>>
    %dma_wait3A_1422 = arith.constant 0 : i32
    %dma_wait3A_1423 = tpu.memref_slice %arg3[%dma_wait3A_1422] : memref<12582912xf32, #tpu.memory_space<hbm>> -> memref<12582912xf32, #tpu.memory_space<hbm>>
    tpu.wait_indirect_dma semaphore(%arg7 : memref<!tpu.dma_semaphore, #tpu.memory_space<semaphore_mem>>) src(%arg6 : memref<128xf32, #tpu.memory_space<vmem>>) dst(%dma_wait3A_1423 : memref<12582912xf32, #tpu.memory_space<hbm>>)
    return
  }
}

#map = affine_map<(d0, d1) -> (0)>
module attributes {stable_mosaic.version = 14 : i64} {
  func.func @new_body(%arg0: i32, %arg1: i32, %arg2: memref<12582912xf32, #tpu.memory_space<hbm>>, %arg3: memref<12582912xf32, #tpu.memory_space<hbm>>, %arg4: memref<16384xf32, #tpu.memory_space<vmem>>, %arg5: memref<!tpu.dma_semaphore, #tpu.memory_space<semaphore_mem>>) attributes {dimension_semantics = [#tpu.dimension_semantics<core_parallel>, #tpu.dimension_semantics<subcore_parallel>], iteration_bounds = array<i64: 2, 16>, scalar_prefetch = 0 : i64, scratch_operands = 2 : i64, tpu.core_type = #tpu.core_type<sc_vector_subcore>, window_params = [{transform_indices = #map}, {transform_indices = #map}]} {
    %mul3A = arith.constant 2 : i32
    %mul3A_0 = arith.muli %arg1, %mul3A : i32
    %add3A = arith.addi %mul3A_0, %arg0 : i32
    %scan3A = arith.constant 0 : i32
    %scan3A_1 = arith.constant 0 : i32
    %scan3A_2 = arith.constant 1024 : i32
    %scan3A_3 = arith.addi %scan3A_1, %scan3A_2 : i32
    %scan3A_4 = arith.constant 1 : i32
    scf.for %scan3A_150 = %scan3A_1 to %scan3A_3 step %scan3A_4  : i32 {
      %broadcast_in_dim3A = arith.constant 0.000000e+00 : f32
      %broadcast_in_dim3A_151 = vector.broadcast %broadcast_in_dim3A : f32 to vector<16xf32>
      %mul3A_152 = arith.constant 16 : i32
      %mul3A_153 = arith.muli %scan3A_150, %mul3A_152 : i32
      %swap3A = arith.index_cast %mul3A_153 : i32 to index
      %swap3A_154 = tpu.vector_load %arg4[%swap3A] {strides = array<i32>} : memref<16384xf32, #tpu.memory_space<vmem>>, vector<16xf32>,
      %swap3A_155 = vector.shape_cast %swap3A_154 : vector<16xf32> to vector<16xf32>
      %swap3A_156 = vector.shape_cast %broadcast_in_dim3A_151 : vector<16xf32> to vector<16xf32>
      tpu.vector_store %arg4[%swap3A], %swap3A_156 {strides = array<i32>} : memref<16384xf32, #tpu.memory_space<vmem>>, vector<16xf32>,
    }
    %scan3A_5 = arith.constant 1024 : i32
    %mul3A_6 = arith.constant 393216 : i32
    %mul3A_7 = arith.muli %add3A, %mul3A_6 : i32
    %add3A_8 = arith.constant 0 : i32
    %add3A_9 = arith.addi %mul3A_7, %add3A_8 : i32
    %dma_start3A = tpu.memref_slice %arg2[%add3A_9] : memref<12582912xf32, #tpu.memory_space<hbm>> -> memref<16384xf32, #tpu.memory_space<hbm>>
    %dma_start3A_10 = tpu.memref_slice %arg2[%add3A_9] : memref<12582912xf32, #tpu.memory_space<hbm>> -> memref<16384xf32, #tpu.memory_space<hbm>>
    tpu.enqueue_dma source(%arg4 : memref<16384xf32, #tpu.memory_space<vmem>>) target(%dma_start3A_10 : memref<16384xf32, #tpu.memory_space<hbm>>) target_semaphore(%arg5 : memref<!tpu.dma_semaphore, #tpu.memory_space<semaphore_mem>>)
    %add3A_11 = arith.constant 16384 : i32
    %add3A_12 = arith.addi %mul3A_7, %add3A_11 : i32
    %dma_start3A_13 = tpu.memref_slice %arg2[%add3A_12] : memref<12582912xf32, #tpu.memory_space<hbm>> -> memref<16384xf32, #tpu.memory_space<hbm>>
    %dma_start3A_14 = tpu.memref_slice %arg2[%add3A_12] : memref<12582912xf32, #tpu.memory_space<hbm>> -> memref<16384xf32, #tpu.memory_space<hbm>>
    tpu.enqueue_dma source(%arg4 : memref<16384xf32, #tpu.memory_space<vmem>>) target(%dma_start3A_14 : memref<16384xf32, #tpu.memory_space<hbm>>) target_semaphore(%arg5 : memref<!tpu.dma_semaphore, #tpu.memory_space<semaphore_mem>>)
    %add3A_15 = arith.constant 32768 : i32
    %add3A_16 = arith.addi %mul3A_7, %add3A_15 : i32
    %dma_start3A_17 = tpu.memref_slice %arg2[%add3A_16] : memref<12582912xf32, #tpu.memory_space<hbm>> -> memref<16384xf32, #tpu.memory_space<hbm>>
    %dma_start3A_18 = tpu.memref_slice %arg2[%add3A_16] : memref<12582912xf32, #tpu.memory_space<hbm>> -> memref<16384xf32, #tpu.memory_space<hbm>>
    tpu.enqueue_dma source(%arg4 : memref<16384xf32, #tpu.memory_space<vmem>>) target(%dma_start3A_18 : memref<16384xf32, #tpu.memory_space<hbm>>) target_semaphore(%arg5 : memref<!tpu.dma_semaphore, #tpu.memory_space<semaphore_mem>>)
    %add3A_19 = arith.constant 49152 : i32
    %add3A_20 = arith.addi %mul3A_7, %add3A_19 : i32
    %dma_start3A_21 = tpu.memref_slice %arg2[%add3A_20] : memref<12582912xf32, #tpu.memory_space<hbm>> -> memref<16384xf32, #tpu.memory_space<hbm>>
    %dma_start3A_22 = tpu.memref_slice %arg2[%add3A_20] : memref<12582912xf32, #tpu.memory_space<hbm>> -> memref<16384xf32, #tpu.memory_space<hbm>>
    tpu.enqueue_dma source(%arg4 : memref<16384xf32, #tpu.memory_space<vmem>>) target(%dma_start3A_22 : memref<16384xf32, #tpu.memory_space<hbm>>) target_semaphore(%arg5 : memref<!tpu.dma_semaphore, #tpu.memory_space<semaphore_mem>>)
    %add3A_23 = arith.constant 65536 : i32
    %add3A_24 = arith.addi %mul3A_7, %add3A_23 : i32
    %dma_start3A_25 = tpu.memref_slice %arg2[%add3A_24] : memref<12582912xf32, #tpu.memory_space<hbm>> -> memref<16384xf32, #tpu.memory_space<hbm>>
    %dma_start3A_26 = tpu.memref_slice %arg2[%add3A_24] : memref<12582912xf32, #tpu.memory_space<hbm>> -> memref<16384xf32, #tpu.memory_space<hbm>>
    tpu.enqueue_dma source(%arg4 : memref<16384xf32, #tpu.memory_space<vmem>>) target(%dma_start3A_26 : memref<16384xf32, #tpu.memory_space<hbm>>) target_semaphore(%arg5 : memref<!tpu.dma_semaphore, #tpu.memory_space<semaphore_mem>>)
    %add3A_27 = arith.constant 81920 : i32
    %add3A_28 = arith.addi %mul3A_7, %add3A_27 : i32
    %dma_start3A_29 = tpu.memref_slice %arg2[%add3A_28] : memref<12582912xf32, #tpu.memory_space<hbm>> -> memref<16384xf32, #tpu.memory_space<hbm>>
    %dma_start3A_30 = tpu.memref_slice %arg2[%add3A_28] : memref<12582912xf32, #tpu.memory_space<hbm>> -> memref<16384xf32, #tpu.memory_space<hbm>>
    tpu.enqueue_dma source(%arg4 : memref<16384xf32, #tpu.memory_space<vmem>>) target(%dma_start3A_30 : memref<16384xf32, #tpu.memory_space<hbm>>) target_semaphore(%arg5 : memref<!tpu.dma_semaphore, #tpu.memory_space<semaphore_mem>>)
    %add3A_31 = arith.constant 98304 : i32
    %add3A_32 = arith.addi %mul3A_7, %add3A_31 : i32
    %dma_start3A_33 = tpu.memref_slice %arg2[%add3A_32] : memref<12582912xf32, #tpu.memory_space<hbm>> -> memref<16384xf32, #tpu.memory_space<hbm>>
    %dma_start3A_34 = tpu.memref_slice %arg2[%add3A_32] : memref<12582912xf32, #tpu.memory_space<hbm>> -> memref<16384xf32, #tpu.memory_space<hbm>>
    tpu.enqueue_dma source(%arg4 : memref<16384xf32, #tpu.memory_space<vmem>>) target(%dma_start3A_34 : memref<16384xf32, #tpu.memory_space<hbm>>) target_semaphore(%arg5 : memref<!tpu.dma_semaphore, #tpu.memory_space<semaphore_mem>>)
    %add3A_35 = arith.constant 114688 : i32
    %add3A_36 = arith.addi %mul3A_7, %add3A_35 : i32
    %dma_start3A_37 = tpu.memref_slice %arg2[%add3A_36] : memref<12582912xf32, #tpu.memory_space<hbm>> -> memref<16384xf32, #tpu.memory_space<hbm>>
    %dma_start3A_38 = tpu.memref_slice %arg2[%add3A_36] : memref<12582912xf32, #tpu.memory_space<hbm>> -> memref<16384xf32, #tpu.memory_space<hbm>>
    tpu.enqueue_dma source(%arg4 : memref<16384xf32, #tpu.memory_space<vmem>>) target(%dma_start3A_38 : memref<16384xf32, #tpu.memory_space<hbm>>) target_semaphore(%arg5 : memref<!tpu.dma_semaphore, #tpu.memory_space<semaphore_mem>>)
    %add3A_39 = arith.constant 131072 : i32
    %add3A_40 = arith.addi %mul3A_7, %add3A_39 : i32
    %dma_start3A_41 = tpu.memref_slice %arg2[%add3A_40] : memref<12582912xf32, #tpu.memory_space<hbm>> -> memref<16384xf32, #tpu.memory_space<hbm>>
    %dma_start3A_42 = tpu.memref_slice %arg2[%add3A_40] : memref<12582912xf32, #tpu.memory_space<hbm>> -> memref<16384xf32, #tpu.memory_space<hbm>>
    tpu.enqueue_dma source(%arg4 : memref<16384xf32, #tpu.memory_space<vmem>>) target(%dma_start3A_42 : memref<16384xf32, #tpu.memory_space<hbm>>) target_semaphore(%arg5 : memref<!tpu.dma_semaphore, #tpu.memory_space<semaphore_mem>>)
    %add3A_43 = arith.constant 147456 : i32
    %add3A_44 = arith.addi %mul3A_7, %add3A_43 : i32
    %dma_start3A_45 = tpu.memref_slice %arg2[%add3A_44] : memref<12582912xf32, #tpu.memory_space<hbm>> -> memref<16384xf32, #tpu.memory_space<hbm>>
    %dma_start3A_46 = tpu.memref_slice %arg2[%add3A_44] : memref<12582912xf32, #tpu.memory_space<hbm>> -> memref<16384xf32, #tpu.memory_space<hbm>>
    tpu.enqueue_dma source(%arg4 : memref<16384xf32, #tpu.memory_space<vmem>>) target(%dma_start3A_46 : memref<16384xf32, #tpu.memory_space<hbm>>) target_semaphore(%arg5 : memref<!tpu.dma_semaphore, #tpu.memory_space<semaphore_mem>>)
    %add3A_47 = arith.constant 163840 : i32
    %add3A_48 = arith.addi %mul3A_7, %add3A_47 : i32
    %dma_start3A_49 = tpu.memref_slice %arg2[%add3A_48] : memref<12582912xf32, #tpu.memory_space<hbm>> -> memref<16384xf32, #tpu.memory_space<hbm>>
    %dma_start3A_50 = tpu.memref_slice %arg2[%add3A_48] : memref<12582912xf32, #tpu.memory_space<hbm>> -> memref<16384xf32, #tpu.memory_space<hbm>>
    tpu.enqueue_dma source(%arg4 : memref<16384xf32, #tpu.memory_space<vmem>>) target(%dma_start3A_50 : memref<16384xf32, #tpu.memory_space<hbm>>) target_semaphore(%arg5 : memref<!tpu.dma_semaphore, #tpu.memory_space<semaphore_mem>>)
    %add3A_51 = arith.constant 180224 : i32
    %add3A_52 = arith.addi %mul3A_7, %add3A_51 : i32
    %dma_start3A_53 = tpu.memref_slice %arg2[%add3A_52] : memref<12582912xf32, #tpu.memory_space<hbm>> -> memref<16384xf32, #tpu.memory_space<hbm>>
    %dma_start3A_54 = tpu.memref_slice %arg2[%add3A_52] : memref<12582912xf32, #tpu.memory_space<hbm>> -> memref<16384xf32, #tpu.memory_space<hbm>>
    tpu.enqueue_dma source(%arg4 : memref<16384xf32, #tpu.memory_space<vmem>>) target(%dma_start3A_54 : memref<16384xf32, #tpu.memory_space<hbm>>) target_semaphore(%arg5 : memref<!tpu.dma_semaphore, #tpu.memory_space<semaphore_mem>>)
    %add3A_55 = arith.constant 196608 : i32
    %add3A_56 = arith.addi %mul3A_7, %add3A_55 : i32
    %dma_start3A_57 = tpu.memref_slice %arg2[%add3A_56] : memref<12582912xf32, #tpu.memory_space<hbm>> -> memref<16384xf32, #tpu.memory_space<hbm>>
    %dma_start3A_58 = tpu.memref_slice %arg2[%add3A_56] : memref<12582912xf32, #tpu.memory_space<hbm>> -> memref<16384xf32, #tpu.memory_space<hbm>>
    tpu.enqueue_dma source(%arg4 : memref<16384xf32, #tpu.memory_space<vmem>>) target(%dma_start3A_58 : memref<16384xf32, #tpu.memory_space<hbm>>) target_semaphore(%arg5 : memref<!tpu.dma_semaphore, #tpu.memory_space<semaphore_mem>>)
    %add3A_59 = arith.constant 212992 : i32
    %add3A_60 = arith.addi %mul3A_7, %add3A_59 : i32
    %dma_start3A_61 = tpu.memref_slice %arg2[%add3A_60] : memref<12582912xf32, #tpu.memory_space<hbm>> -> memref<16384xf32, #tpu.memory_space<hbm>>
    %dma_start3A_62 = tpu.memref_slice %arg2[%add3A_60] : memref<12582912xf32, #tpu.memory_space<hbm>> -> memref<16384xf32, #tpu.memory_space<hbm>>
    tpu.enqueue_dma source(%arg4 : memref<16384xf32, #tpu.memory_space<vmem>>) target(%dma_start3A_62 : memref<16384xf32, #tpu.memory_space<hbm>>) target_semaphore(%arg5 : memref<!tpu.dma_semaphore, #tpu.memory_space<semaphore_mem>>)
    %add3A_63 = arith.constant 229376 : i32
    %add3A_64 = arith.addi %mul3A_7, %add3A_63 : i32
    %dma_start3A_65 = tpu.memref_slice %arg2[%add3A_64] : memref<12582912xf32, #tpu.memory_space<hbm>> -> memref<16384xf32, #tpu.memory_space<hbm>>
    %dma_start3A_66 = tpu.memref_slice %arg2[%add3A_64] : memref<12582912xf32, #tpu.memory_space<hbm>> -> memref<16384xf32, #tpu.memory_space<hbm>>
    tpu.enqueue_dma source(%arg4 : memref<16384xf32, #tpu.memory_space<vmem>>) target(%dma_start3A_66 : memref<16384xf32, #tpu.memory_space<hbm>>) target_semaphore(%arg5 : memref<!tpu.dma_semaphore, #tpu.memory_space<semaphore_mem>>)
    %add3A_67 = arith.constant 245760 : i32
    %add3A_68 = arith.addi %mul3A_7, %add3A_67 : i32
    %dma_start3A_69 = tpu.memref_slice %arg2[%add3A_68] : memref<12582912xf32, #tpu.memory_space<hbm>> -> memref<16384xf32, #tpu.memory_space<hbm>>
    %dma_start3A_70 = tpu.memref_slice %arg2[%add3A_68] : memref<12582912xf32, #tpu.memory_space<hbm>> -> memref<16384xf32, #tpu.memory_space<hbm>>
    tpu.enqueue_dma source(%arg4 : memref<16384xf32, #tpu.memory_space<vmem>>) target(%dma_start3A_70 : memref<16384xf32, #tpu.memory_space<hbm>>) target_semaphore(%arg5 : memref<!tpu.dma_semaphore, #tpu.memory_space<semaphore_mem>>)
    %add3A_71 = arith.constant 262144 : i32
    %add3A_72 = arith.addi %mul3A_7, %add3A_71 : i32
    %dma_start3A_73 = tpu.memref_slice %arg2[%add3A_72] : memref<12582912xf32, #tpu.memory_space<hbm>> -> memref<16384xf32, #tpu.memory_space<hbm>>
    %dma_start3A_74 = tpu.memref_slice %arg2[%add3A_72] : memref<12582912xf32, #tpu.memory_space<hbm>> -> memref<16384xf32, #tpu.memory_space<hbm>>
    tpu.enqueue_dma source(%arg4 : memref<16384xf32, #tpu.memory_space<vmem>>) target(%dma_start3A_74 : memref<16384xf32, #tpu.memory_space<hbm>>) target_semaphore(%arg5 : memref<!tpu.dma_semaphore, #tpu.memory_space<semaphore_mem>>)
    %add3A_75 = arith.constant 278528 : i32
    %add3A_76 = arith.addi %mul3A_7, %add3A_75 : i32
    %dma_start3A_77 = tpu.memref_slice %arg2[%add3A_76] : memref<12582912xf32, #tpu.memory_space<hbm>> -> memref<16384xf32, #tpu.memory_space<hbm>>
    %dma_start3A_78 = tpu.memref_slice %arg2[%add3A_76] : memref<12582912xf32, #tpu.memory_space<hbm>> -> memref<16384xf32, #tpu.memory_space<hbm>>
    tpu.enqueue_dma source(%arg4 : memref<16384xf32, #tpu.memory_space<vmem>>) target(%dma_start3A_78 : memref<16384xf32, #tpu.memory_space<hbm>>) target_semaphore(%arg5 : memref<!tpu.dma_semaphore, #tpu.memory_space<semaphore_mem>>)
    %add3A_79 = arith.constant 294912 : i32
    %add3A_80 = arith.addi %mul3A_7, %add3A_79 : i32
    %dma_start3A_81 = tpu.memref_slice %arg2[%add3A_80] : memref<12582912xf32, #tpu.memory_space<hbm>> -> memref<16384xf32, #tpu.memory_space<hbm>>
    %dma_start3A_82 = tpu.memref_slice %arg2[%add3A_80] : memref<12582912xf32, #tpu.memory_space<hbm>> -> memref<16384xf32, #tpu.memory_space<hbm>>
    tpu.enqueue_dma source(%arg4 : memref<16384xf32, #tpu.memory_space<vmem>>) target(%dma_start3A_82 : memref<16384xf32, #tpu.memory_space<hbm>>) target_semaphore(%arg5 : memref<!tpu.dma_semaphore, #tpu.memory_space<semaphore_mem>>)
    %add3A_83 = arith.constant 311296 : i32
    %add3A_84 = arith.addi %mul3A_7, %add3A_83 : i32
    %dma_start3A_85 = tpu.memref_slice %arg2[%add3A_84] : memref<12582912xf32, #tpu.memory_space<hbm>> -> memref<16384xf32, #tpu.memory_space<hbm>>
    %dma_start3A_86 = tpu.memref_slice %arg2[%add3A_84] : memref<12582912xf32, #tpu.memory_space<hbm>> -> memref<16384xf32, #tpu.memory_space<hbm>>
    tpu.enqueue_dma source(%arg4 : memref<16384xf32, #tpu.memory_space<vmem>>) target(%dma_start3A_86 : memref<16384xf32, #tpu.memory_space<hbm>>) target_semaphore(%arg5 : memref<!tpu.dma_semaphore, #tpu.memory_space<semaphore_mem>>)
    %add3A_87 = arith.constant 327680 : i32
    %add3A_88 = arith.addi %mul3A_7, %add3A_87 : i32
    %dma_start3A_89 = tpu.memref_slice %arg2[%add3A_88] : memref<12582912xf32, #tpu.memory_space<hbm>> -> memref<16384xf32, #tpu.memory_space<hbm>>
    %dma_start3A_90 = tpu.memref_slice %arg2[%add3A_88] : memref<12582912xf32, #tpu.memory_space<hbm>> -> memref<16384xf32, #tpu.memory_space<hbm>>
    tpu.enqueue_dma source(%arg4 : memref<16384xf32, #tpu.memory_space<vmem>>) target(%dma_start3A_90 : memref<16384xf32, #tpu.memory_space<hbm>>) target_semaphore(%arg5 : memref<!tpu.dma_semaphore, #tpu.memory_space<semaphore_mem>>)
    %add3A_91 = arith.constant 344064 : i32
    %add3A_92 = arith.addi %mul3A_7, %add3A_91 : i32
    %dma_start3A_93 = tpu.memref_slice %arg2[%add3A_92] : memref<12582912xf32, #tpu.memory_space<hbm>> -> memref<16384xf32, #tpu.memory_space<hbm>>
    %dma_start3A_94 = tpu.memref_slice %arg2[%add3A_92] : memref<12582912xf32, #tpu.memory_space<hbm>> -> memref<16384xf32, #tpu.memory_space<hbm>>
    tpu.enqueue_dma source(%arg4 : memref<16384xf32, #tpu.memory_space<vmem>>) target(%dma_start3A_94 : memref<16384xf32, #tpu.memory_space<hbm>>) target_semaphore(%arg5 : memref<!tpu.dma_semaphore, #tpu.memory_space<semaphore_mem>>)
    %add3A_95 = arith.constant 360448 : i32
    %add3A_96 = arith.addi %mul3A_7, %add3A_95 : i32
    %dma_start3A_97 = tpu.memref_slice %arg2[%add3A_96] : memref<12582912xf32, #tpu.memory_space<hbm>> -> memref<16384xf32, #tpu.memory_space<hbm>>
    %dma_start3A_98 = tpu.memref_slice %arg2[%add3A_96] : memref<12582912xf32, #tpu.memory_space<hbm>> -> memref<16384xf32, #tpu.memory_space<hbm>>
    tpu.enqueue_dma source(%arg4 : memref<16384xf32, #tpu.memory_space<vmem>>) target(%dma_start3A_98 : memref<16384xf32, #tpu.memory_space<hbm>>) target_semaphore(%arg5 : memref<!tpu.dma_semaphore, #tpu.memory_space<semaphore_mem>>)
    %add3A_99 = arith.constant 376832 : i32
    %add3A_100 = arith.addi %mul3A_7, %add3A_99 : i32
    %dma_start3A_101 = tpu.memref_slice %arg2[%add3A_100] : memref<12582912xf32, #tpu.memory_space<hbm>> -> memref<16384xf32, #tpu.memory_space<hbm>>
    %dma_start3A_102 = tpu.memref_slice %arg2[%add3A_100] : memref<12582912xf32, #tpu.memory_space<hbm>> -> memref<16384xf32, #tpu.memory_space<hbm>>
    tpu.enqueue_dma source(%arg4 : memref<16384xf32, #tpu.memory_space<vmem>>) target(%dma_start3A_102 : memref<16384xf32, #tpu.memory_space<hbm>>) target_semaphore(%arg5 : memref<!tpu.dma_semaphore, #tpu.memory_space<semaphore_mem>>)
    %dma_wait3A = tpu.memref_slice %arg2[%add3A_9] : memref<12582912xf32, #tpu.memory_space<hbm>> -> memref<16384xf32, #tpu.memory_space<hbm>>
    %dma_wait3A_103 = tpu.memref_slice %arg2[%add3A_9] : memref<12582912xf32, #tpu.memory_space<hbm>> -> memref<16384xf32, #tpu.memory_space<hbm>>
    tpu.wait_dma2 semaphore(%arg5 : memref<!tpu.dma_semaphore, #tpu.memory_space<semaphore_mem>>) src(%arg4 : memref<16384xf32, #tpu.memory_space<vmem>>) dst(%dma_wait3A_103 : memref<16384xf32, #tpu.memory_space<hbm>>)
    %dma_wait3A_104 = tpu.memref_slice %arg2[%add3A_12] : memref<12582912xf32, #tpu.memory_space<hbm>> -> memref<16384xf32, #tpu.memory_space<hbm>>
    %dma_wait3A_105 = tpu.memref_slice %arg2[%add3A_12] : memref<12582912xf32, #tpu.memory_space<hbm>> -> memref<16384xf32, #tpu.memory_space<hbm>>
    tpu.wait_dma2 semaphore(%arg5 : memref<!tpu.dma_semaphore, #tpu.memory_space<semaphore_mem>>) src(%arg4 : memref<16384xf32, #tpu.memory_space<vmem>>) dst(%dma_wait3A_105 : memref<16384xf32, #tpu.memory_space<hbm>>)
    %dma_wait3A_106 = tpu.memref_slice %arg2[%add3A_16] : memref<12582912xf32, #tpu.memory_space<hbm>> -> memref<16384xf32, #tpu.memory_space<hbm>>
    %dma_wait3A_107 = tpu.memref_slice %arg2[%add3A_16] : memref<12582912xf32, #tpu.memory_space<hbm>> -> memref<16384xf32, #tpu.memory_space<hbm>>
    tpu.wait_dma2 semaphore(%arg5 : memref<!tpu.dma_semaphore, #tpu.memory_space<semaphore_mem>>) src(%arg4 : memref<16384xf32, #tpu.memory_space<vmem>>) dst(%dma_wait3A_107 : memref<16384xf32, #tpu.memory_space<hbm>>)
    %dma_wait3A_108 = tpu.memref_slice %arg2[%add3A_20] : memref<12582912xf32, #tpu.memory_space<hbm>> -> memref<16384xf32, #tpu.memory_space<hbm>>
    %dma_wait3A_109 = tpu.memref_slice %arg2[%add3A_20] : memref<12582912xf32, #tpu.memory_space<hbm>> -> memref<16384xf32, #tpu.memory_space<hbm>>
    tpu.wait_dma2 semaphore(%arg5 : memref<!tpu.dma_semaphore, #tpu.memory_space<semaphore_mem>>) src(%arg4 : memref<16384xf32, #tpu.memory_space<vmem>>) dst(%dma_wait3A_109 : memref<16384xf32, #tpu.memory_space<hbm>>)
    %dma_wait3A_110 = tpu.memref_slice %arg2[%add3A_24] : memref<12582912xf32, #tpu.memory_space<hbm>> -> memref<16384xf32, #tpu.memory_space<hbm>>
    %dma_wait3A_111 = tpu.memref_slice %arg2[%add3A_24] : memref<12582912xf32, #tpu.memory_space<hbm>> -> memref<16384xf32, #tpu.memory_space<hbm>>
    tpu.wait_dma2 semaphore(%arg5 : memref<!tpu.dma_semaphore, #tpu.memory_space<semaphore_mem>>) src(%arg4 : memref<16384xf32, #tpu.memory_space<vmem>>) dst(%dma_wait3A_111 : memref<16384xf32, #tpu.memory_space<hbm>>)
    %dma_wait3A_112 = tpu.memref_slice %arg2[%add3A_28] : memref<12582912xf32, #tpu.memory_space<hbm>> -> memref<16384xf32, #tpu.memory_space<hbm>>
    %dma_wait3A_113 = tpu.memref_slice %arg2[%add3A_28] : memref<12582912xf32, #tpu.memory_space<hbm>> -> memref<16384xf32, #tpu.memory_space<hbm>>
    tpu.wait_dma2 semaphore(%arg5 : memref<!tpu.dma_semaphore, #tpu.memory_space<semaphore_mem>>) src(%arg4 : memref<16384xf32, #tpu.memory_space<vmem>>) dst(%dma_wait3A_113 : memref<16384xf32, #tpu.memory_space<hbm>>)
    %dma_wait3A_114 = tpu.memref_slice %arg2[%add3A_32] : memref<12582912xf32, #tpu.memory_space<hbm>> -> memref<16384xf32, #tpu.memory_space<hbm>>
    %dma_wait3A_115 = tpu.memref_slice %arg2[%add3A_32] : memref<12582912xf32, #tpu.memory_space<hbm>> -> memref<16384xf32, #tpu.memory_space<hbm>>
    tpu.wait_dma2 semaphore(%arg5 : memref<!tpu.dma_semaphore, #tpu.memory_space<semaphore_mem>>) src(%arg4 : memref<16384xf32, #tpu.memory_space<vmem>>) dst(%dma_wait3A_115 : memref<16384xf32, #tpu.memory_space<hbm>>)
    %dma_wait3A_116 = tpu.memref_slice %arg2[%add3A_36] : memref<12582912xf32, #tpu.memory_space<hbm>> -> memref<16384xf32, #tpu.memory_space<hbm>>
    %dma_wait3A_117 = tpu.memref_slice %arg2[%add3A_36] : memref<12582912xf32, #tpu.memory_space<hbm>> -> memref<16384xf32, #tpu.memory_space<hbm>>
    tpu.wait_dma2 semaphore(%arg5 : memref<!tpu.dma_semaphore, #tpu.memory_space<semaphore_mem>>) src(%arg4 : memref<16384xf32, #tpu.memory_space<vmem>>) dst(%dma_wait3A_117 : memref<16384xf32, #tpu.memory_space<hbm>>)
    %dma_wait3A_118 = tpu.memref_slice %arg2[%add3A_40] : memref<12582912xf32, #tpu.memory_space<hbm>> -> memref<16384xf32, #tpu.memory_space<hbm>>
    %dma_wait3A_119 = tpu.memref_slice %arg2[%add3A_40] : memref<12582912xf32, #tpu.memory_space<hbm>> -> memref<16384xf32, #tpu.memory_space<hbm>>
    tpu.wait_dma2 semaphore(%arg5 : memref<!tpu.dma_semaphore, #tpu.memory_space<semaphore_mem>>) src(%arg4 : memref<16384xf32, #tpu.memory_space<vmem>>) dst(%dma_wait3A_119 : memref<16384xf32, #tpu.memory_space<hbm>>)
    %dma_wait3A_120 = tpu.memref_slice %arg2[%add3A_44] : memref<12582912xf32, #tpu.memory_space<hbm>> -> memref<16384xf32, #tpu.memory_space<hbm>>
    %dma_wait3A_121 = tpu.memref_slice %arg2[%add3A_44] : memref<12582912xf32, #tpu.memory_space<hbm>> -> memref<16384xf32, #tpu.memory_space<hbm>>
    tpu.wait_dma2 semaphore(%arg5 : memref<!tpu.dma_semaphore, #tpu.memory_space<semaphore_mem>>) src(%arg4 : memref<16384xf32, #tpu.memory_space<vmem>>) dst(%dma_wait3A_121 : memref<16384xf32, #tpu.memory_space<hbm>>)
    %dma_wait3A_122 = tpu.memref_slice %arg2[%add3A_48] : memref<12582912xf32, #tpu.memory_space<hbm>> -> memref<16384xf32, #tpu.memory_space<hbm>>
    %dma_wait3A_123 = tpu.memref_slice %arg2[%add3A_48] : memref<12582912xf32, #tpu.memory_space<hbm>> -> memref<16384xf32, #tpu.memory_space<hbm>>
    tpu.wait_dma2 semaphore(%arg5 : memref<!tpu.dma_semaphore, #tpu.memory_space<semaphore_mem>>) src(%arg4 : memref<16384xf32, #tpu.memory_space<vmem>>) dst(%dma_wait3A_123 : memref<16384xf32, #tpu.memory_space<hbm>>)
    %dma_wait3A_124 = tpu.memref_slice %arg2[%add3A_52] : memref<12582912xf32, #tpu.memory_space<hbm>> -> memref<16384xf32, #tpu.memory_space<hbm>>
    %dma_wait3A_125 = tpu.memref_slice %arg2[%add3A_52] : memref<12582912xf32, #tpu.memory_space<hbm>> -> memref<16384xf32, #tpu.memory_space<hbm>>
    tpu.wait_dma2 semaphore(%arg5 : memref<!tpu.dma_semaphore, #tpu.memory_space<semaphore_mem>>) src(%arg4 : memref<16384xf32, #tpu.memory_space<vmem>>) dst(%dma_wait3A_125 : memref<16384xf32, #tpu.memory_space<hbm>>)
    %dma_wait3A_126 = tpu.memref_slice %arg2[%add3A_56] : memref<12582912xf32, #tpu.memory_space<hbm>> -> memref<16384xf32, #tpu.memory_space<hbm>>
    %dma_wait3A_127 = tpu.memref_slice %arg2[%add3A_56] : memref<12582912xf32, #tpu.memory_space<hbm>> -> memref<16384xf32, #tpu.memory_space<hbm>>
    tpu.wait_dma2 semaphore(%arg5 : memref<!tpu.dma_semaphore, #tpu.memory_space<semaphore_mem>>) src(%arg4 : memref<16384xf32, #tpu.memory_space<vmem>>) dst(%dma_wait3A_127 : memref<16384xf32, #tpu.memory_space<hbm>>)
    %dma_wait3A_128 = tpu.memref_slice %arg2[%add3A_60] : memref<12582912xf32, #tpu.memory_space<hbm>> -> memref<16384xf32, #tpu.memory_space<hbm>>
    %dma_wait3A_129 = tpu.memref_slice %arg2[%add3A_60] : memref<12582912xf32, #tpu.memory_space<hbm>> -> memref<16384xf32, #tpu.memory_space<hbm>>
    tpu.wait_dma2 semaphore(%arg5 : memref<!tpu.dma_semaphore, #tpu.memory_space<semaphore_mem>>) src(%arg4 : memref<16384xf32, #tpu.memory_space<vmem>>) dst(%dma_wait3A_129 : memref<16384xf32, #tpu.memory_space<hbm>>)
    %dma_wait3A_130 = tpu.memref_slice %arg2[%add3A_64] : memref<12582912xf32, #tpu.memory_space<hbm>> -> memref<16384xf32, #tpu.memory_space<hbm>>
    %dma_wait3A_131 = tpu.memref_slice %arg2[%add3A_64] : memref<12582912xf32, #tpu.memory_space<hbm>> -> memref<16384xf32, #tpu.memory_space<hbm>>
    tpu.wait_dma2 semaphore(%arg5 : memref<!tpu.dma_semaphore, #tpu.memory_space<semaphore_mem>>) src(%arg4 : memref<16384xf32, #tpu.memory_space<vmem>>) dst(%dma_wait3A_131 : memref<16384xf32, #tpu.memory_space<hbm>>)
    %dma_wait3A_132 = tpu.memref_slice %arg2[%add3A_68] : memref<12582912xf32, #tpu.memory_space<hbm>> -> memref<16384xf32, #tpu.memory_space<hbm>>
    %dma_wait3A_133 = tpu.memref_slice %arg2[%add3A_68] : memref<12582912xf32, #tpu.memory_space<hbm>> -> memref<16384xf32, #tpu.memory_space<hbm>>
    tpu.wait_dma2 semaphore(%arg5 : memref<!tpu.dma_semaphore, #tpu.memory_space<semaphore_mem>>) src(%arg4 : memref<16384xf32, #tpu.memory_space<vmem>>) dst(%dma_wait3A_133 : memref<16384xf32, #tpu.memory_space<hbm>>)
    %dma_wait3A_134 = tpu.memref_slice %arg2[%add3A_72] : memref<12582912xf32, #tpu.memory_space<hbm>> -> memref<16384xf32, #tpu.memory_space<hbm>>
    %dma_wait3A_135 = tpu.memref_slice %arg2[%add3A_72] : memref<12582912xf32, #tpu.memory_space<hbm>> -> memref<16384xf32, #tpu.memory_space<hbm>>
    tpu.wait_dma2 semaphore(%arg5 : memref<!tpu.dma_semaphore, #tpu.memory_space<semaphore_mem>>) src(%arg4 : memref<16384xf32, #tpu.memory_space<vmem>>) dst(%dma_wait3A_135 : memref<16384xf32, #tpu.memory_space<hbm>>)
    %dma_wait3A_136 = tpu.memref_slice %arg2[%add3A_76] : memref<12582912xf32, #tpu.memory_space<hbm>> -> memref<16384xf32, #tpu.memory_space<hbm>>
    %dma_wait3A_137 = tpu.memref_slice %arg2[%add3A_76] : memref<12582912xf32, #tpu.memory_space<hbm>> -> memref<16384xf32, #tpu.memory_space<hbm>>
    tpu.wait_dma2 semaphore(%arg5 : memref<!tpu.dma_semaphore, #tpu.memory_space<semaphore_mem>>) src(%arg4 : memref<16384xf32, #tpu.memory_space<vmem>>) dst(%dma_wait3A_137 : memref<16384xf32, #tpu.memory_space<hbm>>)
    %dma_wait3A_138 = tpu.memref_slice %arg2[%add3A_80] : memref<12582912xf32, #tpu.memory_space<hbm>> -> memref<16384xf32, #tpu.memory_space<hbm>>
    %dma_wait3A_139 = tpu.memref_slice %arg2[%add3A_80] : memref<12582912xf32, #tpu.memory_space<hbm>> -> memref<16384xf32, #tpu.memory_space<hbm>>
    tpu.wait_dma2 semaphore(%arg5 : memref<!tpu.dma_semaphore, #tpu.memory_space<semaphore_mem>>) src(%arg4 : memref<16384xf32, #tpu.memory_space<vmem>>) dst(%dma_wait3A_139 : memref<16384xf32, #tpu.memory_space<hbm>>)
    %dma_wait3A_140 = tpu.memref_slice %arg2[%add3A_84] : memref<12582912xf32, #tpu.memory_space<hbm>> -> memref<16384xf32, #tpu.memory_space<hbm>>
    %dma_wait3A_141 = tpu.memref_slice %arg2[%add3A_84] : memref<12582912xf32, #tpu.memory_space<hbm>> -> memref<16384xf32, #tpu.memory_space<hbm>>
    tpu.wait_dma2 semaphore(%arg5 : memref<!tpu.dma_semaphore, #tpu.memory_space<semaphore_mem>>) src(%arg4 : memref<16384xf32, #tpu.memory_space<vmem>>) dst(%dma_wait3A_141 : memref<16384xf32, #tpu.memory_space<hbm>>)
    %dma_wait3A_142 = tpu.memref_slice %arg2[%add3A_88] : memref<12582912xf32, #tpu.memory_space<hbm>> -> memref<16384xf32, #tpu.memory_space<hbm>>
    %dma_wait3A_143 = tpu.memref_slice %arg2[%add3A_88] : memref<12582912xf32, #tpu.memory_space<hbm>> -> memref<16384xf32, #tpu.memory_space<hbm>>
    tpu.wait_dma2 semaphore(%arg5 : memref<!tpu.dma_semaphore, #tpu.memory_space<semaphore_mem>>) src(%arg4 : memref<16384xf32, #tpu.memory_space<vmem>>) dst(%dma_wait3A_143 : memref<16384xf32, #tpu.memory_space<hbm>>)
    %dma_wait3A_144 = tpu.memref_slice %arg2[%add3A_92] : memref<12582912xf32, #tpu.memory_space<hbm>> -> memref<16384xf32, #tpu.memory_space<hbm>>
    %dma_wait3A_145 = tpu.memref_slice %arg2[%add3A_92] : memref<12582912xf32, #tpu.memory_space<hbm>> -> memref<16384xf32, #tpu.memory_space<hbm>>
    tpu.wait_dma2 semaphore(%arg5 : memref<!tpu.dma_semaphore, #tpu.memory_space<semaphore_mem>>) src(%arg4 : memref<16384xf32, #tpu.memory_space<vmem>>) dst(%dma_wait3A_145 : memref<16384xf32, #tpu.memory_space<hbm>>)
    %dma_wait3A_146 = tpu.memref_slice %arg2[%add3A_96] : memref<12582912xf32, #tpu.memory_space<hbm>> -> memref<16384xf32, #tpu.memory_space<hbm>>
    %dma_wait3A_147 = tpu.memref_slice %arg2[%add3A_96] : memref<12582912xf32, #tpu.memory_space<hbm>> -> memref<16384xf32, #tpu.memory_space<hbm>>
    tpu.wait_dma2 semaphore(%arg5 : memref<!tpu.dma_semaphore, #tpu.memory_space<semaphore_mem>>) src(%arg4 : memref<16384xf32, #tpu.memory_space<vmem>>) dst(%dma_wait3A_147 : memref<16384xf32, #tpu.memory_space<hbm>>)
    %dma_wait3A_148 = tpu.memref_slice %arg2[%add3A_100] : memref<12582912xf32, #tpu.memory_space<hbm>> -> memref<16384xf32, #tpu.memory_space<hbm>>
    %dma_wait3A_149 = tpu.memref_slice %arg2[%add3A_100] : memref<12582912xf32, #tpu.memory_space<hbm>> -> memref<16384xf32, #tpu.memory_space<hbm>>
    tpu.wait_dma2 semaphore(%arg5 : memref<!tpu.dma_semaphore, #tpu.memory_space<semaphore_mem>>) src(%arg4 : memref<16384xf32, #tpu.memory_space<vmem>>) dst(%dma_wait3A_149 : memref<16384xf32, #tpu.memory_space<hbm>>)
    return
  }
}

module attributes {stable_mosaic.version = 14 : i64} {
  func.func @_tc_body(%arg0: i32, %arg1: memref<1x384x1024xf32, #tpu.memory_space<vmem>>, %arg2: memref<1x1x1024xi32, #tpu.memory_space<vmem>>, %arg3: memref<1x1xf32, #tpu.memory_space<vmem>>, %arg4: memref<1x1xf32, #tpu.memory_space<vmem>>, %arg5: memref<384x1024xf32, #tpu.memory_space<vmem>>, %arg6: memref<384x1024xf32, #tpu.memory_space<vmem>>) attributes {dimension_semantics = [#tpu.dimension_semantics<arbitrary>], iteration_bounds = array<i64: 32>, scalar_prefetch = 0 : i64, scratch_operands = 2 : i64, tpu.core_type = #tpu.core_type<tc>, window_params = [{transform_indices = @transform_0, window_bounds = array<i64: 1, 384, 1024>}, {transform_indices = @transform_1, window_bounds = array<i64: 1, 1, 1024>}, {pipeline_mode = #tpu.pipeline_mode<synchronous>, transform_indices = @transform_2, window_bounds = array<i64: 1, 1>}, {pipeline_mode = #tpu.pipeline_mode<synchronous>, transform_indices = @transform_3, window_bounds = array<i64: 1, 1>}]} {
    %get3A = arith.constant 0 : index
    %get3A_0 = arith.constant 0 : index
    %get3A_1 = arith.constant 0 : index
    %get3A_2 = vector.load %arg1[%get3A, %get3A_0, %get3A_1] : memref<1x384x1024xf32, #tpu.memory_space<vmem>>, vector<1x384x1024xf32>
    %get3A_3 = vector.shape_cast %get3A_2 : vector<1x384x1024xf32> to vector<384x1024xf32>
    %max3A = arith.constant 0.000000e+00 : f32
    %max3A_4 = vector.broadcast %max3A : f32 to vector<384x1024xf32>
    %max3A_5 = arith.maximumf %get3A_3, %max3A_4 : vector<384x1024xf32>
    %reduce_sum3A = arith.constant dense<0.000000e+00> : vector<1024xf32>
    %reduce_sum3A_6 = vector.multi_reduction <add>, %max3A_5, %reduce_sum3A [0] : vector<384x1024xf32> to vector<1024xf32>
    %broadcast_in_dim3A = vector.shape_cast %reduce_sum3A_6 : vector<1024xf32> to vector<1x1024xf32>
    %reduce_max3A = arith.constant dense<0xFF800000> : vector<1024xf32>
    %reduce_max3A_7 = vector.multi_reduction <maximumf>, %max3A_5, %reduce_max3A [0] : vector<384x1024xf32> to vector<1024xf32>
    %broadcast_in_dim3A_8 = vector.shape_cast %reduce_max3A_7 : vector<1024xf32> to vector<1x1024xf32>
    %iota3A = tpu.iota {dimensions = array<i32: 0>} : vector<384x1024xi32>
    %eq3A = vector.broadcast %broadcast_in_dim3A_8 : vector<1x1024xf32> to vector<384x1024xf32>
    %eq3A_9 = arith.cmpf oeq, %max3A_5, %eq3A : vector<384x1024xf32>
    %jit3A = arith.constant 384 : i32
    %broadcast_in_dim3A_10 = vector.broadcast %jit3A : i32 to vector<384x1024xi32>
    %select_n3A = arith.select %eq3A_9, %iota3A, %broadcast_in_dim3A_10 : vector<384x1024xi1>, vector<384x1024xi32>
    %reduce_min3A = arith.constant dense<2147483647> : vector<1024xi32>
    %reduce_min3A_11 = vector.multi_reduction <minsi>, %select_n3A, %reduce_min3A [0] : vector<384x1024xi32> to vector<1024xi32>
    %broadcast_in_dim3A_12 = vector.shape_cast %reduce_min3A_11 : vector<1024xi32> to vector<1x1024xi32>
    %eq3A_13 = vector.broadcast %broadcast_in_dim3A_12 : vector<1x1024xi32> to vector<384x1024xi32>
    %eq3A_14 = arith.cmpi eq, %iota3A, %eq3A_13 : vector<384x1024xi32>
    %convert_element_type3A = arith.extui %eq3A_14 : vector<384x1024xi1> to vector<384x1024xi32>
    %convert_element_type3A_15 = arith.sitofp %convert_element_type3A : vector<384x1024xi32> to vector<384x1024xf32>
    %swap3A = arith.constant 0 : index
    %swap3A_16 = arith.constant 0 : index
    %swap3A_17 = arith.constant 0 : index
    %swap3A_18 = vector.load %arg2[%swap3A, %swap3A_16, %swap3A_17] : memref<1x1x1024xi32, #tpu.memory_space<vmem>>, vector<1x1x1024xi32>
    %swap3A_19 = vector.shape_cast %swap3A_18 : vector<1x1x1024xi32> to vector<1x1024xi32>
    %swap3A_20 = vector.shape_cast %broadcast_in_dim3A_12 : vector<1x1024xi32> to vector<1x1x1024xi32>
    tpu.vector_store %arg2[%swap3A, %swap3A_16, %swap3A_17], %swap3A_20 {strides = array<i32>} : memref<1x1x1024xi32, #tpu.memory_space<vmem>>, vector<1x1x1024xi32>,
    %eq3A_21 = arith.constant 0 : i32
    %eq3A_22 = arith.cmpi eq, %arg0, %eq3A_21 : i32
    %convert_element_type3A_23 = arith.extui %eq3A_22 : i1 to i32
    %cond3A = arith.constant 0 : i32
    %cond3A_24 = arith.cmpi ne, %convert_element_type3A_23, %cond3A : i32
    scf.if %cond3A_24 {
      %broadcast_in_dim3A_49 = arith.constant 0.000000e+00 : f32
      %broadcast_in_dim3A_50 = vector.broadcast %broadcast_in_dim3A_49 : f32 to vector<384x1024xf32>
      %swap3A_51 = arith.constant 0 : index
      %swap3A_52 = arith.constant 0 : index
      %swap3A_53 = vector.load %arg5[%swap3A_51, %swap3A_52] : memref<384x1024xf32, #tpu.memory_space<vmem>>, vector<384x1024xf32>
      tpu.vector_store %arg5[%swap3A_51, %swap3A_52], %broadcast_in_dim3A_50 {strides = array<i32>} : memref<384x1024xf32, #tpu.memory_space<vmem>>, vector<384x1024xf32>,
      %broadcast_in_dim3A_54 = arith.constant 0.000000e+00 : f32
      %broadcast_in_dim3A_55 = vector.broadcast %broadcast_in_dim3A_54 : f32 to vector<384x1024xf32>
      %swap3A_56 = arith.constant 0 : index
      %swap3A_57 = arith.constant 0 : index
      %swap3A_58 = vector.load %arg6[%swap3A_56, %swap3A_57] : memref<384x1024xf32, #tpu.memory_space<vmem>>, vector<384x1024xf32>
      tpu.vector_store %arg6[%swap3A_56, %swap3A_57], %broadcast_in_dim3A_55 {strides = array<i32>} : memref<384x1024xf32, #tpu.memory_space<vmem>>, vector<384x1024xf32>,
    } else {
    }
    %get3A_25 = arith.constant 0 : index
    %get3A_26 = arith.constant 0 : index
    %get3A_27 = vector.load %arg5[%get3A_25, %get3A_26] : memref<384x1024xf32, #tpu.memory_space<vmem>>, vector<384x1024xf32>
    %add3A = arith.addf %get3A_27, %convert_element_type3A_15 : vector<384x1024xf32>
    %swap3A_28 = arith.constant 0 : index
    %swap3A_29 = arith.constant 0 : index
    %swap3A_30 = vector.load %arg5[%swap3A_28, %swap3A_29] : memref<384x1024xf32, #tpu.memory_space<vmem>>, vector<384x1024xf32>
    tpu.vector_store %arg5[%swap3A_28, %swap3A_29], %add3A {strides = array<i32>} : memref<384x1024xf32, #tpu.memory_space<vmem>>, vector<384x1024xf32>,
    %get3A_31 = arith.constant 0 : index
    %get3A_32 = arith.constant 0 : index
    %get3A_33 = vector.load %arg6[%get3A_31, %get3A_32] : memref<384x1024xf32, #tpu.memory_space<vmem>>, vector<384x1024xf32>
    %add3A_34 = arith.constant 1.000000e-10 : f32
    %add3A_35 = vector.broadcast %add3A_34 : f32 to vector<1x1024xf32>
    %add3A_36 = arith.addf %broadcast_in_dim3A, %add3A_35 : vector<1x1024xf32>
    %div3A = arith.constant 1.000000e+00 : f32
    %div3A_37 = vector.broadcast %div3A : f32 to vector<1x1024xf32>
    %div3A_38 = arith.divf %div3A_37, %add3A_36 : vector<1x1024xf32>
    %mul3A = vector.broadcast %div3A_38 : vector<1x1024xf32> to vector<384x1024xf32>
    %mul3A_39 = arith.mulf %max3A_5, %mul3A : vector<384x1024xf32>
    %add3A_40 = arith.addf %get3A_33, %mul3A_39 : vector<384x1024xf32>
    %swap3A_41 = arith.constant 0 : index
    %swap3A_42 = arith.constant 0 : index
    %swap3A_43 = vector.load %arg6[%swap3A_41, %swap3A_42] : memref<384x1024xf32, #tpu.memory_space<vmem>>, vector<384x1024xf32>
    tpu.vector_store %arg6[%swap3A_41, %swap3A_42], %add3A_40 {strides = array<i32>} : memref<384x1024xf32, #tpu.memory_space<vmem>>, vector<384x1024xf32>,
    %eq3A_44 = arith.constant 31 : i32
    %eq3A_45 = arith.cmpi eq, %arg0, %eq3A_44 : i32
    %convert_element_type3A_46 = arith.extui %eq3A_45 : i1 to i32
    %cond3A_47 = arith.constant 0 : i32
    %cond3A_48 = arith.cmpi ne, %convert_element_type3A_46, %cond3A_47 : i32
    scf.if %cond3A_48 {
      %get3A_49 = arith.constant 0 : index
      %get3A_50 = arith.constant 0 : index
      %get3A_51 = vector.load %arg5[%get3A_49, %get3A_50] : memref<384x1024xf32, #tpu.memory_space<vmem>>, vector<384x1024xf32>
      %reduce_sum3A_52 = arith.constant dense<0.000000e+00> : vector<384xf32>
      %reduce_sum3A_53 = vector.multi_reduction <add>, %get3A_51, %reduce_sum3A_52 [1] : vector<384x1024xf32> to vector<384xf32>
      %broadcast_in_dim3A_54 = vector.shape_cast %reduce_sum3A_53 : vector<384xf32> to vector<384x1xf32>
      %div3A_55 = arith.constant 3.276800e+04 : f32
      %div3A_56 = vector.broadcast %div3A_55 : f32 to vector<384x1xf32>
      %div3A_57 = arith.divf %broadcast_in_dim3A_54, %div3A_56 : vector<384x1xf32>
      %add3A_58 = arith.constant 1.000000e-10 : f32
      %add3A_59 = vector.broadcast %add3A_58 : f32 to vector<384x1xf32>
      %add3A_60 = arith.addf %div3A_57, %add3A_59 : vector<384x1xf32>
      %log3A = math.log %add3A_60 : vector<384x1xf32>
      %mul3A_61 = arith.mulf %div3A_57, %log3A : vector<384x1xf32>
      %reduce_sum3A_62 = arith.constant dense<0.000000e+00> : vector<1xf32>
      %reduce_sum3A_63 = vector.multi_reduction <add>, %mul3A_61, %reduce_sum3A_62 [0] : vector<384x1xf32> to vector<1xf32>
      %broadcast_in_dim3A_64 = vector.shape_cast %reduce_sum3A_63 : vector<1xf32> to vector<1x1xf32>
      %neg3A = arith.constant 0.000000e+00 : f32
      %neg3A_65 = vector.broadcast %neg3A : f32 to vector<1x1xf32>
      %neg3A_66 = arith.subf %neg3A_65, %broadcast_in_dim3A_64 : vector<1x1xf32>
      %exp3A = math.exp %neg3A_66 : vector<1x1xf32>
      %swap3A_67 = arith.constant 0 : index
      %swap3A_68 = arith.constant 0 : index
      %swap3A_69 = vector.load %arg4[%swap3A_67, %swap3A_68] : memref<1x1xf32, #tpu.memory_space<vmem>>, vector<1x1xf32>
      tpu.vector_store %arg4[%swap3A_67, %swap3A_68], %exp3A {strides = array<i32>} : memref<1x1xf32, #tpu.memory_space<vmem>>, vector<1x1xf32>,
      %get3A_70 = arith.constant 0 : index
      %get3A_71 = arith.constant 0 : index
      %get3A_72 = vector.load %arg6[%get3A_70, %get3A_71] : memref<384x1024xf32, #tpu.memory_space<vmem>>, vector<384x1024xf32>
      %reduce_sum3A_73 = arith.constant dense<0.000000e+00> : vector<384xf32>
      %reduce_sum3A_74 = vector.multi_reduction <add>, %get3A_72, %reduce_sum3A_73 [1] : vector<384x1024xf32> to vector<384xf32>
      %broadcast_in_dim3A_75 = vector.shape_cast %reduce_sum3A_74 : vector<384xf32> to vector<384x1xf32>
      %div3A_76 = arith.constant 3.276800e+04 : f32
      %div3A_77 = vector.broadcast %div3A_76 : f32 to vector<384x1xf32>
      %div3A_78 = arith.divf %broadcast_in_dim3A_75, %div3A_77 : vector<384x1xf32>
      %mul3A_79 = arith.constant 3.840000e+02 : f32
      %mul3A_80 = vector.broadcast %mul3A_79 : f32 to vector<384x1xf32>
      %mul3A_81 = arith.mulf %div3A_78, %mul3A_80 : vector<384x1xf32>
      %sub3A = arith.constant 1.000000e+00 : f32
      %sub3A_82 = vector.broadcast %sub3A : f32 to vector<384x1xf32>
      %sub3A_83 = arith.subf %mul3A_81, %sub3A_82 : vector<384x1xf32>
      %integer_pow3A = arith.mulf %sub3A_83, %sub3A_83 : vector<384x1xf32>
      %reduce_sum3A_84 = arith.constant dense<0.000000e+00> : vector<1xf32>
      %reduce_sum3A_85 = vector.multi_reduction <add>, %integer_pow3A, %reduce_sum3A_84 [0] : vector<384x1xf32> to vector<1xf32>
      %broadcast_in_dim3A_86 = vector.shape_cast %reduce_sum3A_85 : vector<1xf32> to vector<1x1xf32>
      %div3A_87 = arith.constant 3.840000e+02 : f32
      %div3A_88 = vector.broadcast %div3A_87 : f32 to vector<1x1xf32>
      %div3A_89 = arith.divf %broadcast_in_dim3A_86, %div3A_88 : vector<1x1xf32>
      %swap3A_90 = arith.constant 0 : index
      %swap3A_91 = arith.constant 0 : index
      %swap3A_92 = vector.load %arg3[%swap3A_90, %swap3A_91] : memref<1x1xf32, #tpu.memory_space<vmem>>, vector<1x1xf32>
      tpu.vector_store %arg3[%swap3A_90, %swap3A_91], %div3A_89 {strides = array<i32>} : memref<1x1xf32, #tpu.memory_space<vmem>>, vector<1x1xf32>,
    } else {
    }
    return
  }
  func.func @transform_0(%arg0: i32) -> (i32, i32, i32) {
    %c0_i32 = arith.constant 0 : i32
    %c0_i32_0 = arith.constant 0 : i32
    %c0_i32_1 = arith.constant 0 : i32
    return %arg0, %c0_i32, %c0_i32_0 : i32, i32, i32
  }
  func.func @transform_1(%arg0: i32) -> (i32, i32, i32) {
    %c0_i32 = arith.constant 0 : i32
    %c0_i32_0 = arith.constant 0 : i32
    %c0_i32_1 = arith.constant 0 : i32
    return %arg0, %c0_i32, %c0_i32_0 : i32, i32, i32
  }
  func.func @transform_2(%arg0: i32) -> (i32, i32) {
    %c0_i32 = arith.constant 0 : i32
    %c0_i32_0 = arith.constant 0 : i32
    %c0_i32_1 = arith.constant 0 : i32
    return %c0_i32, %c0_i32_0 : i32, i32
  }
  func.func @transform_3(%arg0: i32) -> (i32, i32) {
    %c0_i32 = arith.constant 0 : i32
    %c0_i32_0 = arith.constant 0 : i32
    %c0_i32_1 = arith.constant 0 : i32
    return %c0_i32, %c0_i32_0 : i32, i32
  }
}

</mosaic_0001>

<sc_bundles>
// kernel: kernel.5.cloned.1.call-start
scs
__scs_entry_jumppad:
0x0: {  	(pc) =	sbr.rel $0x88, $3  }
0x1: {  	(tag) =	ssettag $0x0;
	lr =	simm.s32 $0x1  }
0x2: {  	[smem:$0x3FA0] =	sst lr;
	_ =	strace $0xD0000000  }
0x3: {  	_ = 	snop  }
0x4: {  	_ = 	snop  }
0x5: {  	_ = 	snop  }
0x6: {  	_ = 	snop  }
0x7: {  	_ = 	snop  }
__scs_overlays_trampoline_lowered:
0x8: {  	[smem:$0x3FAF] =	sst s0  }
0x9: {  	[smem:$0x3FB0] =	sst s1  }
0xa: {  	[smem:$0x3FB1] =	sst s2  }
0xb: {  	[smem:$0x3FB2] =	sst s3  }
0xc: {  	[smem:$0x3FB3] =	sst s4  }
0xd: {  	[smem:$0x3FB4] =	sst s5  }
0xe: {  	[smem:$0x3FB5] =	sst s6  }
0xf: {  	[smem:$0x3FB6] =	sst s7  }
0x10: {  	[smem:$0x3FB7] =	sst s8  }
0x11: {  	[smem:$0x3FB8] =	sst s9;
	s0 =	simm.s32 @!p0 $0x0  }
0x12: {  	s1 =	sld [smem:$0x3F9E];
	s0 =	simm.s32 @p0 $0x1  }
0x13: {  	[smem:$0x3FB9] =	sst s0;
	s0 =	simm.s32 @!p1 $0x0  }
0x14: {  	s2 =	sld [smem:$0x3F9D];
	s0 =	simm.s32 @p1 $0x1  }
0x15: {  	[smem:$0x3FBA] =	sst s0;
	s0 =	simm.s32 @!p2 $0x0  }
0x16: {  	s3 =	sld [smem:$0x3FDB];
	s0 =	simm.s32 @p2 $0x1  }
0x17: {  	s4 =	simm.s32 $0x1BF5;
	[smem:$0x3FBC] =	sst s0  }
0x18: {  	s0 =	sld [smem:$0x3F9F];
	_ =	swait.ge [sflag:s4], $0x0  }
0x19: {  	s7 =	sld [smem:$0x3FA0]  }
0x1a: {  	s8 =	sadd.s32 $0xFFFFE003, lr  }
0x1b: {  	s9 =	sadd.s32 $0xFFFFFEF7, lr;
	s5 =	simm.s32 $0xFFFFFFFF;
	p2 =	slt.u32 s8, $0xFFFFF086  }
0x1c: {  	p1 =	slt.u32 s9, $0xF7A;
	s5 =	simm.s32 @!p2 $0x0  }
0x1d: {  	s5 =	simm.s32 @p1 $0x1;
	p0 =	seq.s32 s7, s2  }
0x1e: {  	s7 =	smul.u32 @!p0 $0xF7A, s2;
	p2 =	seq.s32 @!p0 s5, $0x0  }
0x1f: {  	s9 =	smul.u32 $0xF7A, s1;
	s8 =	simm.s32 @!p0 $0x1BF5;
	p2 =	por !p2, p0  }
0x20: {  	[sflag:s8] =	ssyncset.s32 @!p0 $0xFFFFF086;
	s6 =	sadd.s32 @!p0 s3, s7;
	s7 =	simm.s32 @!p0 $0x108  }
0x21: {  	s3 =	sadd.s32 s3, s9;
	s6 =	sadd.s32 @!p0 $0x88, s6;
	s7 =	simm.s32 @p2 $0x1082  }
0x22: {  	[simem:s7], [sflag:s8] =	dma.local @!p0 [hbm:s6], $0xF7A  }
0x23: {  	s9 =	sor.u32 $0xD0000000, s2;
	s6 =	simm.s32 $0x108;
	_ =	swait.ge @!p0 [sflag:s8], $0x0  }
0x24: {  	s3 =	sadd.s32 $0x88, s3;
	s6 =	simm.s32 @!p1 $0x1082;
	[sflag:s4] =	ssyncset.s32 $0xFFFFF086  }
0x25: {  	[simem:s6], [sflag:s4] =	dma.local [hbm:s3], $0xF7A  }
0x26: {  	[smem:$0x3FA0] =	sst s1;
	(tag) =	ssettag s2;
	_ =	strace s9  }
0x27: {  	s1 =	sld [smem:$0x3FB0]  }
0x28: {  	s2 =	sld [smem:$0x3FB1]  }
0x29: {  	s4 =	sld [smem:$0x3FB3]  }
0x2a: {  	p0 =	seq.s32 s5, $0x0;
	s5 =	sld [smem:$0x3FB4]  }
0x2b: {  	s6 =	sld [smem:$0x3FB5]  }
0x2c: {  	s7 =	sld [smem:$0x3FB6]  }
0x2d: {  	s3 =	simm.s32 $0x108;
	s8 =	sld [smem:$0x3FB7]  }
0x2e: {  	s3 =	simm.s32 @!p0 $0x1082;
	s9 =	sld [smem:$0x3FB8]  }
0x2f: {  	lr =	sadd.s32 s0, s3;
	s0 =	sld [smem:$0x3FAF]  }
0x30: {  	s3 =	sld [smem:$0x3FB2]  }
0x31: {  	[smem:$0x3FBB] =	sst s10  }
0x32: {  	s10 =	sld [smem:$0x3FB9];
	_ =	sdelay $0x3  }
0x33: {  	p0 =	seq.s32 s10, $0x1;
	s10 =	sld [smem:$0x3FBB];
	_ =	sdelay $0x3  }
0x34: {  	[smem:$0x3FBB] =	sst s10  }
0x35: {  	s10 =	sld [smem:$0x3FBA];
	_ =	sdelay $0x3  }
0x36: {  	p1 =	seq.s32 s10, $0x1;
	s10 =	sld [smem:$0x3FBB];
	_ =	sdelay $0x3  }
0x37: {  	[smem:$0x3FBB] =	sst s10  }
0x38: {  	s10 =	sld [smem:$0x3FBC]  }
0x39: {  	_ = 	snop;
	(pc) =	sbr.ind lr, $3  }
0x3a: {  	_ = 	snop  }
0x3b: {  	_ = 	snop  }
0x3c: {  	p2 =	seq.s32 s10, $0x1;
	s10 =	sld [smem:$0x3FBB]  }
0x3d: {  	_ =	shalt  }
0x3e: {  	_ =	shalt  }
0x3f: {  	_ =	shalt  }
0x40: {  	_ =	shalt  }
0x41: {  	_ =	shalt  }
0x42: {  	_ =	shalt  }
0x43: {  	_ =	shalt  }
0x44: {  	_ =	shalt  }
0x45: {  	_ =	shalt  }
0x46: {  	_ =	shalt  }
0x47: {  	_ =	shalt  }
0x48: {  	_ =	shalt  }
0x49: {  	_ =	shalt  }
0x4a: {  	_ =	shalt  }
0x4b: {  	_ =	shalt  }
0x4c: {  	_ =	shalt  }
0x4d: {  	_ =	shalt  }
0x4e: {  	_ =	shalt  }
0x4f: {  	_ =	shalt  }
0x50: {  	_ =	shalt  }
0x51: {  	_ =	shalt  }
0x52: {  	_ =	shalt  }
0x53: {  	_ =	shalt  }
0x54: {  	_ =	shalt  }
0x55: {  	_ =	shalt  }
0x56: {  	_ =	shalt  }
0x57: {  	_ =	shalt  }
0x58: {  	_ =	shalt  }
0x59: {  	_ =	shalt  }
0x5a: {  	_ =	shalt  }
0x5b: {  	_ =	shalt  }
0x5c: {  	_ =	shalt  }
0x5d: {  	_ =	shalt  }
0x5e: {  	_ =	shalt  }
0x5f: {  	_ =	shalt  }
0x60: {  	_ =	shalt  }
0x61: {  	_ =	shalt  }
0x62: {  	_ =	shalt  }
0x63: {  	_ =	shalt  }
0x64: {  	_ =	shalt  }
0x65: {  	_ =	shalt  }
0x66: {  	_ =	shalt  }
0x67: {  	_ =	shalt  }
0x68: {  	_ =	shalt  }
0x69: {  	_ =	shalt  }
0x6a: {  	_ =	shalt  }
0x6b: {  	_ =	shalt  }
0x6c: {  	_ =	shalt  }
0x6d: {  	_ =	shalt  }
0x6e: {  	_ =	shalt  }
0x6f: {  	_ =	shalt  }
0x70: {  	_ =	shalt  }
0x71: {  	_ =	shalt  }
0x72: {  	_ =	shalt  }
0x73: {  	_ =	shalt  }
0x74: {  	_ =	shalt  }
0x75: {  	_ =	shalt  }
0x76: {  	_ =	shalt  }
0x77: {  	_ =	shalt  }
0x78: {  	_ =	shalt  }
0x79: {  	_ =	shalt  }
0x7a: {  	_ =	shalt  }
0x7b: {  	_ =	shalt  }
0x7c: {  	_ =	shalt  }
0x7d: {  	_ =	shalt  }
0x7e: {  	_ =	shalt  }
0x7f: {  	_ =	shalt  }
0x80: {  	_ =	shalt  }
0x81: {  	_ =	shalt  }
0x82: {  	_ =	shalt  }
0x83: {  	_ =	shalt  }
0x84: {  	_ =	shalt  }
0x85: {  	_ =	shalt  }
0x86: {  	_ =	shalt  }
0x87: {  	_ =	shalt  }
.Lfunc_end0:
.L_simem_size_0:
called_computation.1_lowered:
.L_overlay_start_0:
0x88: {  	s2 =	sld [smem:$0x3FD9]  }
0x89: {  	s3 =	sld [smem:$0x3FFE];
	_ =	sdelay $0x1  }
0x8a: {  	s1 =	srdreg.scid  }
0x8b: {  	s0 =	sand.u32 $0x1, s1  }
0x8c: {  	s16 =	sshll.u32 s0, $0xA;
	s2 =	sadd.s32 s3, s2  }
0x8d: {  	s2 =	sadd.s32 s2, s16  }
0x8e: {  	[smem:$0x3FC7] =	sst s2  }
0x8f: {  	_ = 	snop  }
0x90: {  	(tm) =	ssettm $0x1  }
0x91: {  	s17 =	sld [smem:$0x3FFB];
	_ =	sdelay $0x3  }
0x92: {  	_ =	strace s17  }
0x93: {  	s2 =	sld [smem:$0x3FFC];
	_ =	sdelay $0x3  }
0x94: {  	_ =	strace s2  }
0x95: {  	s2 =	sld [smem:$0x3FFD];
	_ =	sdelay $0x3  }
0x96: {  	_ =	strace s2  }
0x97: {  	_ =	strace $0x8FFFFFFF  }
0x98: {  	s18 =	sld [smem:$0x3FDB];
	_ =	sdelay $0x1  }
0x99: {  	s19 =	simm.s32 $_scs_section_size  }
0x9a: {  	s4 =	simm.s32 $_size__tile_overlayer_lowered;
	s5 =	simm.s32 $_tile_overlayer_lowered  }
0x9b: {  	s22 =	simm.s32 $0x1BFF;
	s21 =	sshll.u32 s5, $0x1;
	s2 =	sadd.s32 s19, s18  }
0x9c: {  	s6 =	simm.s32 $0x0;
	s20 =	sshll.u32 s4, $0x1;
	s4 =	sadd.s32 s21, s2  }
0x9d: {  	[timem:s6], [sflag:s22] =	dma.local [hbm:s4], s20  }
0x9e: {  	_ =	swait.ge [sflag:s22], s20  }
0x9f: {  	s3 =	ssub.s32 $0x0, s20;
	[sflag:s22] =	ssyncset.done $0x0  }
0xa0: {  	[sflag:s22] =	ssyncadd.s32 s3;
	_ =	sdelay $0x1  }
0xa1: {  	s23 =	simm.s32 $0x1B8B  }
0xa2: {  	_ =	swait.ge [sflag:s23], $0x1  }
0xa3: {  	[sflag:s23] =	ssyncset.done $0x0  }
0xa4: {  	s25 =	simm.s32 $0x1B8E;
	s24 =	sld [smem:$0x3FFE];
	[sflag:s23] =	ssyncadd.s32 $0xFFFFFFFF  }
0xa5: {  	s26 =	simm.s32 $execute0_lowered;
	[smem:$0x3FD2] =	sst s25  }
0xa6: {  	s4 =	sshll.u32 s26, $0x1;
	_ =	strace $0x80000046;
	[dreg:$0x1] =	wrdreg $0xFFFFFFFF  }
0xa7: {  	s28 =	simm.s32 $_size_execute0_lowered;
	s2 =	sadd.s32 s2, s4;
	[dreg:$0x0] =	wrdreg $0x0  }
0xa8: {  	s4 =	sshll.u32 s28, $0x1;
	[dreg:$0x2] =	wrdreg s2  }
0xa9: {  	[dreg:$0x3] =	wrdreg s4  }
0xaa: {  	[dreg:$0x4] =	wrdreg $0xC0  }
0xab: {  	_ =	task [dreg:s6], $0x5FFFF  }
0xac: {  	[dreg:$0x1] =	wrdreg $0xFFFFFFFF  }
0xad: {  	[dreg:$0x0] =	wrdreg $0x60  }
0xae: {  	[dreg:$0x2] =	wrdreg s24  }
0xaf: {  	[dreg:$0x3] =	wrdreg $0x9  }
0xb0: {  	_ =	task.clear_ibuf [dreg:s6], $0x4FFFF;
	_ =	strace $0x90000046  }
0xb1: {  	s29 =	simm.s32 $0x9;
	_ =	strace $0x80000048  }
0xb2: {  	_ =	swait.ge [sflag:s29], $0x1  }
0xb3: {  	[sflag:s29] =	ssyncadd.s32 $0xFFFFFFFF  }
0xb4: {  	_ =	strace $0x90000048  }
0xb5: {  	_ =	sfence  }
0xb6: {  	s30 =	sld [smem:$0x0];
	_ =	sdelay $0x2  }
0xb7: {  	s31 =	sshll.u32 s1, $0xD;
	s1 =	sshrl.u32 s1, $0x2  }
0xb8: {  	s3 =	sand.u32 $0x4000, s31;
	s1 =	sadd.s32 s1, s30  }
0xb9: {  	s0 =	sor.u32 s3, s0;
	s1 =	sshll.u32 s1, $0x11  }
0xba: {  	s0 =	sor.u32 s1, s0  }
0xbb: {  	s0 =	sadd.s32 $0x8F2B, s0  }
0xbc: {  	[sflag:s0] =	ssyncadd.remote.s32 $0x1  }
0xbd: {  	_ =	sfence.sel $0xFFFF  }
0xbe: {  	[dreg:$0x0] =	wrdreg $0xFFFFFFFF;
	(pc) =	sbr.abs _section_cstart, $3  }
0xbf: {  	[dreg:$0x1] =	wrdreg $0xFFFFFFFF  }
0xc0: {  	_ =	task.clear_ibuf [dreg:s6], $0x2FFFF;
	_ =	strace $0x9FFFFFFF  }
0xc1: {  	(tm) =	ssettm $0x7FFFFFFF  }
tec
execute0_lowered:
.L_overlay_start_1:
0x0: {  	(tag) =	ssettag $0x1  }
0x1: {  	s1 =	srdreg.scid;
	s0 =	stileid.u32  }
0x2: {  	s1 =	sand.u32 $0x1, s1;
	s2 =	sshll.u32 s0, $0x1  }
0x3: {  	s3 =	rddreg [dreg:$0x0];
	s2 =	sor.u32 s1, s2  }
0x4: {  	s29 =	simm.s32 $0x1;
	s1 =	ssub.s32 $0x2, s1;
	s4 =	smul.u32 $0x60000, s2  }
0x5: {  	s30 =	simm.s32 $0x0;
	s2 =	simm.s32 $0x0;
	s5 =	sshrl.u32 s1, $0x1  }
0x6: {  	[smem:$0x7FF] =	sst s2;
	s1 =	ssub.s32 s1, s5;
	s4 =	sshrl.u32 s4, $0x3  }
0x7: {  	_ =	strace $0x80000047;
	s28 =	smax.u32 s1, $0x1;
	s26 =	sadd.s32 s4, s3  }
0x8: {  	s3 =	sadd.s32 $0xE00, s26;
	s4 =	sadd.s32 $0x1600, s26;
	s5 =	sadd.s32 $0x1E00, s26  }
0x9: {  	s6 =	sadd.s32 $0x2600, s26;
	s7 =	sadd.s32 $0x2E00, s26;
	s8 =	sadd.s32 $0x3600, s26  }
0xa: {  	s9 =	sadd.s32 $0x3E00, s26;
	s10 =	sadd.s32 $0x4600, s26;
	s11 =	sadd.s32 $0x4E00, s26  }
0xb: {  	s12 =	sadd.s32 $0x5600, s26;
	s13 =	sadd.s32 $0x5E00, s26;
	s14 =	sadd.s32 $0x6600, s26  }
0xc: {  	s15 =	sadd.s32 $0x6E00, s26;
	s16 =	sadd.s32 $0x7600, s26;
	s17 =	sadd.s32 $0x7E00, s26  }
0xd: {  	s18 =	sadd.s32 $0x8600, s26;
	s19 =	sadd.s32 $0x8E00, s26;
	s20 =	sadd.s32 $0x9600, s26  }
0xe: {  	s21 =	sadd.s32 $0x9E00, s26;
	s22 =	sadd.s32 $0xA600, s26;
	s23 =	sadd.s32 $0xAE00, s26  }
0xf: {  	v0 =	vimm.f32 $0.0e+00;
	s24 =	sadd.s32 $0xB600, s26;
	s25 =	sadd.s32 $0xBE00, s26;
	s26 =	sadd.s32 $0xC600, s26  }
.LBB2_1:
0x10: {  	s31 =	simm.s32 $0x40;
	s1 =	simm.s32 $0x0  }
.LBB2_2:
0x11: {  	p0 =	sne.s32 s31, $0xFFC0;
	[tilespmem:s1+$0x0] =	vst v0;
	s1 =	smov.u32 s31;
	s31 =	sadd.s32 $0x40, s31  }
.Ltmp0:
0x12: {  	(pc) =	sbr.rel @p0 .LBB2_2-.Ltmp0, $2  }
0x13: {  	_ =	sdelay $0x2  }
0x14: {  	s1 =	sshra.s32 s1, $0x2  }
0x15: {  	[tilespmem:s1+$0x0] =	vst v0  }
0x16: {  	[hbm4b:s3+s2] =	stream.linear.scatter [tilespmem:s2], [sflag:$0x1], $0x4000, $0x38;
	[tilespmem:$0x4000] =	vst v63  }
0x17: {  	_ = 	snop  }
0x18: {  	[hbm4b:s4+s2] =	stream.linear.scatter [tilespmem:s2], [sflag:$0x1], $0x4000, $0x38;
	[tilespmem:$0x4000] =	vst v63  }
0x19: {  	_ = 	snop  }
0x1a: {  	[hbm4b:s5+s2] =	stream.linear.scatter [tilespmem:s2], [sflag:$0x1], $0x4000, $0x38;
	[tilespmem:$0x4000] =	vst v63  }
0x1b: {  	_ = 	snop  }
0x1c: {  	[hbm4b:s6+s2] =	stream.linear.scatter [tilespmem:s2], [sflag:$0x1], $0x4000, $0x38;
	[tilespmem:$0x4000] =	vst v63  }
0x1d: {  	_ = 	snop  }
0x1e: {  	[hbm4b:s7+s2] =	stream.linear.scatter [tilespmem:s2], [sflag:$0x1], $0x4000, $0x38;
	[tilespmem:$0x4000] =	vst v63  }
0x1f: {  	_ = 	snop  }
0x20: {  	[hbm4b:s8+s2] =	stream.linear.scatter [tilespmem:s2], [sflag:$0x1], $0x4000, $0x38;
	[tilespmem:$0x4000] =	vst v63  }
0x21: {  	_ = 	snop  }
0x22: {  	[hbm4b:s9+s2] =	stream.linear.scatter [tilespmem:s2], [sflag:$0x1], $0x4000, $0x38;
	[tilespmem:$0x4000] =	vst v63  }
0x23: {  	_ = 	snop  }
0x24: {  	[hbm4b:s10+s2] =	stream.linear.scatter [tilespmem:s2], [sflag:$0x1], $0x4000, $0x38;
	[tilespmem:$0x4000] =	vst v63  }
0x25: {  	_ = 	snop  }
0x26: {  	[hbm4b:s11+s2] =	stream.linear.scatter [tilespmem:s2], [sflag:$0x1], $0x4000, $0x38;
	[tilespmem:$0x4000] =	vst v63  }
0x27: {  	_ = 	snop  }
0x28: {  	[hbm4b:s12+s2] =	stream.linear.scatter [tilespmem:s2], [sflag:$0x1], $0x4000, $0x38;
	[tilespmem:$0x4000] =	vst v63  }
0x29: {  	_ = 	snop  }
0x2a: {  	[hbm4b:s13+s2] =	stream.linear.scatter [tilespmem:s2], [sflag:$0x1], $0x4000, $0x38;
	[tilespmem:$0x4000] =	vst v63  }
0x2b: {  	_ = 	snop  }
0x2c: {  	[hbm4b:s14+s2] =	stream.linear.scatter [tilespmem:s2], [sflag:$0x1], $0x4000, $0x38;
	[tilespmem:$0x4000] =	vst v63  }
0x2d: {  	_ = 	snop  }
0x2e: {  	[hbm4b:s15+s2] =	stream.linear.scatter [tilespmem:s2], [sflag:$0x1], $0x4000, $0x38;
	[tilespmem:$0x4000] =	vst v63  }
0x2f: {  	_ = 	snop  }
0x30: {  	[hbm4b:s16+s2] =	stream.linear.scatter [tilespmem:s2], [sflag:$0x1], $0x4000, $0x38;
	[tilespmem:$0x4000] =	vst v63  }
0x31: {  	_ = 	snop  }
0x32: {  	[hbm4b:s17+s2] =	stream.linear.scatter [tilespmem:s2], [sflag:$0x1], $0x4000, $0x38;
	[tilespmem:$0x4000] =	vst v63  }
0x33: {  	_ = 	snop  }
0x34: {  	[hbm4b:s18+s2] =	stream.linear.scatter [tilespmem:s2], [sflag:$0x1], $0x4000, $0x38;
	[tilespmem:$0x4000] =	vst v63  }
0x35: {  	_ = 	snop  }
0x36: {  	[hbm4b:s19+s2] =	stream.linear.scatter [tilespmem:s2], [sflag:$0x1], $0x4000, $0x38;
	[tilespmem:$0x4000] =	vst v63  }
0x37: {  	_ = 	snop  }
0x38: {  	[hbm4b:s20+s2] =	stream.linear.scatter [tilespmem:s2], [sflag:$0x1], $0x4000, $0x38;
	[tilespmem:$0x4000] =	vst v63  }
0x39: {  	_ = 	snop  }
0x3a: {  	[hbm4b:s21+s2] =	stream.linear.scatter [tilespmem:s2], [sflag:$0x1], $0x4000, $0x38;
	[tilespmem:$0x4000] =	vst v63  }
0x3b: {  	_ = 	snop  }
0x3c: {  	[hbm4b:s22+s2] =	stream.linear.scatter [tilespmem:s2], [sflag:$0x1], $0x4000, $0x38;
	[tilespmem:$0x4000] =	vst v63  }
0x3d: {  	_ = 	snop  }
0x3e: {  	[hbm4b:s23+s2] =	stream.linear.scatter [tilespmem:s2], [sflag:$0x1], $0x4000, $0x38;
	[tilespmem:$0x4000] =	vst v63  }
0x3f: {  	_ = 	snop  }
0x40: {  	[hbm4b:s24+s2] =	stream.linear.scatter [tilespmem:s2], [sflag:$0x1], $0x4000, $0x38;
	[tilespmem:$0x4000] =	vst v63  }
0x41: {  	_ = 	snop  }
0x42: {  	[hbm4b:s25+s2] =	stream.linear.scatter [tilespmem:s2], [sflag:$0x1], $0x4000, $0x38;
	[tilespmem:$0x4000] =	vst v63  }
0x43: {  	_ = 	snop  }
0x44: {  	[hbm4b:s26+s2] =	stream.linear.scatter [tilespmem:s2], [sflag:$0x1], $0x4000, $0x38;
	[tilespmem:$0x4000] =	vst v63  }
0x45: {  	_ =	swait.ge [sflag:s29], $0x4000  }
0x46: {  	[sflag:s29] =	ssyncset.done $0x0  }
0x47: {  	[sflag:s29] =	ssyncadd.s32 $0xFFFFC000  }
0x48: {  	_ =	swait.ge [sflag:s29], $0x4000  }
0x49: {  	[sflag:s29] =	ssyncset.done $0x0  }
0x4a: {  	[sflag:s29] =	ssyncadd.s32 $0xFFFFC000  }
0x4b: {  	_ =	swait.ge [sflag:s29], $0x4000  }
0x4c: {  	[sflag:s29] =	ssyncset.done $0x0  }
0x4d: {  	[sflag:s29] =	ssyncadd.s32 $0xFFFFC000  }
0x4e: {  	_ =	swait.ge [sflag:s29], $0x4000  }
0x4f: {  	[sflag:s29] =	ssyncset.done $0x0  }
0x50: {  	[sflag:s29] =	ssyncadd.s32 $0xFFFFC000  }
0x51: {  	_ =	swait.ge [sflag:s29], $0x4000  }
0x52: {  	[sflag:s29] =	ssyncset.done $0x0  }
0x53: {  	[sflag:s29] =	ssyncadd.s32 $0xFFFFC000  }
0x54: {  	_ =	swait.ge [sflag:s29], $0x4000  }
0x55: {  	[sflag:s29] =	ssyncset.done $0x0  }
0x56: {  	[sflag:s29] =	ssyncadd.s32 $0xFFFFC000  }
0x57: {  	_ =	swait.ge [sflag:s29], $0x4000  }
0x58: {  	[sflag:s29] =	ssyncset.done $0x0  }
0x59: {  	[sflag:s29] =	ssyncadd.s32 $0xFFFFC000  }
0x5a: {  	_ =	swait.ge [sflag:s29], $0x4000  }
0x5b: {  	[sflag:s29] =	ssyncset.done $0x0  }
0x5c: {  	[sflag:s29] =	ssyncadd.s32 $0xFFFFC000  }
0x5d: {  	_ =	swait.ge [sflag:s29], $0x4000  }
0x5e: {  	[sflag:s29] =	ssyncset.done $0x0  }
0x5f: {  	[sflag:s29] =	ssyncadd.s32 $0xFFFFC000  }
0x60: {  	_ =	swait.ge [sflag:s29], $0x4000  }
0x61: {  	[sflag:s29] =	ssyncset.done $0x0  }
0x62: {  	[sflag:s29] =	ssyncadd.s32 $0xFFFFC000  }
0x63: {  	_ =	swait.ge [sflag:s29], $0x4000  }
0x64: {  	[sflag:s29] =	ssyncset.done $0x0  }
0x65: {  	[sflag:s29] =	ssyncadd.s32 $0xFFFFC000  }
0x66: {  	_ =	swait.ge [sflag:s29], $0x4000  }
0x67: {  	[sflag:s29] =	ssyncset.done $0x0  }
0x68: {  	[sflag:s29] =	ssyncadd.s32 $0xFFFFC000  }
0x69: {  	_ =	swait.ge [sflag:s29], $0x4000  }
0x6a: {  	[sflag:s29] =	ssyncset.done $0x0  }
0x6b: {  	[sflag:s29] =	ssyncadd.s32 $0xFFFFC000  }
0x6c: {  	_ =	swait.ge [sflag:s29], $0x4000  }
0x6d: {  	[sflag:s29] =	ssyncset.done $0x0  }
0x6e: {  	[sflag:s29] =	ssyncadd.s32 $0xFFFFC000  }
0x6f: {  	_ =	swait.ge [sflag:s29], $0x4000  }
0x70: {  	[sflag:s29] =	ssyncset.done $0x0  }
0x71: {  	[sflag:s29] =	ssyncadd.s32 $0xFFFFC000  }
0x72: {  	_ =	swait.ge [sflag:s29], $0x4000  }
0x73: {  	[sflag:s29] =	ssyncset.done $0x0  }
0x74: {  	[sflag:s29] =	ssyncadd.s32 $0xFFFFC000  }
0x75: {  	_ =	swait.ge [sflag:s29], $0x4000  }
0x76: {  	[sflag:s29] =	ssyncset.done $0x0  }
0x77: {  	[sflag:s29] =	ssyncadd.s32 $0xFFFFC000  }
0x78: {  	_ =	swait.ge [sflag:s29], $0x4000  }
0x79: {  	[sflag:s29] =	ssyncset.done $0x0  }
0x7a: {  	[sflag:s29] =	ssyncadd.s32 $0xFFFFC000  }
0x7b: {  	_ =	swait.ge [sflag:s29], $0x4000  }
0x7c: {  	[sflag:s29] =	ssyncset.done $0x0  }
0x7d: {  	[sflag:s29] =	ssyncadd.s32 $0xFFFFC000  }
0x7e: {  	_ =	swait.ge [sflag:s29], $0x4000  }
0x7f: {  	[sflag:s29] =	ssyncset.done $0x0  }
0x80: {  	[sflag:s29] =	ssyncadd.s32 $0xFFFFC000  }
0x81: {  	_ =	swait.ge [sflag:s29], $0x4000  }
0x82: {  	[sflag:s29] =	ssyncset.done $0x0  }
0x83: {  	[sflag:s29] =	ssyncadd.s32 $0xFFFFC000  }
0x84: {  	_ =	swait.ge [sflag:s29], $0x4000  }
0x85: {  	[sflag:s29] =	ssyncset.done $0x0  }
0x86: {  	s30 =	sadd.s32 $0x1, s30;
	[sflag:s29] =	ssyncadd.s32 $0xFFFFC000  }
0x87: {  	p0 =	sne.s32 s30, s28;
	_ =	swait.ge [sflag:s29], $0x4000  }
.Ltmp1:
0x88: {  	[sflag:s29] =	ssyncset.done $0x0;
	(pc) =	sbr.rel @p0 .LBB2_1-.Ltmp1, $4  }
0x89: {  	[sflag:s29] =	ssyncadd.s32 $0xFFFFC000  }
0x8a: {  	_ =	swait.ge [sflag:s29], $0x4000  }
0x8b: {  	[sflag:s29] =	ssyncset.done $0x0  }
0x8c: {  	[sflag:s29] =	ssyncadd.s32 $0xFFFFC000  }
0x8d: {  	_ =	sfence.sel $0x180000  }
0x8e: {  	[bflag:$0x0] =	sbarrier.arrive $0xFFFF  }
0x8f: {  	_ =	strace $0x90000047  }
0x90: {  	[bflag:$0x2] =	sbarrier.arrive $0xFFFF  }
0x91: {  	p0 =	sne.s32 s0, $0x0;
	s0 =	rddreg [dreg:$0x1]  }
0x92: {  	s0 =	sadd.s32 @!p0 $0x100000, s0  }
0x93: {  	[sflag:s0] =	ssyncadd.tile.s32 @!p0 $0x1;
	_ =	shalt  }
.Lfunc_end2:
_tile_overlayer_lowered:
.L_overlay_start_2:
0x94: {  	(tag) =	ssettag $0x2  }
0x95: {  	s0 =	rddreg [dreg:$0x0];
	s2 =	stileid.u32  }
0x96: {  	s1 =	rddreg [dreg:$0x1];
	p0 =	sne.s32 s2, $0x0  }
0x97: {  	s3 =	rddreg [dreg:$0x2];
	[bflag:$0x3] =	sbarrier.arrive $0xFFFF;
	s2 =	simm.s32 @!p0 $0x1C02  }
0x98: {  	[timem:s3], [sflag:s2] =	dma.local @!p0 [hbm:s0], s1  }
0x99: {  	s0 =	simm.s32 @!p0 $0x2  }
0x9a: {  	_ =	swait.ge @!p0 [sflag:s0], s1  }
0x9b: {  	s1 =	ssub.s32 @!p0 $0x0, s1;
	[sflag:s0] =	ssyncset.done @!p0 $0x0  }
0x9c: {  	[sflag:s0] =	ssyncadd.s32 @!p0 s1  }
0x9d: {  	[bflag:$0x3] =	sbarrier.arrive $0xFFFF  }
0x9e: {  	_ =	shalt  }

// kernel: kernel.8.cloned.1.call-start
scs
__scs_entry_jumppad:
0x0: {  	(pc) =	sbr.rel $0x88, $3  }
0x1: {  	(tag) =	ssettag $0x0;
	lr =	simm.s32 $0x1  }
0x2: {  	[smem:$0x3FA0] =	sst lr;
	_ =	strace $0xD0000000  }
0x3: {  	_ = 	snop  }
0x4: {  	_ = 	snop  }
0x5: {  	_ = 	snop  }
0x6: {  	_ = 	snop  }
0x7: {  	_ = 	snop  }
__scs_overlays_trampoline_lowered:
0x8: {  	[smem:$0x3FAF] =	sst s0  }
0x9: {  	[smem:$0x3FB0] =	sst s1  }
0xa: {  	[smem:$0x3FB1] =	sst s2  }
0xb: {  	[smem:$0x3FB2] =	sst s3  }
0xc: {  	[smem:$0x3FB3] =	sst s4  }
0xd: {  	[smem:$0x3FB4] =	sst s5  }
0xe: {  	[smem:$0x3FB5] =	sst s6  }
0xf: {  	[smem:$0x3FB6] =	sst s7  }
0x10: {  	[smem:$0x3FB7] =	sst s8  }
0x11: {  	[smem:$0x3FB8] =	sst s9;
	s0 =	simm.s32 @!p0 $0x0  }
0x12: {  	s1 =	sld [smem:$0x3F9E];
	s0 =	simm.s32 @p0 $0x1  }
0x13: {  	[smem:$0x3FB9] =	sst s0;
	s0 =	simm.s32 @!p1 $0x0  }
0x14: {  	s2 =	sld [smem:$0x3F9D];
	s0 =	simm.s32 @p1 $0x1  }
0x15: {  	[smem:$0x3FBA] =	sst s0;
	s0 =	simm.s32 @!p2 $0x0  }
0x16: {  	s3 =	sld [smem:$0x3FDB];
	s0 =	simm.s32 @p2 $0x1  }
0x17: {  	s4 =	simm.s32 $0x1BF5;
	[smem:$0x3FBC] =	sst s0  }
0x18: {  	s0 =	sld [smem:$0x3F9F];
	_ =	swait.ge [sflag:s4], $0x0  }
0x19: {  	s7 =	sld [smem:$0x3FA0]  }
0x1a: {  	s8 =	sadd.s32 $0xFFFFE003, lr  }
0x1b: {  	s9 =	sadd.s32 $0xFFFFFEF7, lr;
	s5 =	simm.s32 $0xFFFFFFFF;
	p2 =	slt.u32 s8, $0xFFFFF086  }
0x1c: {  	p1 =	slt.u32 s9, $0xF7A;
	s5 =	simm.s32 @!p2 $0x0  }
0x1d: {  	s5 =	simm.s32 @p1 $0x1;
	p0 =	seq.s32 s7, s2  }
0x1e: {  	s7 =	smul.u32 @!p0 $0xF7A, s2;
	p2 =	seq.s32 @!p0 s5, $0x0  }
0x1f: {  	s9 =	smul.u32 $0xF7A, s1;
	s8 =	simm.s32 @!p0 $0x1BF5;
	p2 =	por !p2, p0  }
0x20: {  	[sflag:s8] =	ssyncset.s32 @!p0 $0xFFFFF086;
	s6 =	sadd.s32 @!p0 s3, s7;
	s7 =	simm.s32 @!p0 $0x108  }
0x21: {  	s3 =	sadd.s32 s3, s9;
	s6 =	sadd.s32 @!p0 $0x88, s6;
	s7 =	simm.s32 @p2 $0x1082  }
0x22: {  	[simem:s7], [sflag:s8] =	dma.local @!p0 [hbm:s6], $0xF7A  }
0x23: {  	s9 =	sor.u32 $0xD0000000, s2;
	s6 =	simm.s32 $0x108;
	_ =	swait.ge @!p0 [sflag:s8], $0x0  }
0x24: {  	s3 =	sadd.s32 $0x88, s3;
	s6 =	simm.s32 @!p1 $0x1082;
	[sflag:s4] =	ssyncset.s32 $0xFFFFF086  }
0x25: {  	[simem:s6], [sflag:s4] =	dma.local [hbm:s3], $0xF7A  }
0x26: {  	[smem:$0x3FA0] =	sst s1;
	(tag) =	ssettag s2;
	_ =	strace s9  }
0x27: {  	s1 =	sld [smem:$0x3FB0]  }
0x28: {  	s2 =	sld [smem:$0x3FB1]  }
0x29: {  	s4 =	sld [smem:$0x3FB3]  }
0x2a: {  	p0 =	seq.s32 s5, $0x0;
	s5 =	sld [smem:$0x3FB4]  }
0x2b: {  	s6 =	sld [smem:$0x3FB5]  }
0x2c: {  	s7 =	sld [smem:$0x3FB6]  }
0x2d: {  	s3 =	simm.s32 $0x108;
	s8 =	sld [smem:$0x3FB7]  }
0x2e: {  	s3 =	simm.s32 @!p0 $0x1082;
	s9 =	sld [smem:$0x3FB8]  }
0x2f: {  	lr =	sadd.s32 s0, s3;
	s0 =	sld [smem:$0x3FAF]  }
0x30: {  	s3 =	sld [smem:$0x3FB2]  }
0x31: {  	[smem:$0x3FBB] =	sst s10  }
0x32: {  	s10 =	sld [smem:$0x3FB9];
	_ =	sdelay $0x3  }
0x33: {  	p0 =	seq.s32 s10, $0x1;
	s10 =	sld [smem:$0x3FBB];
	_ =	sdelay $0x3  }
0x34: {  	[smem:$0x3FBB] =	sst s10  }
0x35: {  	s10 =	sld [smem:$0x3FBA];
	_ =	sdelay $0x3  }
0x36: {  	p1 =	seq.s32 s10, $0x1;
	s10 =	sld [smem:$0x3FBB];
	_ =	sdelay $0x3  }
0x37: {  	[smem:$0x3FBB] =	sst s10  }
0x38: {  	s10 =	sld [smem:$0x3FBC]  }
0x39: {  	_ = 	snop;
	(pc) =	sbr.ind lr, $3  }
0x3a: {  	_ = 	snop  }
0x3b: {  	_ = 	snop  }
0x3c: {  	p2 =	seq.s32 s10, $0x1;
	s10 =	sld [smem:$0x3FBB]  }
0x3d: {  	_ =	shalt  }
0x3e: {  	_ =	shalt  }
0x3f: {  	_ =	shalt  }
0x40: {  	_ =	shalt  }
0x41: {  	_ =	shalt  }
0x42: {  	_ =	shalt  }
0x43: {  	_ =	shalt  }
0x44: {  	_ =	shalt  }
0x45: {  	_ =	shalt  }
0x46: {  	_ =	shalt  }
0x47: {  	_ =	shalt  }
0x48: {  	_ =	shalt  }
0x49: {  	_ =	shalt  }
0x4a: {  	_ =	shalt  }
0x4b: {  	_ =	shalt  }
0x4c: {  	_ =	shalt  }
0x4d: {  	_ =	shalt  }
0x4e: {  	_ =	shalt  }
0x4f: {  	_ =	shalt  }
0x50: {  	_ =	shalt  }
0x51: {  	_ =	shalt  }
0x52: {  	_ =	shalt  }
0x53: {  	_ =	shalt  }
0x54: {  	_ =	shalt  }
0x55: {  	_ =	shalt  }
0x56: {  	_ =	shalt  }
0x57: {  	_ =	shalt  }
0x58: {  	_ =	shalt  }
0x59: {  	_ =	shalt  }
0x5a: {  	_ =	shalt  }
0x5b: {  	_ =	shalt  }
0x5c: {  	_ =	shalt  }
0x5d: {  	_ =	shalt  }
0x5e: {  	_ =	shalt  }
0x5f: {  	_ =	shalt  }
0x60: {  	_ =	shalt  }
0x61: {  	_ =	shalt  }
0x62: {  	_ =	shalt  }
0x63: {  	_ =	shalt  }
0x64: {  	_ =	shalt  }
0x65: {  	_ =	shalt  }
0x66: {  	_ =	shalt  }
0x67: {  	_ =	shalt  }
0x68: {  	_ =	shalt  }
0x69: {  	_ =	shalt  }
0x6a: {  	_ =	shalt  }
0x6b: {  	_ =	shalt  }
0x6c: {  	_ =	shalt  }
0x6d: {  	_ =	shalt  }
0x6e: {  	_ =	shalt  }
0x6f: {  	_ =	shalt  }
0x70: {  	_ =	shalt  }
0x71: {  	_ =	shalt  }
0x72: {  	_ =	shalt  }
0x73: {  	_ =	shalt  }
0x74: {  	_ =	shalt  }
0x75: {  	_ =	shalt  }
0x76: {  	_ =	shalt  }
0x77: {  	_ =	shalt  }
0x78: {  	_ =	shalt  }
0x79: {  	_ =	shalt  }
0x7a: {  	_ =	shalt  }
0x7b: {  	_ =	shalt  }
0x7c: {  	_ =	shalt  }
0x7d: {  	_ =	shalt  }
0x7e: {  	_ =	shalt  }
0x7f: {  	_ =	shalt  }
0x80: {  	_ =	shalt  }
0x81: {  	_ =	shalt  }
0x82: {  	_ =	shalt  }
0x83: {  	_ =	shalt  }
0x84: {  	_ =	shalt  }
0x85: {  	_ =	shalt  }
0x86: {  	_ =	shalt  }
0x87: {  	_ =	shalt  }
.Lfunc_end0:
.L_simem_size_0:
called_computation.2_lowered:
.L_overlay_start_0:
0x88: {  	s2 =	sld [smem:$0x3FD9]  }
0x89: {  	s3 =	sld [smem:$0x3FFE];
	_ =	sdelay $0x1  }
0x8a: {  	s1 =	srdreg.scid  }
0x8b: {  	s0 =	sand.u32 $0x1, s1  }
0x8c: {  	s14 =	sshll.u32 s0, $0xA;
	s2 =	sadd.s32 s3, s2  }
0x8d: {  	s2 =	sadd.s32 s2, s14  }
0x8e: {  	[smem:$0x3FC7] =	sst s2  }
0x8f: {  	_ = 	snop  }
0x90: {  	s2 =	sld [smem:$0x3FD0];
	_ =	sdelay $0x2  }
0x91: {  	s15 =	simm.s32 $0xA;
	s4 =	simm.s32 $0x10  }
0x92: {  	[smem:s4], [sflag:s15] =	dma.local [hbm:s2], $0x1  }
0x93: {  	_ =	swait.eq [sflag:s15], $0x1  }
0x94: {  	[sflag:s15] =	ssyncset.done $0x0  }
0x95: {  	[sflag:s15] =	ssyncadd.s32 $0xFFFFFFFF  }
0x96: {  	s16 =	sld [smem:$0x12];
	(tm) =	ssettm $0x1  }
0x97: {  	s17 =	sld [smem:$0x3FFB];
	_ =	sdelay $0x3  }
0x98: {  	_ =	strace s17  }
0x99: {  	s3 =	sld [smem:$0x3FFC];
	_ =	sdelay $0x3  }
0x9a: {  	_ =	strace s3  }
0x9b: {  	s3 =	sld [smem:$0x3FFD];
	_ =	sdelay $0x3  }
0x9c: {  	_ =	strace s3  }
0x9d: {  	_ =	strace $0x8FFFFFFF  }
0x9e: {  	s18 =	sld [smem:$0x3FDB];
	_ =	sdelay $0x1  }
0x9f: {  	s19 =	simm.s32 $_scs_section_size  }
0xa0: {  	s5 =	simm.s32 $_size__tile_overlayer_lowered;
	s6 =	simm.s32 $_tile_overlayer_lowered  }
0xa1: {  	s22 =	simm.s32 $0x1BFF;
	s21 =	sshll.u32 s6, $0x1;
	s3 =	sadd.s32 s19, s18  }
0xa2: {  	s7 =	simm.s32 $0x0;
	s20 =	sshll.u32 s5, $0x1;
	s5 =	sadd.s32 s21, s3  }
0xa3: {  	[timem:s7], [sflag:s22] =	dma.local [hbm:s5], s20  }
0xa4: {  	_ =	swait.ge [sflag:s22], s20  }
0xa5: {  	s4 =	ssub.s32 $0x0, s20;
	[sflag:s22] =	ssyncset.done $0x0  }
0xa6: {  	[sflag:s22] =	ssyncadd.s32 s4;
	_ =	sdelay $0x1  }
0xa7: {  	s23 =	simm.s32 $0x1B8B  }
0xa8: {  	_ =	swait.ge [sflag:s23], $0x1  }
0xa9: {  	[sflag:s23] =	ssyncset.done $0x0  }
0xaa: {  	s25 =	simm.s32 $0x1B8E;
	s24 =	sld [smem:$0x3FFE];
	[sflag:s23] =	ssyncadd.s32 $0xFFFFFFFF  }
0xab: {  	s26 =	simm.s32 $execute0_lowered;
	[smem:$0x3FD2] =	sst s25  }
0xac: {  	s5 =	sshll.u32 s26, $0x1;
	_ =	strace $0x80000049;
	[dreg:$0x1] =	wrdreg $0xFFFFFFFF  }
0xad: {  	s28 =	simm.s32 $_size_execute0_lowered;
	s3 =	sadd.s32 s3, s5;
	[dreg:$0x0] =	wrdreg $0x0  }
0xae: {  	s5 =	sshll.u32 s28, $0x1;
	[dreg:$0x2] =	wrdreg s3  }
0xaf: {  	[dreg:$0x3] =	wrdreg s5  }
0xb0: {  	[dreg:$0x4] =	wrdreg $0xC0  }
0xb1: {  	_ =	task [dreg:s7], $0x5FFFF  }
0xb2: {  	[dreg:$0x1] =	wrdreg $0xFFFFFFFF  }
0xb3: {  	[dreg:$0x0] =	wrdreg $0x60  }
0xb4: {  	[dreg:$0x2] =	wrdreg s16  }
0xb5: {  	[dreg:$0x3] =	wrdreg s24  }
0xb6: {  	[dreg:$0x4] =	wrdreg $0x9  }
0xb7: {  	_ =	task.clear_ibuf [dreg:s7], $0x5FFFF;
	_ =	strace $0x90000049  }
0xb8: {  	s29 =	simm.s32 $0x9;
	_ =	strace $0x8000004B  }
0xb9: {  	_ =	swait.ge [sflag:s29], $0x1  }
0xba: {  	[sflag:s29] =	ssyncadd.s32 $0xFFFFFFFF  }
0xbb: {  	_ =	strace $0x9000004B  }
0xbc: {  	_ =	sfence  }
0xbd: {  	s30 =	sld [smem:$0x0];
	_ =	sdelay $0x2  }
0xbe: {  	s31 =	sshll.u32 s1, $0xD;
	s1 =	sshrl.u32 s1, $0x2  }
0xbf: {  	s3 =	sand.u32 $0x4000, s31;
	s1 =	sadd.s32 s1, s30  }
0xc0: {  	s0 =	sor.u32 s3, s0;
	s1 =	sshll.u32 s1, $0x11  }
0xc1: {  	s0 =	sor.u32 s1, s0  }
0xc2: {  	s0 =	sadd.s32 $0x8F2B, s0  }
0xc3: {  	[sflag:s0] =	ssyncadd.remote.s32 $0x1  }
0xc4: {  	_ =	sfence.sel $0xFFFF  }
0xc5: {  	[dreg:$0x0] =	wrdreg $0xFFFFFFFF;
	(pc) =	sbr.abs _section_cstart, $3  }
0xc6: {  	[dreg:$0x1] =	wrdreg $0xFFFFFFFF  }
0xc7: {  	_ =	task.clear_ibuf [dreg:s7], $0x2FFFF;
	_ =	strace $0x9FFFFFFF  }
0xc8: {  	(tm) =	ssettm $0x7FFFFFFF  }
0xc9: {  	_ =	shalt  }
tec
execute0_lowered:
.L_overlay_start_1:
0x0: {  	(tag) =	ssettag $0x1  }
0x1: {  	v0 =	vlaneseq.u32  }
0x2: {  	v2 =	vor.u32 $0x20, v0;
	v3 =	vor.u32 $0x30, v0  }
0x3: {  	v4 =	vor.u32 $0x40, v0;
	v5 =	vor.u32 $0x50, v0;
	v6 =	vor.u32 $0x60, v0  }
0x4: {  	v7 =	vor.u32 $0x70, v0;
	v8 =	vor.u32 $0x80, v0;
	v9 =	vor.u32 $0x90, v0  }
0x5: {  	v10 =	vor.u32 $0xA0, v0;
	v11 =	vor.u32 $0xB0, v0;
	v12 =	vor.u32 $0xC0, v0  }
0x6: {  	v13 =	vor.u32 $0xD0, v0;
	v14 =	vor.u32 $0xE0, v0;
	v15 =	vor.u32 $0xF0, v0  }
0x7: {  	v16 =	vor.u32 $0x100, v0;
	v17 =	vor.u32 $0x110, v0;
	v18 =	vor.u32 $0x120, v0  }
0x8: {  	v19 =	vor.u32 $0x130, v0;
	v20 =	vor.u32 $0x140, v0;
	v21 =	vor.u32 $0x150, v0  }
0x9: {  	v22 =	vor.u32 $0x160, v0;
	v23 =	vor.u32 $0x170, v0;
	v24 =	vor.u32 $0x180, v0  }
0xa: {  	v25 =	vor.u32 $0x190, v0;
	v26 =	vor.u32 $0x1A0, v0;
	v27 =	vor.u32 $0x1B0, v0  }
0xb: {  	v28 =	vor.u32 $0x1C0, v0;
	v29 =	vor.u32 $0x1D0, v0;
	v30 =	vor.u32 $0x1E0, v0  }
0xc: {  	v31 =	vor.u32 $0x1F0, v0;
	v32 =	vor.u32 $0x200, v0;
	v33 =	vor.u32 $0x210, v0  }
0xd: {  	v34 =	vor.u32 $0x220, v0;
	v35 =	vor.u32 $0x230, v0;
	v36 =	vor.u32 $0x240, v0  }
0xe: {  	v37 =	vor.u32 $0x250, v0;
	v38 =	vor.u32 $0x260, v0;
	v39 =	vor.u32 $0x270, v0  }
0xf: {  	v40 =	vor.u32 $0x280, v0;
	v41 =	vor.u32 $0x290, v0;
	v42 =	vor.u32 $0x2A0, v0  }
0x10: {  	v43 =	vor.u32 $0x2B0, v0;
	v44 =	vor.u32 $0x2C0, v0;
	v45 =	vor.u32 $0x2D0, v0  }
0x11: {  	s1 =	srdreg.scid;
	s0 =	stileid.u32;
	v46 =	vor.u32 $0x2E0, v0;
	v47 =	vor.u32 $0x2F0, v0;
	v48 =	vor.u32 $0x300, v0  }
0x12: {  	s3 =	sand.u32 $0x1, s1;
	s30 =	sshll.u32 s0, $0x1;
	v49 =	vor.u32 $0x310, v0;
	v50 =	vor.u32 $0x320, v0;
	v51 =	vor.u32 $0x330, v0  }
0x13: {  	v52 =	vor.u32 $0x340, v0;
	v53 =	vor.u32 $0x350, v0;
	v54 =	vor.u32 $0x360, v0;
	s4 =	sor.u32 s3, s30  }
0x14: {  	v55 =	vor.u32 $0x370, v0;
	v56 =	vor.u32 $0x380, v0;
	v57 =	vor.u32 $0x390, v0;
	s13 =	smul.u32 $0x60000, s4  }
0x15: {  	v58 =	vor.u32 $0x3A0, v0;
	v59 =	vor.u32 $0x3B0, v0;
	v60 =	vor.u32 $0x3C0, v0  }
0x16: {  	v61 =	vor.u32 $0x3D0, v0;
	v62 =	vor.u32 $0x3E0, v0;
	v1 =	vor.u32 s13, v0  }
0x17: {  	v8 =	vor.u32 s13, v8;
	v9 =	vor.u32 s13, v9;
	v10 =	vor.u32 s13, v10  }
0x18: {  	v11 =	vor.u32 s13, v11;
	v12 =	vor.u32 s13, v12;
	v13 =	vor.u32 s13, v13  }
0x19: {  	v14 =	vor.u32 s13, v14;
	v15 =	vor.u32 s13, v15;
	v16 =	vor.u32 s13, v16  }
0x1a: {  	v17 =	vor.u32 s13, v17;
	v18 =	vor.u32 s13, v18;
	v19 =	vor.u32 s13, v19  }
0x1b: {  	v20 =	vor.u32 s13, v20;
	v21 =	vor.u32 s13, v21;
	v22 =	vor.u32 s13, v22  }
0x1c: {  	v23 =	vor.u32 s13, v23;
	v24 =	vor.u32 s13, v24;
	v25 =	vor.u32 s13, v25  }
0x1d: {  	v26 =	vor.u32 s13, v26;
	v27 =	vor.u32 s13, v27;
	v28 =	vor.u32 s13, v28  }
0x1e: {  	v29 =	vor.u32 s13, v29;
	v30 =	vor.u32 s13, v30;
	v31 =	vor.u32 s13, v31  }
0x1f: {  	v32 =	vor.u32 s13, v32;
	v33 =	vor.u32 s13, v33;
	v34 =	vor.u32 s13, v34  }
0x20: {  	v35 =	vor.u32 s13, v35;
	v36 =	vor.u32 s13, v36;
	v37 =	vor.u32 s13, v37  }
0x21: {  	v38 =	vor.u32 s13, v38;
	v39 =	vor.u32 s13, v39;
	v40 =	vor.u32 s13, v40  }
0x22: {  	v41 =	vor.u32 s13, v41;
	v42 =	vor.u32 s13, v42;
	v43 =	vor.u32 s13, v43  }
0x23: {  	v44 =	vor.u32 s13, v44;
	v45 =	vor.u32 s13, v45;
	[tilespmem:$0x1FF80] =	vst v1;
	v1 =	vor.u32 $0x10, v0  }
0x24: {  	s5 =	rddreg [dreg:$0x0];
	v46 =	vor.u32 s13, v46;
	v47 =	vor.u32 s13, v47;
	v1 =	vor.u32 s13, v1  }
0x25: {  	s6 =	rddreg [dreg:$0x1];
	v48 =	vor.u32 s13, v48;
	v49 =	vor.u32 s13, v49;
	[tilespmem:$0x1FF90] =	vst v1;
	v1 =	vor.u32 s13, v2  }
0x26: {  	s2 =	simm.s32 $0x0;
	s9 =	simm.s32 $0x100;
	s10 =	simm.s32 $0x180;
	v50 =	vor.u32 s13, v50;
	v51 =	vor.u32 s13, v51;
	[tilespmem:$0x1FFA0] =	vst v1;
	v1 =	vor.u32 s13, v3  }
0x27: {  	s11 =	simm.s32 $0x200;
	s12 =	simm.s32 $0x280;
	s14 =	simm.s32 $0x380;
	v52 =	vor.u32 s13, v52;
	v53 =	vor.u32 s13, v53;
	[tilespmem:$0x1FFB0] =	vst v1;
	v1 =	vor.u32 s13, v4  }
0x28: {  	s15 =	simm.s32 $0x1;
	s1 =	rddreg [dreg:$0x2];
	s7 =	ssub.s32 $0x2, s3;
	v54 =	vor.u32 s13, v54;
	v55 =	vor.u32 s13, v55;
	[tilespmem:$0x1FFC0] =	vst v1;
	v1 =	vor.u32 s13, v5  }
0x29: {  	[smem:$0x7FF] =	sst s2;
	s3 =	sadd.s32 $0xE00, s6;
	s8 =	sshrl.u32 s7, $0x1;
	v56 =	vor.u32 s13, v56;
	v57 =	vor.u32 s13, v57;
	[tilespmem:$0x1FFD0] =	vst v1;
	v1 =	vor.u32 s13, v6  }
0x2a: {  	s6 =	simm.s32 $0x2;
	s4 =	sshll.u32 s4, $0x7;
	s31 =	ssub.s32 s7, s8;
	v58 =	vor.u32 s13, v58;
	v59 =	vor.u32 s13, v59;
	[tilespmem:$0x1FFE0] =	vst v1;
	v1 =	vor.u32 s13, v7  }
0x2b: {  	s4 =	sadd.s32 s5, s4;
	s7 =	simm.s32 $0x80;
	s8 =	simm.s32 $0x400;
	v60 =	vor.u32 s13, v60;
	v61 =	vor.u32 s13, v61;
	v0 =	vor.u32 $0x3F0, v0;
	[tilespmem:$0x1FFF0] =	vst v1  }
0x2c: {  	s5 =	smax.u32 s31, $0x1;
	v62 =	vor.u32 s13, v62;
	v63 =	vor.u32 s13, v0;
	v0 =	vimm.f32 $1.000000000e+00;
	s13 =	simm.s32 $0x300;
	_ =	strace $0x8000004A  }
.LBB2_1:
0x2d: {  	[tilespmem:s2], [sflag:$0x2] =	stream.linear.gather [hbm4b:s4+s2], $0x400, $0x38;
	[tilespmem:$0x480] =	vst v63  }
0x2e: {  	_ =	swait.ge [sflag:s6], $0x400  }
0x2f: {  	[sflag:s6] =	ssyncset.done $0x0  }
0x30: {  	[sflag:s6] =	ssyncadd.s32 $0xFFFFFC00  }
0x31: {  	v1 =	vld [tilespmem:$0x0]  }
0x32: {  	v7 =	vld [tilespmem:$0x1FF80];
	_ =	sdelay $0x3  }
0x33: {  	v1 =	vshll.u32 v1, $0xA  }
0x34: {  	v2 =	vld [tilespmem:$0x10];
	v1 =	vadd.s32 v1, v7  }
0x35: {  	[tilespmem:$0x0] =	vst v1;
	v1 =	vld [tilespmem:$0x1FF90];
	_ =	sdelay $0x3  }
0x36: {  	v2 =	vshll.u32 v2, $0xA  }
0x37: {  	v3 =	vld [tilespmem:$0x20];
	v1 =	vadd.s32 v2, v1  }
0x38: {  	[tilespmem:$0x10] =	vst v1;
	v1 =	vld [tilespmem:$0x1FFA0];
	_ =	sdelay $0x3  }
0x39: {  	v2 =	vshll.u32 v3, $0xA  }
0x3a: {  	v4 =	vld [tilespmem:$0x30];
	v1 =	vadd.s32 v2, v1  }
0x3b: {  	[tilespmem:$0x20] =	vst v1;
	v1 =	vld [tilespmem:$0x1FFB0];
	_ =	sdelay $0x3  }
0x3c: {  	v2 =	vshll.u32 v4, $0xA  }
0x3d: {  	v5 =	vld [tilespmem:$0x40];
	v1 =	vadd.s32 v2, v1  }
0x3e: {  	[tilespmem:$0x30] =	vst v1;
	v1 =	vld [tilespmem:$0x1FFC0];
	_ =	sdelay $0x3  }
0x3f: {  	v2 =	vshll.u32 v5, $0xA  }
0x40: {  	v6 =	vld [tilespmem:$0x50];
	v1 =	vadd.s32 v2, v1  }
0x41: {  	[tilespmem:$0x40] =	vst v1;
	v1 =	vld [tilespmem:$0x1FFD0];
	_ =	sdelay $0x3  }
0x42: {  	v2 =	vshll.u32 v6, $0xA  }
0x43: {  	v7 =	vld [tilespmem:$0x60];
	v1 =	vadd.s32 v2, v1  }
0x44: {  	[tilespmem:$0x50] =	vst v1;
	v1 =	vld [tilespmem:$0x1FFE0];
	_ =	sdelay $0x2  }
0x45: {  	[tilespmem:$0x400] =	vst v0  }
0x46: {  	[tilespmem:$0x410] =	vst v0;
	v3 =	vld [tilespmem:$0x70];
	v2 =	vshll.u32 v7, $0xA  }
0x47: {  	[tilespmem:$0x420] =	vst v0;
	v4 =	vld [tilespmem:$0x80];
	v1 =	vadd.s32 v2, v1  }
0x48: {  	[tilespmem:$0x60] =	vst v1;
	v1 =	vld [tilespmem:$0x1FFF0]  }
0x49: {  	[tilespmem:$0x430] =	vst v0;
	v5 =	vld [tilespmem:$0x90]  }
0x4a: {  	[tilespmem:$0x440] =	vst v0;
	v6 =	vld [tilespmem:$0xA0]  }
0x4b: {  	[tilespmem:$0x450] =	vst v0;
	v7 =	vld [tilespmem:$0xB0]  }
0x4c: {  	[tilespmem:$0x460] =	vst v0;
	v2 =	vshll.u32 v3, $0xA;
	v3 =	vld [tilespmem:$0xC0]  }
0x4d: {  	[tilespmem:$0x470] =	vst v0;
	v1 =	vadd.s32 v2, v1;
	v2 =	vshll.u32 v4, $0xA;
	v4 =	vld [tilespmem:$0xD0]  }
0x4e: {  	[tilespmem:$0x70] =	vst v1;
	v1 =	vadd.s32 v2, v8;
	v2 =	vshll.u32 v5, $0xA;
	v5 =	vld [tilespmem:$0xE0]  }
0x4f: {  	[tilespmem:$0x80] =	vst v1;
	v1 =	vadd.s32 v2, v9;
	v2 =	vshll.u32 v6, $0xA;
	v6 =	vld [tilespmem:$0xF0]  }
0x50: {  	[tilespmem:$0x90] =	vst v1;
	v1 =	vadd.s32 v2, v10;
	v2 =	vshll.u32 v7, $0xA;
	v7 =	vld [tilespmem:$0x100]  }
0x51: {  	[tilespmem:$0xA0] =	vst v1;
	v1 =	vadd.s32 v2, v11;
	v2 =	vshll.u32 v3, $0xA;
	v3 =	vld [tilespmem:$0x110]  }
0x52: {  	[tilespmem:$0xB0] =	vst v1;
	v1 =	vadd.s32 v2, v12;
	v2 =	vshll.u32 v4, $0xA;
	v4 =	vld [tilespmem:$0x120]  }
0x53: {  	[tilespmem:$0xC0] =	vst v1;
	v1 =	vadd.s32 v2, v13;
	v2 =	vshll.u32 v5, $0xA;
	v5 =	vld [tilespmem:$0x130]  }
0x54: {  	[tilespmem:$0xD0] =	vst v1;
	v1 =	vadd.s32 v2, v14;
	v2 =	vshll.u32 v6, $0xA;
	v6 =	vld [tilespmem:$0x140]  }
0x55: {  	[tilespmem:$0xE0] =	vst v1;
	v1 =	vadd.s32 v2, v15;
	v2 =	vshll.u32 v7, $0xA;
	v7 =	vld [tilespmem:$0x150]  }
0x56: {  	[tilespmem:$0xF0] =	vst v1;
	v1 =	vadd.s32 v2, v16;
	v2 =	vshll.u32 v3, $0xA;
	v3 =	vld [tilespmem:$0x160]  }
0x57: {  	[tilespmem:$0x100] =	vst v1;
	v1 =	vadd.s32 v2, v17;
	v2 =	vshll.u32 v4, $0xA;
	v4 =	vld [tilespmem:$0x170]  }
0x58: {  	[tilespmem:$0x110] =	vst v1;
	v1 =	vadd.s32 v2, v18;
	v2 =	vshll.u32 v5, $0xA;
	v5 =	vld [tilespmem:$0x180]  }
0x59: {  	[tilespmem:$0x120] =	vst v1;
	v1 =	vadd.s32 v2, v19;
	v2 =	vshll.u32 v6, $0xA;
	v6 =	vld [tilespmem:$0x190]  }
0x5a: {  	[tilespmem:$0x130] =	vst v1;
	v1 =	vadd.s32 v2, v20;
	v2 =	vshll.u32 v7, $0xA;
	v7 =	vld [tilespmem:$0x1A0]  }
0x5b: {  	[tilespmem:$0x140] =	vst v1;
	v1 =	vadd.s32 v2, v21;
	v2 =	vshll.u32 v3, $0xA;
	v3 =	vld [tilespmem:$0x1B0]  }
0x5c: {  	[tilespmem:$0x150] =	vst v1;
	v1 =	vadd.s32 v2, v22;
	v2 =	vshll.u32 v4, $0xA;
	v4 =	vld [tilespmem:$0x1C0]  }
0x5d: {  	[tilespmem:$0x160] =	vst v1;
	v1 =	vadd.s32 v2, v23;
	v2 =	vshll.u32 v5, $0xA;
	v5 =	vld [tilespmem:$0x1D0]  }
0x5e: {  	[tilespmem:$0x170] =	vst v1;
	v1 =	vadd.s32 v2, v24;
	v2 =	vshll.u32 v6, $0xA;
	v6 =	vld [tilespmem:$0x1E0]  }
0x5f: {  	[tilespmem:$0x180] =	vst v1;
	v1 =	vadd.s32 v2, v25;
	v2 =	vshll.u32 v7, $0xA;
	v7 =	vld [tilespmem:$0x1F0]  }
0x60: {  	[tilespmem:$0x190] =	vst v1;
	v1 =	vadd.s32 v2, v26;
	v2 =	vshll.u32 v3, $0xA;
	v3 =	vld [tilespmem:$0x200]  }
0x61: {  	[tilespmem:$0x1A0] =	vst v1;
	v1 =	vadd.s32 v2, v27;
	v2 =	vshll.u32 v4, $0xA;
	v4 =	vld [tilespmem:$0x210]  }
0x62: {  	[tilespmem:$0x1B0] =	vst v1;
	v1 =	vadd.s32 v2, v28;
	v2 =	vshll.u32 v5, $0xA;
	v5 =	vld [tilespmem:$0x220]  }
0x63: {  	[tilespmem:$0x1C0] =	vst v1;
	v1 =	vadd.s32 v2, v29;
	v2 =	vshll.u32 v6, $0xA;
	v6 =	vld [tilespmem:$0x230]  }
0x64: {  	[tilespmem:$0x1D0] =	vst v1;
	v1 =	vadd.s32 v2, v30;
	v2 =	vshll.u32 v7, $0xA;
	v7 =	vld [tilespmem:$0x240]  }
0x65: {  	[tilespmem:$0x1E0] =	vst v1;
	v1 =	vadd.s32 v2, v31;
	v2 =	vshll.u32 v3, $0xA;
	v3 =	vld [tilespmem:$0x250]  }
0x66: {  	[tilespmem:$0x1F0] =	vst v1;
	v1 =	vadd.s32 v2, v32;
	v2 =	vshll.u32 v4, $0xA;
	v4 =	vld [tilespmem:$0x260]  }
0x67: {  	[tilespmem:$0x200] =	vst v1;
	v1 =	vadd.s32 v2, v33;
	v2 =	vshll.u32 v5, $0xA;
	v5 =	vld [tilespmem:$0x270]  }
0x68: {  	[tilespmem:$0x210] =	vst v1;
	v1 =	vadd.s32 v2, v34;
	v2 =	vshll.u32 v6, $0xA;
	v6 =	vld [tilespmem:$0x280]  }
0x69: {  	[tilespmem:$0x220] =	vst v1;
	v1 =	vadd.s32 v2, v35;
	v2 =	vshll.u32 v7, $0xA;
	v7 =	vld [tilespmem:$0x290]  }
0x6a: {  	[tilespmem:$0x230] =	vst v1;
	v1 =	vadd.s32 v2, v36;
	v2 =	vshll.u32 v3, $0xA;
	v3 =	vld [tilespmem:$0x2A0]  }
0x6b: {  	[tilespmem:$0x240] =	vst v1;
	v1 =	vadd.s32 v2, v37;
	v2 =	vshll.u32 v4, $0xA;
	v4 =	vld [tilespmem:$0x2B0]  }
0x6c: {  	[tilespmem:$0x250] =	vst v1;
	v1 =	vadd.s32 v2, v38;
	v2 =	vshll.u32 v5, $0xA;
	v5 =	vld [tilespmem:$0x2C0]  }
0x6d: {  	[tilespmem:$0x260] =	vst v1;
	v1 =	vadd.s32 v2, v39;
	v2 =	vshll.u32 v6, $0xA;
	v6 =	vld [tilespmem:$0x2D0]  }
0x6e: {  	[tilespmem:$0x270] =	vst v1;
	v1 =	vadd.s32 v2, v40;
	v2 =	vshll.u32 v7, $0xA;
	v7 =	vld [tilespmem:$0x2E0]  }
0x6f: {  	[tilespmem:$0x280] =	vst v1;
	v1 =	vadd.s32 v2, v41;
	v2 =	vshll.u32 v3, $0xA;
	v3 =	vld [tilespmem:$0x2F0]  }
0x70: {  	[tilespmem:$0x290] =	vst v1;
	v1 =	vadd.s32 v2, v42;
	v2 =	vshll.u32 v4, $0xA;
	v4 =	vld [tilespmem:$0x300]  }
0x71: {  	[tilespmem:$0x2A0] =	vst v1;
	v1 =	vadd.s32 v2, v43;
	v2 =	vshll.u32 v5, $0xA;
	v5 =	vld [tilespmem:$0x310]  }
0x72: {  	[tilespmem:$0x2B0] =	vst v1;
	v1 =	vadd.s32 v2, v44;
	v2 =	vshll.u32 v6, $0xA;
	v6 =	vld [tilespmem:$0x320]  }
0x73: {  	[tilespmem:$0x2C0] =	vst v1;
	v1 =	vadd.s32 v2, v45;
	v2 =	vshll.u32 v7, $0xA;
	v7 =	vld [tilespmem:$0x330]  }
0x74: {  	[tilespmem:$0x2D0] =	vst v1;
	v1 =	vadd.s32 v2, v46;
	v2 =	vshll.u32 v3, $0xA;
	v3 =	vld [tilespmem:$0x340]  }
0x75: {  	[tilespmem:$0x2E0] =	vst v1;
	v1 =	vadd.s32 v2, v47;
	v2 =	vshll.u32 v4, $0xA;
	v4 =	vld [tilespmem:$0x350]  }
0x76: {  	[tilespmem:$0x2F0] =	vst v1;
	v1 =	vadd.s32 v2, v48;
	v2 =	vshll.u32 v5, $0xA;
	v5 =	vld [tilespmem:$0x360]  }
0x77: {  	[tilespmem:$0x300] =	vst v1;
	v1 =	vadd.s32 v2, v49;
	v2 =	vshll.u32 v6, $0xA;
	v6 =	vld [tilespmem:$0x370]  }
0x78: {  	[tilespmem:$0x310] =	vst v1;
	v1 =	vadd.s32 v2, v50;
	v2 =	vshll.u32 v7, $0xA;
	v7 =	vld [tilespmem:$0x380]  }
0x79: {  	[tilespmem:$0x320] =	vst v1;
	v1 =	vadd.s32 v2, v51;
	v2 =	vshll.u32 v3, $0xA;
	v3 =	vld [tilespmem:$0x390]  }
0x7a: {  	[tilespmem:$0x330] =	vst v1;
	v1 =	vadd.s32 v2, v52;
	v2 =	vshll.u32 v4, $0xA;
	v4 =	vld [tilespmem:$0x3A0]  }
0x7b: {  	[tilespmem:$0x340] =	vst v1;
	v1 =	vadd.s32 v2, v53;
	v2 =	vshll.u32 v5, $0xA;
	v5 =	vld [tilespmem:$0x3B0]  }
0x7c: {  	[tilespmem:$0x350] =	vst v1;
	v1 =	vadd.s32 v2, v54;
	v2 =	vshll.u32 v6, $0xA;
	v6 =	vld [tilespmem:$0x3C0]  }
0x7d: {  	[tilespmem:$0x360] =	vst v1;
	v1 =	vadd.s32 v2, v55;
	v2 =	vshll.u32 v7, $0xA;
	v7 =	vld [tilespmem:$0x3D0]  }
0x7e: {  	[tilespmem:$0x370] =	vst v1;
	v1 =	vadd.s32 v2, v56;
	v2 =	vshll.u32 v3, $0xA;
	v3 =	vld [tilespmem:$0x3E0]  }
0x7f: {  	[tilespmem:$0x380] =	vst v1;
	v1 =	vadd.s32 v2, v57;
	v2 =	vshll.u32 v4, $0xA;
	v4 =	vld [tilespmem:$0x3F0]  }
0x80: {  	[tilespmem:$0x390] =	vst v1;
	v1 =	vadd.s32 v2, v58;
	v2 =	vshll.u32 v5, $0xA  }
0x81: {  	[tilespmem:$0x3A0] =	vst v1;
	v1 =	vadd.s32 v2, v59;
	v2 =	vshll.u32 v6, $0xA  }
0x82: {  	[tilespmem:$0x3B0] =	vst v1;
	v1 =	vadd.s32 v2, v60;
	v2 =	vshll.u32 v7, $0xA  }
0x83: {  	[tilespmem:$0x3C0] =	vst v1;
	v1 =	vadd.s32 v2, v61;
	v2 =	vshll.u32 v3, $0xA  }
0x84: {  	[tilespmem:$0x3D0] =	vst v1;
	v1 =	vadd.s32 v2, v62;
	v2 =	vshll.u32 v4, $0xA  }
0x85: {  	[tilespmem:$0x3E0] =	vst v1;
	v1 =	vadd.s32 v2, v63  }
0x86: {  	[tilespmem:$0x3F0] =	vst v1  }
0x87: {  	[hbm4b:s3+s7] =	stream.indirect.scatter [tilespmem:s8], [sflag:$0x1], $0x1, s2, s7, $0xb8;
	[tilespmem:$0x480] =	vst v63  }
0x88: {  	_ = 	snop  }
0x89: {  	[hbm4b:s3+s7] =	stream.indirect.scatter [tilespmem:s8], [sflag:$0x1], $0x1, s7, s7, $0xb8;
	[tilespmem:$0x480] =	vst v63  }
0x8a: {  	_ = 	snop  }
0x8b: {  	[hbm4b:s3+s7] =	stream.indirect.scatter [tilespmem:s8], [sflag:$0x1], $0x1, s9, s7, $0xb8;
	[tilespmem:$0x480] =	vst v63  }
0x8c: {  	_ = 	snop  }
0x8d: {  	[hbm4b:s3+s7] =	stream.indirect.scatter [tilespmem:s8], [sflag:$0x1], $0x1, s10, s7, $0xb8;
	[tilespmem:$0x480] =	vst v63  }
0x8e: {  	_ = 	snop  }
0x8f: {  	[hbm4b:s3+s7] =	stream.indirect.scatter [tilespmem:s8], [sflag:$0x1], $0x1, s11, s7, $0xb8;
	[tilespmem:$0x480] =	vst v63  }
0x90: {  	_ = 	snop  }
0x91: {  	[hbm4b:s3+s7] =	stream.indirect.scatter [tilespmem:s8], [sflag:$0x1], $0x1, s12, s7, $0xb8;
	[tilespmem:$0x480] =	vst v63  }
0x92: {  	_ = 	snop  }
0x93: {  	[hbm4b:s3+s7] =	stream.indirect.scatter [tilespmem:s8], [sflag:$0x1], $0x1, s13, s7, $0xb8;
	[tilespmem:$0x480] =	vst v63  }
0x94: {  	_ = 	snop  }
0x95: {  	[hbm4b:s3+s7] =	stream.indirect.scatter [tilespmem:s8], [sflag:$0x1], $0x1, s14, s7, $0xb8;
	[tilespmem:$0x480] =	vst v63  }
0x96: {  	_ =	swait.ge [sflag:s15], $0x80  }
0x97: {  	[sflag:s15] =	ssyncset.done $0x0  }
0x98: {  	[sflag:s15] =	ssyncadd.s32 $0xFFFFFF80  }
0x99: {  	_ =	swait.ge [sflag:s15], $0x80  }
0x9a: {  	[sflag:s15] =	ssyncset.done $0x0  }
0x9b: {  	[sflag:s15] =	ssyncadd.s32 $0xFFFFFF80  }
0x9c: {  	_ =	swait.ge [sflag:s15], $0x80  }
0x9d: {  	[sflag:s15] =	ssyncset.done $0x0  }
0x9e: {  	[sflag:s15] =	ssyncadd.s32 $0xFFFFFF80  }
0x9f: {  	_ =	swait.ge [sflag:s15], $0x80  }
0xa0: {  	[sflag:s15] =	ssyncset.done $0x0  }
0xa1: {  	[sflag:s15] =	ssyncadd.s32 $0xFFFFFF80  }
0xa2: {  	_ =	swait.ge [sflag:s15], $0x80  }
0xa3: {  	[sflag:s15] =	ssyncset.done $0x0  }
0xa4: {  	[sflag:s15] =	ssyncadd.s32 $0xFFFFFF80  }
0xa5: {  	_ =	swait.ge [sflag:s15], $0x80  }
0xa6: {  	[sflag:s15] =	ssyncset.done $0x0  }
0xa7: {  	[sflag:s15] =	ssyncadd.s32 $0xFFFFFF80  }
0xa8: {  	p0 =	sne.s32 s5, $0x1;
	_ =	swait.ge [sflag:s15], $0x80  }
.Ltmp0:
0xa9: {  	[sflag:s15] =	ssyncset.done $0x0;
	(pc) =	sbr.rel @p0 .LBB2_1-.Ltmp0, $4  }
0xaa: {  	[sflag:s15] =	ssyncadd.s32 $0xFFFFFF80  }
0xab: {  	_ =	swait.ge [sflag:s15], $0x80  }
0xac: {  	[sflag:s15] =	ssyncset.done $0x0  }
0xad: {  	s5 =	sadd.s32 $0xFFFFFFFF, s5;
	[sflag:s15] =	ssyncadd.s32 $0xFFFFFF80  }
0xae: {  	_ =	sfence.sel $0x180000  }
0xaf: {  	[bflag:$0x0] =	sbarrier.arrive $0xFFFF  }
0xb0: {  	p0 =	sne.s32 s0, $0x0;
	_ =	strace $0x9000004A  }
0xb1: {  	s0 =	sadd.s32 @!p0 $0x100000, s1;
	[bflag:$0x2] =	sbarrier.arrive $0xFFFF  }
0xb2: {  	[sflag:s0] =	ssyncadd.tile.s32 @!p0 $0x1;
	_ =	shalt  }
.Lfunc_end2:
_tile_overlayer_lowered:
.L_overlay_start_2:
0xb3: {  	(tag) =	ssettag $0x2  }
0xb4: {  	s0 =	rddreg [dreg:$0x0];
	s2 =	stileid.u32  }
0xb5: {  	s1 =	rddreg [dreg:$0x1];
	p0 =	sne.s32 s2, $0x0  }
0xb6: {  	s3 =	rddreg [dreg:$0x2];
	[bflag:$0x3] =	sbarrier.arrive $0xFFFF;
	s2 =	simm.s32 @!p0 $0x1C02  }
0xb7: {  	[timem:s3], [sflag:s2] =	dma.local @!p0 [hbm:s0], s1  }
0xb8: {  	s0 =	simm.s32 @!p0 $0x2  }
0xb9: {  	_ =	swait.ge @!p0 [sflag:s0], s1  }
0xba: {  	s1 =	ssub.s32 @!p0 $0x0, s1;
	[sflag:s0] =	ssyncset.done @!p0 $0x0  }
0xbb: {  	[sflag:s0] =	ssyncadd.s32 @!p0 s1  }
0xbc: {  	[bflag:$0x3] =	sbarrier.arrive $0xFFFF  }
0xbd: {  	_ =	shalt  }

// kernel: sparse-core-data-format-call.cloned.1.call-start
scs
called_computation_lowered:
.L_overlay_start_0:
0x0: {  	s2 =	sld [smem:$0x3FD9]  }
0x1: {  	s3 =	sld [smem:$0x3FFE];
	_ =	sdelay $0x1  }
0x2: {  	s1 =	srdreg.scid  }
0x3: {  	s0 =	sand.u32 $0x1, s1  }
0x4: {  	s15 =	sshll.u32 s0, $0xA;
	s2 =	sadd.s32 s3, s2  }
0x5: {  	s2 =	sadd.s32 s2, s15  }
0x6: {  	[smem:$0x3FC7] =	sst s2  }
0x7: {  	_ = 	snop  }
0x8: {  	s2 =	sld [smem:$0x3FD0];
	_ =	sdelay $0x2  }
0x9: {  	s16 =	simm.s32 $0xA;
	s4 =	simm.s32 $0x10  }
0xa: {  	[smem:s4], [sflag:s16] =	dma.local [hbm:s2], $0x1  }
0xb: {  	_ =	swait.eq [sflag:s16], $0x1  }
0xc: {  	[sflag:s16] =	ssyncset.done $0x0  }
0xd: {  	[sflag:s16] =	ssyncadd.s32 $0xFFFFFFFF  }
0xe: {  	s17 =	sld [smem:$0x10];
	(tm) =	ssettm $0x1  }
0xf: {  	s18 =	sld [smem:$0x3FFB];
	_ =	sdelay $0x3  }
0x10: {  	_ =	strace s18  }
0x11: {  	s3 =	sld [smem:$0x3FFC];
	_ =	sdelay $0x3  }
0x12: {  	_ =	strace s3  }
0x13: {  	s3 =	sld [smem:$0x3FFD];
	_ =	sdelay $0x3  }
0x14: {  	_ =	strace s3  }
0x15: {  	_ =	strace $0x8FFFFFFF  }
0x16: {  	s19 =	sld [smem:$0x3FDB];
	_ =	sdelay $0x1  }
0x17: {  	s20 =	simm.s32 $_scs_section_size  }
0x18: {  	s5 =	simm.s32 $_size__tile_overlayer_lowered;
	s6 =	simm.s32 $_tile_overlayer_lowered  }
0x19: {  	s23 =	simm.s32 $0x1BFF;
	s22 =	sshll.u32 s6, $0x1;
	s3 =	sadd.s32 s20, s19  }
0x1a: {  	s7 =	simm.s32 $0x0;
	s21 =	sshll.u32 s5, $0x1;
	s5 =	sadd.s32 s22, s3  }
0x1b: {  	[timem:s7], [sflag:s23] =	dma.local [hbm:s5], s21  }
0x1c: {  	_ =	swait.ge [sflag:s23], s21  }
0x1d: {  	s4 =	ssub.s32 $0x0, s21;
	[sflag:s23] =	ssyncset.done $0x0  }
0x1e: {  	[sflag:s23] =	ssyncadd.s32 s4;
	_ =	sdelay $0x1  }
0x1f: {  	s24 =	simm.s32 $0x1B8B  }
0x20: {  	_ =	swait.ge [sflag:s24], $0x1  }
0x21: {  	[sflag:s24] =	ssyncset.done $0x0  }
0x22: {  	s26 =	simm.s32 $0x1B8E;
	s25 =	sld [smem:$0x3FFE];
	[sflag:s24] =	ssyncadd.s32 $0xFFFFFFFF  }
0x23: {  	s27 =	simm.s32 $execute0_lowered;
	[smem:$0x3FD2] =	sst s26  }
0x24: {  	s5 =	sshll.u32 s27, $0x1;
	_ =	strace $0x8000004C;
	[dreg:$0x1] =	wrdreg $0xFFFFFFFF  }
0x25: {  	s28 =	simm.s32 $_size_execute0_lowered;
	s3 =	sadd.s32 s3, s5;
	[dreg:$0x0] =	wrdreg $0x0  }
0x26: {  	s5 =	sshll.u32 s28, $0x1;
	[dreg:$0x2] =	wrdreg s3  }
0x27: {  	[dreg:$0x3] =	wrdreg s5  }
0x28: {  	[dreg:$0x4] =	wrdreg $0xC0  }
0x29: {  	_ =	task [dreg:s7], $0x5FFFF  }
0x2a: {  	[dreg:$0x1] =	wrdreg $0xFFFFFFFF  }
0x2b: {  	[dreg:$0x0] =	wrdreg $0x60  }
0x2c: {  	[dreg:$0x2] =	wrdreg s25  }
0x2d: {  	[dreg:$0x3] =	wrdreg s17  }
0x2e: {  	[dreg:$0x4] =	wrdreg $0x9  }
0x2f: {  	_ =	task.clear_ibuf [dreg:s7], $0x5FFFF;
	_ =	strace $0x9000004C  }
0x30: {  	s29 =	simm.s32 $0x9;
	_ =	strace $0x8000004E  }
0x31: {  	_ =	swait.ge [sflag:s29], $0x1  }
0x32: {  	[sflag:s29] =	ssyncadd.s32 $0xFFFFFFFF  }
0x33: {  	_ =	strace $0x9000004E  }
0x34: {  	_ =	sfence  }
0x35: {  	s30 =	sld [smem:$0x0];
	_ =	sdelay $0x2  }
0x36: {  	s31 =	sshll.u32 s1, $0xD;
	s1 =	sshrl.u32 s1, $0x2  }
0x37: {  	s3 =	sand.u32 $0x4000, s31;
	s1 =	sadd.s32 s1, s30  }
0x38: {  	s0 =	sor.u32 s3, s0;
	s1 =	sshll.u32 s1, $0x11  }
0x39: {  	s0 =	sor.u32 s1, s0  }
0x3a: {  	s0 =	sadd.s32 $0x8F2B, s0  }
0x3b: {  	[sflag:s0] =	ssyncadd.remote.s32 $0x1  }
0x3c: {  	_ =	sfence.sel $0xFFFF  }
0x3d: {  	[dreg:$0x0] =	wrdreg $0xFFFFFFFF;
	(pc) =	sbr.abs _section_cstart, $3  }
0x3e: {  	[dreg:$0x1] =	wrdreg $0xFFFFFFFF  }
0x3f: {  	_ =	task.clear_ibuf [dreg:s7], $0x2FFFF;
	_ =	strace $0x9FFFFFFF  }
0x40: {  	(tm) =	ssettm $0x7FFFFFFF  }
0x41: {  	_ =	shalt  }
tec
execute0_lowered:
.L_overlay_start_1:
0x0: {  	(tag) =	ssettag $0x1  }
0x1: {  	s1 =	rddreg [dreg:$0x0]  }
0x2: {  	s2 =	rddreg [dreg:$0x1]  }
0x3: {  	s0 =	rddreg [dreg:$0x2]  }
0x4: {  	s4 =	srdreg.scid;
	_ =	strace $0x8000004D;
	s6 =	simm.s32 $0x2  }
0x5: {  	s11 =	simm.s32 $0x0;
	p0 =	por $0x0, $0x0;
	s13 =	simm.s32 $0x0  }
.Ltmp0:
0x6: {  	s12 =	simm.s32 $0x0;
	s8 =	simm.s32 $0x0;
	(pc) =	sbr.rel .LBB1_1-.Ltmp0, $4  }
0x7: {  	s9 =	simm.s32 $0x0;
	s3 =	sadd.s32 $0x180E00, s1;
	s4 =	sshll.u32 s4, $0x4  }
0x8: {  	s1 =	stileid.u32;
	s5 =	sand.u32 $0x10, s4;
	s4 =	simm.s32 $0x1  }
0x9: {  	s7 =	simm.s32 $0x0;
	s5 =	sor.u32 s1, s5;
	[sflag:s4] =	ssyncpa.u1 $0x0  }
0xa: {  	[sflag:s6] =	ssyncpa.u1 $0x0;
	s6 =	simm.s32 $0xC00;
	s10 =	smov.u32 s5  }
.LBB1_5:
0xb: {  	s14 =	sadd.s32 $0x1, s8  }
0xc: {  	s11 =	sadd.s32 $0x80, s9;
	s15 =	smov.u32 s9;
	p2 =	sgt.s32 s14, $0x1F  }
0xd: {  	s15 =	smov.u32 @p2 s11  }
0xe: {  	s17 =	smov.u32 s10;
	s11 =	sadd.s32 $0x20, s10;
	p3 =	sgt.s32 s15, $0x17F  }
0xf: {  	p1 =	slt.u32 s7, $0x2;
	s17 =	smov.u32 @p3 s11  }
0x10: {  	s7 =	sadd.s32 $0x1, s7;
	s14 =	simm.s32 @p2 $0x0;
	p2 =	sgt.s32 s17, $0x1F  }
0x11: {  	s17 =	smov.u32 @p2 s5;
	p2 =	sne.s32 s7, $0x62  }
.Ltmp1:
0x12: {  	s16 =	simm.s32 @!p1 $0x2;
	(pc) =	sbr.rel @!p2 .LBB1_6-.Ltmp1, $4  }
0x13: {  	s13 =	smov.u32 s9;
	_ =	swait.ge @!p1 [sflag:s16], $0x1000  }
0x14: {  	s12 =	smov.u32 s10;
	p0 =	por !p0, !p0;
	[sflag:s16] =	ssyncset.done @!p1 $0x0  }
0x15: {  	s15 =	simm.s32 @p3 $0x0;
	s11 =	smov.u32 s8;
	[sflag:s16] =	ssyncadd.s32 @!p1 $0xFFFFF000  }
0x16: {  	s8 =	smov.u32 s14;
	s9 =	smov.u32 s15;
	s10 =	smov.u32 s17  }
.LBB1_1:
0x17: {  	p1 =	sgt.u32 s7, $0x5F  }
0x18: {  	s15 =	smul.u32 @!p1 $0x30000, s10  }
0x19: {  	s14 =	sxor.u32 @!p1 $0xFFFFFFFF, s7;
	s16 =	sshll.u32 @!p1 s9, $0x9  }
0x1a: {  	s17 =	sshll.u32 @!p1 s8, $0x4;
	s14 =	sshll.u32 @!p1 s14, $0xC;
	s15 =	sadd.s32 @!p1 s3, s15  }
0x1b: {  	s17 =	sand.u32 @!p1 $0x1F0, s17;
	s14 =	sand.u32 @!p1 $0x1000, s14;
	s15 =	sadd.s32 @!p1 s16, s15  }
0x1c: {  	s16 =	simm.s32 @!p1 $0x20;
	s15 =	sadd.s32 @!p1 s17, s15;
	s17 =	simm.s32 @!p1 $0x1000  }
0x1d: {  	[tilespmem:s14], [sflag:$0x1] =	stream.strided.gather @!p1 [hbm4b:s15+s16], $0x1000, s17, s16, $0x38;
	[tilespmem:$0x4040] =	vst v63  }
0x1e: {  	p1 =	seq.s32 s7, $0x0  }
0x1f: {  	p2 =	seq.s32 @!p1 s7, $0x61  }
0x20: {  	p1 =	por p1, p2  }
.Ltmp2:
0x21: {  	_ = 	snop;
	(pc) =	sbr.rel @p1 .LBB1_5-.Ltmp2, $1  }
0x22: {  	_ =	sdelay $0x3  }
0x23: {  	s14 =	simm.s32 $0x1  }
0x24: {  	_ =	swait.ge [sflag:s4], $0x1000;
	s14 =	simm.s32 @!p0 $0x0  }
0x25: {  	[sflag:s4] =	ssyncset.done $0x0;
	s15 =	sshll.u32 s14, $0xC  }
0x26: {  	[sflag:s4] =	ssyncadd.s32 $0xFFFFF000;
	s18 =	sor.u32 $0x10, s15  }
0x27: {  	s14 =	smul.u32 $0x4080, s14;
	v1 =	vld [tilespmem:s18+$0x0]  }
0x28: {  	s30 =	sand.u32 $0x1, s7;
	v0 =	vld [tilespmem:s18+$0xFFFFFFF0]  }
0x29: {  	s15 =	smul.u32 $0x4080, s30;
	s14 =	sshrl.u32 s14, $0x2  }
0x2a: {  	s16 =	sor.u32 $0x2000, s14  }
0x2b: {  	s31 =	sshrl.u32 s15, $0x2;
	s15 =	sadd.s32 $0x0, s16  }
0x2c: {  	s17 =	simm.s32 $0x4;
	s18 =	sadd.s32 $0x20, s18;
	s14 =	sor.u32 $0x2000, s31;
	[tilespmem:s15+$0x810 ss:$0x81] =	vst.msk $0xffff, v1  }
.LBB1_3:
0x2d: {  	v1 =	vld [tilespmem:s18+$0x0];
	p1 =	sne.s32 s17, $0x1FC;
	[tilespmem:s15+$0x0 ss:$0x81] =	vst.msk $0xffff, v0;
	s15 =	smov.u32 s17;
	s17 =	sadd.s32 $0x4, s17  }
.Ltmp3:
0x2e: {  	v0 =	vld [tilespmem:s18+$0xFFFFFFF0];
	(pc) =	sbr.rel @p1 .LBB1_3-.Ltmp3, $4  }
0x2f: {  	_ = 	snop  }
0x30: {  	s15 =	sshra.s32 s15, $0x2  }
0x31: {  	s15 =	sadd.s32 s15, s16  }
0x32: {  	s18 =	sadd.s32 $0x20, s18;
	[tilespmem:s15+$0x810 ss:$0x81] =	vst.msk $0xffff, v1  }
0x33: {  	s16 =	sshll.u32 s13, $0x3  }
0x34: {  	s30 =	sand.u32 $0x7F, s13;
	s16 =	sand.u32 $0xFFFFFC00, s16  }
0x35: {  	s13 =	sor.u32 s30, s16;
	s16 =	smulhi.u32 $0xAAAAAAAB, s16  }
0x36: {  	s17 =	smulhi.u32 $0xAAAAAAAB, s13  }
0x37: {  	s12 =	smul.u32 $0xC000, s12  }
0x38: {  	s11 =	smul.u32 $0x600, s11;
	s16 =	sshrl.u32 s16, $0x8;
	s17 =	sshrl.u32 s17, $0x8  }
0x39: {  	s16 =	sand.u32 $0x1F, s16;
	s17 =	smul.u32 $0x180, s17  }
0x3a: {  	s16 =	smul.u32 $0x30, s16  }
.Ltmp4:
0x3b: {  	s12 =	sadd.s32 s2, s12;
	s13 =	ssub.s32 s13, s17;
	(pc) =	sbr.rel .LBB1_5-.Ltmp4, $4  }
0x3c: {  	s11 =	sadd.s32 s11, s12;
	s31 =	sand.u32 $0x7, s13  }
0x3d: {  	s11 =	sadd.s32 s16, s11;
	s13 =	sshrl.u32 s13, $0x3;
	s12 =	sshll.u32 s31, $0x12  }
0x3e: {  	[tilespmem:s15+$0x0 ss:$0x81] =	vst.msk $0xffff, v0;
	s11 =	sadd.s32 s13, s11;
	s12 =	sor.u32 $0x400, s12  }
0x3f: {  	[hbm4b:s11+s12] =	stream.strided.scatter [tilespmem:s14], [sflag:$0x2], $0x1000, s6, s12, $0x20;
	[tilespmem:$0x4040] =	vst v63  }
.LBB1_6:
0x40: {  	_ =	sfence.sel $0x180000  }
0x41: {  	s2 =	simm.s32 $0x1;
	[bflag:$0x0] =	sbarrier.arrive $0xFFFF  }
0x42: {  	s31 =	simm.s32 $0x2;
	[sflag:s2] =	ssyncpa.u1 $0x1  }
0x43: {  	[sflag:s31] =	ssyncpa.u1 $0x1  }
0x44: {  	p0 =	sne.s32 s1, $0x0;
	_ =	strace $0x9000004D  }
0x45: {  	s0 =	sadd.s32 @!p0 $0x100000, s0;
	[bflag:$0x2] =	sbarrier.arrive $0xFFFF  }
0x46: {  	[sflag:s0] =	ssyncadd.tile.s32 @!p0 $0x1;
	_ =	shalt  }
.Lfunc_end1:
_tile_overlayer_lowered:
.L_overlay_start_2:
0x47: {  	(tag) =	ssettag $0x2  }
0x48: {  	s0 =	rddreg [dreg:$0x0];
	s2 =	stileid.u32  }
0x49: {  	s1 =	rddreg [dreg:$0x1];
	p0 =	sne.s32 s2, $0x0  }
0x4a: {  	s3 =	rddreg [dreg:$0x2];
	[bflag:$0x3] =	sbarrier.arrive $0xFFFF;
	s2 =	simm.s32 @!p0 $0x1C01  }
0x4b: {  	[timem:s3], [sflag:s2] =	dma.local @!p0 [hbm:s0], s1  }
0x4c: {  	s0 =	simm.s32 @!p0 $0x1  }
0x4d: {  	_ =	swait.ge @!p0 [sflag:s0], s1  }
0x4e: {  	s1 =	ssub.s32 @!p0 $0x0, s1;
	[sflag:s0] =	ssyncset.done @!p0 $0x0  }
0x4f: {  	[sflag:s0] =	ssyncadd.s32 @!p0 s1  }
0x50: {  	[bflag:$0x3] =	sbarrier.arrive $0xFFFF  }
0x51: {  	_ =	shalt  }

</sc_bundles>
